<compile_context>
chip_gen: v7x
topology: tpu7x:2x2x1
jax: 0.10.2.dev20260603
libtpu: 0.0.44.dev20260713+nightly
codegen_flags: <defaults>
</compile_context>

<pallas_src>
import functools

import jax
import jax.numpy as jnp
from jax import lax
from jax.experimental import pallas as pl
from jax.experimental.pallas import tpu as pltpu
from jax.experimental.pallas import tpu_sc as plsc

N = 10000
E = 320000
D = 128
NEXP = 4

NTILES = 32
CHUNK = 80
NSEG = 125
CCHUNK = 128
NCHUNKS = 2560
EPT = NCHUNKS // NTILES
NPAD = 10112
ROWS_PER_TILE = NPAD // 16
CNTW = 16
EPAD = NCHUNKS * CCHUNK


def _sc_segsum_body(y_hbm, src_hbm, dst_hbm, s0_out, s1_out,
                    src_v0, dst_v0, src_v1, dst_v1, rows_a, rows_b, sums_sh,
                    sem_a, sem_b):
    cid = lax.axis_index("c")
    sid = lax.axis_index("s")
    wid = cid * 16 + sid
    r0 = sid * ROWS_PER_TILE
    zrow = jnp.zeros((16,), jnp.float32)

    def fill_z(i, _):
        for c in range(8):
            rows_a[i, pl.ds(c * 16, 16)] = zrow
        return _

    lax.fori_loop(0, CHUNK, fill_z, None)
    for cp in range(ROWS_PER_TILE // CHUNK):
        pltpu.sync_copy(rows_a, sums_sh.at[pl.ds(r0 + cp * CHUNK, CHUNK)])
    pltpu.sync_copy(rows_a.at[pl.ds(0, ROWS_PER_TILE % CHUNK)],
                    sums_sh.at[pl.ds(r0 + (ROWS_PER_TILE // CHUNK) * CHUNK,
                                     ROWS_PER_TILE % CHUNK)])
    plsc.subcore_barrier()

    ebase = wid * (NSEG * CHUNK)

    def load_idx(sv, dv, b):
        pltpu.sync_copy(src_hbm.at[pl.ds(b, CHUNK)], sv)
        pltpu.sync_copy(dst_hbm.at[pl.ds(b, CHUNK)], dv)

    load_idx(src_v0, dst_v0, ebase)
    pltpu.async_copy(y_hbm.at[src_v0], rows_a, sem_a)

    def pair_body(p, _):
        load_idx(src_v1, dst_v1, ebase + (2 * p + 1) * CHUNK)
        pltpu.async_copy(y_hbm.at[src_v1], rows_b, sem_b)
        pltpu.make_async_copy(y_hbm.at[src_v0], rows_a, sem_a).wait()
        pltpu.sync_copy(rows_a, sums_sh.at[dst_v0], add=True)
        load_idx(src_v0, dst_v0, ebase + (2 * p + 2) * CHUNK)
        pltpu.async_copy(y_hbm.at[src_v0], rows_a, sem_a)
        pltpu.make_async_copy(y_hbm.at[src_v1], rows_b, sem_b).wait()
        pltpu.sync_copy(rows_b, sums_sh.at[dst_v1], add=True)
        return _

    lax.fori_loop(0, NSEG // 2, pair_body, None)
    pltpu.make_async_copy(y_hbm.at[src_v0], rows_a, sem_a).wait()
    pltpu.sync_copy(rows_a, sums_sh.at[dst_v0], add=True)
    plsc.subcore_barrier()

    @pl.when(cid == 0)
    def _():
        pltpu.sync_copy(sums_sh.at[pl.ds(r0, ROWS_PER_TILE)],
                        s0_out.at[pl.ds(r0, ROWS_PER_TILE)])

    @pl.when(cid == 1)
    def _():
        pltpu.sync_copy(sums_sh.at[pl.ds(r0, ROWS_PER_TILE)],
                        s1_out.at[pl.ds(r0, ROWS_PER_TILE)])


_sc_segsum = functools.partial(
    pl.kernel,
    out_type=[
        jax.ShapeDtypeStruct((NPAD, D), jnp.float32),
        jax.ShapeDtypeStruct((NPAD, D), jnp.float32),
    ],
    mesh=plsc.VectorSubcoreMesh(core_axis_name="c", subcore_axis_name="s"),
    scratch_types=[
        pltpu.VMEM((CHUNK,), jnp.int32),
        pltpu.VMEM((CHUNK,), jnp.int32),
        pltpu.VMEM((CHUNK,), jnp.int32),
        pltpu.VMEM((CHUNK,), jnp.int32),
        pltpu.VMEM((CHUNK, D), jnp.float32),
        pltpu.VMEM((CHUNK, D), jnp.float32),
        pltpu.VMEM_SHARED((NPAD, D), jnp.float32),
        pltpu.SemaphoreType.DMA,
        pltpu.SemaphoreType.DMA,
    ],
)(_sc_segsum_body)


def _sc_cnt_body(dst_hbm, c0_out, c1_out, dst_v, ones_v, zb16, cnt_sh, sem):
    cid = lax.axis_index("c")
    sid = lax.axis_index("s")
    wid = cid * 16 + sid
    r0 = sid * ROWS_PER_TILE
    zrow = jnp.zeros((16,), jnp.float32)

    pltpu.sync_copy(dst_hbm.at[pl.ds(wid * EPT, EPT)], dst_v)

    def fill_ones(i, _):
        ones_v[i, :] = zrow + 1.0
        zb16[i, :] = zrow
        return _

    lax.fori_loop(0, CCHUNK, fill_ones, None)
    for cp in range(ROWS_PER_TILE // CCHUNK):
        pltpu.sync_copy(zb16, cnt_sh.at[pl.ds(r0 + cp * CCHUNK, CCHUNK)])
    pltpu.sync_copy(zb16.at[pl.ds(0, ROWS_PER_TILE % CCHUNK)],
                    cnt_sh.at[pl.ds(r0 + (ROWS_PER_TILE // CCHUNK) * CCHUNK,
                                    ROWS_PER_TILE % CCHUNK)])
    plsc.subcore_barrier()

    def chunk_body(j, _):
        pltpu.sync_copy(ones_v, cnt_sh.at[dst_v.at[j]], add=True)
        return _

    lax.fori_loop(0, EPT, chunk_body, None)
    plsc.subcore_barrier()

    @pl.when(cid == 0)
    def _():
        pltpu.sync_copy(cnt_sh.at[pl.ds(r0, ROWS_PER_TILE)],
                        c0_out.at[pl.ds(r0, ROWS_PER_TILE)])

    @pl.when(cid == 1)
    def _():
        pltpu.sync_copy(cnt_sh.at[pl.ds(r0, ROWS_PER_TILE)],
                        c1_out.at[pl.ds(r0, ROWS_PER_TILE)])


_sc_cnt = functools.partial(
    pl.kernel,
    out_type=[
        jax.ShapeDtypeStruct((NPAD, CNTW), jnp.float32),
        jax.ShapeDtypeStruct((NPAD, CNTW), jnp.float32),
    ],
    mesh=plsc.VectorSubcoreMesh(core_axis_name="c", subcore_axis_name="s"),
    scratch_types=[
        pltpu.VMEM((EPT, CCHUNK), jnp.int32),
        pltpu.VMEM((CCHUNK, CNTW), jnp.float32),
        pltpu.VMEM((CCHUNK, CNTW), jnp.float32),
        pltpu.VMEM_SHARED((NPAD, CNTW), jnp.float32),
        pltpu.SemaphoreType.DMA,
    ],
)(_sc_cnt_body)



BLK = 1000


def _prelin_body(x_ref, w_ref, b_ref, o_ref):
    o_ref[...] = jnp.maximum(
        jnp.dot(x_ref[...], w_ref[...], preferred_element_type=jnp.float32)
        + b_ref[...], 0.0)


def _prelin(x, w, b):
    n, d = x.shape
    h = w.shape[1]
    return pl.pallas_call(
        _prelin_body,
        grid=(n // BLK,),
        in_specs=[
            pl.BlockSpec((BLK, d), lambda i: (i, 0)),
            pl.BlockSpec((d, h), lambda i: (0, 0)),
            pl.BlockSpec((1, h), lambda i: (0, 0)),
        ],
        out_specs=pl.BlockSpec((BLK, h), lambda i: (i, 0)),
        out_shape=jax.ShapeDtypeStruct((n, h), jnp.float32),
    )(x, w, b.reshape(1, h))


def _moe_common(x_ref, s0_ref, s1_ref, c0_ref, c1_ref, wgx_ref, wga_ref,
                wgb_ref, awx_ref, awa_ref, ab_ref):
    x = x_ref[...]
    cnt = c0_ref[:, 0:1] + c1_ref[:, 0:1]
    aggr = (s0_ref[...] + s1_ref[...]) / jnp.maximum(cnt, 1.0)
    logits = (jnp.dot(x, wgx_ref[...], preferred_element_type=jnp.float32)
              + jnp.dot(aggr, wga_ref[...], preferred_element_type=jnp.float32)
              + wgb_ref[...])
    m = jnp.max(logits, axis=1, keepdims=True)
    eg = jnp.exp(logits - m)
    g = eg / jnp.sum(eg, axis=1, keepdims=True)
    out = jnp.zeros_like(aggr)
    for i in range(NEXP):
        ei = jnp.maximum(
            jnp.dot(x, awx_ref[i], preferred_element_type=jnp.float32)
            + jnp.dot(aggr, awa_ref[i], preferred_element_type=jnp.float32)
            + ab_ref[:, i, :], 0.0)
        out = out + ei * g[:, i:i + 1]
    nrm = jnp.maximum(jnp.sqrt(jnp.sum(out * out, axis=1, keepdims=True)),
                      1e-12)
    return jnp.maximum(out / nrm, 0.0)


def _moe_mid_body(x_ref, s0_ref, s1_ref, c0_ref, c1_ref, wgx_ref, wga_ref,
                  wgb_ref, awx_ref, awa_ref, ab_ref, lw_ref, lb_ref,
                  h_ref, y_ref):
    h = _moe_common(x_ref, s0_ref, s1_ref, c0_ref, c1_ref, wgx_ref, wga_ref,
                    wgb_ref, awx_ref, awa_ref, ab_ref)
    h_ref[...] = h
    y_ref[...] = jnp.maximum(
        jnp.dot(h, lw_ref[...], preferred_element_type=jnp.float32)
        + lb_ref[...], 0.0)


def _moe_fin_body(x_ref, s0_ref, s1_ref, c0_ref, c1_ref, wgx_ref, wga_ref,
                  wgb_ref, awx_ref, awa_ref, ab_ref, p1w_ref, p1b_ref,
                  p2w_ref, p2b_ref, o_ref):
    h = _moe_common(x_ref, s0_ref, s1_ref, c0_ref, c1_ref, wgx_ref, wga_ref,
                    wgb_ref, awx_ref, awa_ref, ab_ref)
    z = (jnp.dot(h, p1w_ref[...], preferred_element_type=jnp.float32)
         + p1b_ref[...])
    z = (jnp.dot(z, p2w_ref[...], preferred_element_type=jnp.float32)
         + p2b_ref[...])
    m = jnp.max(z, axis=1, keepdims=True)
    lse = m + jnp.log(jnp.sum(jnp.exp(z - m), axis=1, keepdims=True))
    o_ref[...] = z - lse


def _moe_specs(din, h, extra_specs):
    row = lambda w: pl.BlockSpec((BLK, w), lambda i: (i, 0))
    full = lambda *s: pl.BlockSpec(s, lambda i: (0,) * len(s))
    return [
        row(din), row(h), row(h), row(CNTW), row(CNTW),
        full(din, NEXP), full(h, NEXP), full(1, NEXP),
        full(NEXP, din, h), full(NEXP, h, h), full(1, NEXP, h),
    ] + extra_specs


def _moe_mid(x, s0, s1, c0, c1, wg_w, wg_b, agg_w, agg_b, lw, lb):
    n, din = x.shape
    h = s0.shape[1]
    full = lambda *s: pl.BlockSpec(s, lambda i: (0,) * len(s))
    return pl.pallas_call(
        _moe_mid_body,
        grid=(n // BLK,),
        in_specs=_moe_specs(din, h, [full(h, h), full(1, h)]),
        out_specs=[pl.BlockSpec((BLK, h), lambda i: (i, 0)),
                   pl.BlockSpec((BLK, h), lambda i: (i, 0))],
        out_shape=[jax.ShapeDtypeStruct((n, h), jnp.float32),
                   jax.ShapeDtypeStruct((n, h), jnp.float32)],
    )(x, s0, s1, c0, c1, wg_w[:din], wg_w[din:], wg_b.reshape(1, NEXP),
      agg_w[:, :din], agg_w[:, din:], agg_b.reshape(1, NEXP, h),
      lw, lb.reshape(1, h))


def _moe_fin(x, s0, s1, c0, c1, wg_w, wg_b, agg_w, agg_b, p1w, p1b, p2w, p2b):
    n, din = x.shape
    h = s0.shape[1]
    o = p2w.shape[1]
    full = lambda *s: pl.BlockSpec(s, lambda i: (0,) * len(s))
    return pl.pallas_call(
        _moe_fin_body,
        grid=(n // BLK,),
        in_specs=_moe_specs(din, h, [full(h, h), full(1, h),
                                     full(h, o), full(1, o)]),
        out_specs=pl.BlockSpec((BLK, o), lambda i: (i, 0)),
        out_shape=jax.ShapeDtypeStruct((n, o), jnp.float32),
    )(x, s0, s1, c0, c1, wg_w[:din], wg_w[din:], wg_b.reshape(1, NEXP),
      agg_w[:, :din], agg_w[:, din:], agg_b.reshape(1, NEXP, h),
      p1w, p1b.reshape(1, h), p2w, p2b.reshape(1, o))


def kernel(x, edge_index, lin_W0, lin_b0, Wg_W0, Wg_b0, agg_W0, agg_b0,
           lin_W1, lin_b1, Wg_W1, Wg_b1, agg_W1, agg_b1,
           p1_W, p1_b, p2_W, p2_b):
    src = edge_index[0]
    dst = edge_index[1]
    npad_edges = EPAD - src.shape[0]
    pad_dst = N + jnp.arange(npad_edges, dtype=jnp.int32) % (NPAD - N)
    dstp = jnp.concatenate([dst, pad_dst]).reshape(NCHUNKS, CCHUNK)

    y0 = _prelin(x, lin_W0, lin_b0)
    c0a, c0b = _sc_cnt(dstp)
    s0a, s0b = _sc_segsum(y0, src, dst)
    h1, y1 = _moe_mid(x, s0a, s0b, c0a, c0b, Wg_W0, Wg_b0, agg_W0, agg_b0,
                      lin_W1, lin_b1)
    s1a, s1b = _sc_segsum(y1, src, dst)
    return _moe_fin(h1, s1a, s1b, c0a, c0b, Wg_W1, Wg_b1, agg_W1, agg_b1,
                    p1_W, p1_b, p2_W, p2_b)

# --- scband reference (transcript-rebuilt; emitter-appended) ---
"""Pipeline reference for scband-gnnstack-49804440764681 (READ-ONLY COPY).

The authoritative reference and input builder live on the scoring server;
editing this copy changes nothing except your own understanding.
"""

import jax, jax.numpy as jnp
import numpy as np

N = 10000
E = 320000
D = 128
H = 128
O = 128
NEXP = 4


def setup_inputs(seed: int = 0) -> dict:
    key = jax.random.key(seed)
    ks = jax.random.split(key, 24)
    inp = {}
    inp["x"] = jax.random.normal(ks[0], (N, D), dtype=jnp.float32)
    inp["edge_index"] = jax.random.randint(ks[1], (2, E), 0, N, dtype=jnp.int32)
    s = 0.05
    # layer 0: in=D, out=H
    inp["lin_W0"] = jax.random.normal(ks[2], (D, H), dtype=jnp.float32) * s
    inp["lin_b0"] = jnp.zeros((H,), dtype=jnp.float32)
    inp["Wg_W0"] = jax.random.normal(ks[3], (D + H, NEXP), dtype=jnp.float32) * s
    inp["Wg_b0"] = jnp.zeros((NEXP,), dtype=jnp.float32)
    inp["agg_W0"] = jax.random.normal(ks[4], (NEXP, D + H, H), dtype=jnp.float32) * s
    inp["agg_b0"] = jnp.zeros((NEXP, H), dtype=jnp.float32)
    # layer 1: in=H, out=H
    inp["lin_W1"] = jax.random.normal(ks[5], (H, H), dtype=jnp.float32) * s
    inp["lin_b1"] = jnp.zeros((H,), dtype=jnp.float32)
    inp["Wg_W1"] = jax.random.normal(ks[6], (H + H, NEXP), dtype=jnp.float32) * s
    inp["Wg_b1"] = jnp.zeros((NEXP,), dtype=jnp.float32)
    inp["agg_W1"] = jax.random.normal(ks[7], (NEXP, H + H, H), dtype=jnp.float32) * s
    inp["agg_b1"] = jnp.zeros((NEXP, H), dtype=jnp.float32)
    # post_mp
    inp["p1_W"] = jax.random.normal(ks[8], (H, H), dtype=jnp.float32) * s
    inp["p1_b"] = jnp.zeros((H,), dtype=jnp.float32)
    inp["p2_W"] = jax.random.normal(ks[9], (H, O), dtype=jnp.float32) * s
    inp["p2_b"] = jnp.zeros((O,), dtype=jnp.float32)
    return inp


def gs_layer(x, edge_index, lin_W, lin_b, Wg_W, Wg_b, agg_W, agg_b):
    # GraphSage.forward -> propagate(edge_index, x=x) with aggr='mean'
    src = edge_index[0]
    dst = edge_index[1]
    n = x.shape[0]
    # message: x_j = relu(lin(x_j)), x_j gathered from source nodes
    msg = jax.nn.relu(x[src] @ lin_W + lin_b)
    # mean aggregation at destination nodes
    sums = jax.ops.segment_sum(msg, dst, num_segments=n)
    cnt = jax.ops.segment_sum(jnp.ones((msg.shape[0],), dtype=msg.dtype), dst, num_segments=n)
    aggr = jnp.where(cnt[:, None] > 0, sums / jnp.maximum(cnt, 1.0)[:, None], 0.0)
    # update: mixture-of-experts over agg_lins, gated by softmax(W_g(x_cat))
    x_cat = jnp.concatenate([x, aggr], axis=1)
    weights = jax.nn.softmax(x_cat @ Wg_W + Wg_b, axis=1)
    out = jnp.zeros((n, agg_W.shape[2]), dtype=x.dtype)
    for i in range(agg_W.shape[0]):
        out = out + jax.nn.relu(x_cat @ agg_W[i] + agg_b[i]) * weights[:, i:i + 1]
    # F.normalize(p=2, dim=1)
    norm = jnp.sqrt(jnp.sum(out * out, axis=1, keepdims=True))
    out = out / jnp.maximum(norm, 1e-12)
    return out


def reference(x, edge_index, lin_W0, lin_b0, Wg_W0, Wg_b0, agg_W0, agg_b0,
              lin_W1, lin_b1, Wg_W1, Wg_b1, agg_W1, agg_b1,
              p1_W, p1_b, p2_W, p2_b):
    h = gs_layer(x, edge_index, lin_W0, lin_b0, Wg_W0, Wg_b0, agg_W0, agg_b0)
    h = jax.nn.relu(h)  # dropout p=0.0 / eval -> identity
    h = gs_layer(h, edge_index, lin_W1, lin_b1, Wg_W1, Wg_b1, agg_W1, agg_b1)
    h = jax.nn.relu(h)
    h = h @ p1_W + p1_b
    h = h @ p2_W + p2_b
    return jax.nn.log_softmax(h, axis=1)

if __name__ == "__main__":
    import jax
    _d = setup_inputs()
    print(jax.jit(kernel)(*tuple(_d.values())))

</pallas_src>

<mosaic_0001>
#map = affine_map<(d0, d1) -> (0, 0)>
#map1 = affine_map<(d0, d1) -> (0)>
module attributes {stable_mosaic.version = 14 : i64} {
  func.func @_sc_segsum_body(%arg0: i32, %arg1: i32, %arg2: memref<10000x128xf32, #tpu.memory_space<hbm>>, %arg3: memref<320000xi32, #tpu.memory_space<hbm>>, %arg4: memref<320000xi32, #tpu.memory_space<hbm>>, %arg5: memref<10112x128xf32, #tpu.memory_space<hbm>>, %arg6: memref<10112x128xf32, #tpu.memory_space<hbm>>, %arg7: memref<80xi32, #tpu.memory_space<vmem>>, %arg8: memref<80xi32, #tpu.memory_space<vmem>>, %arg9: memref<80xi32, #tpu.memory_space<vmem>>, %arg10: memref<80xi32, #tpu.memory_space<vmem>>, %arg11: memref<80x128xf32, #tpu.memory_space<vmem>>, %arg12: memref<80x128xf32, #tpu.memory_space<vmem>>, %arg13: memref<10112x128xf32, #tpu.memory_space<vmem_shared>>, %arg14: memref<!tpu.dma_semaphore, #tpu.memory_space<semaphore_mem>>, %arg15: memref<!tpu.dma_semaphore, #tpu.memory_space<semaphore_mem>>) attributes {dimension_semantics = [#tpu.dimension_semantics<core_parallel>, #tpu.dimension_semantics<subcore_parallel>], iteration_bounds = array<i64: 2, 16>, scalar_prefetch = 0 : i64, scratch_operands = 9 : i64, tpu.core_type = #tpu.core_type<sc_vector_subcore>, window_params = [{transform_indices = #map}, {transform_indices = #map1}, {transform_indices = #map1}, {transform_indices = #map}, {transform_indices = #map}]} {
    %mul3A = arith.constant 16 : i32
    %mul3A_0 = arith.muli %arg0, %mul3A : i32
    %add3A = arith.addi %mul3A_0, %arg1 : i32
    %mul3A_1 = arith.constant 632 : i32
    %mul3A_2 = arith.muli %arg1, %mul3A_1 : i32
    %broadcast_in_dim3A = arith.constant 0.000000e+00 : f32
    %broadcast_in_dim3A_3 = vector.broadcast %broadcast_in_dim3A : f32 to vector<16xf32>
    %scan3A = arith.constant 0 : i32
    %scan3A_4 = arith.constant 80 : i32
    %scan3A_5 = arith.addi %scan3A, %scan3A_4 : i32
    %scan3A_6 = arith.constant 1 : i32
    scf.for %scan3A_43 = %scan3A to %scan3A_5 step %scan3A_6  : i32 {
      %swap3A = arith.index_cast %scan3A_43 : i32 to index
      %swap3A_44 = arith.constant 0 : index
      %swap3A_45 = tpu.vector_load %arg11[%swap3A, %swap3A_44] {strides = array<i32>} : memref<80x128xf32, #tpu.memory_space<vmem>>, vector<1x16xf32>,
      %swap3A_46 = vector.shape_cast %swap3A_45 : vector<1x16xf32> to vector<16xf32>
      %swap3A_47 = vector.shape_cast %broadcast_in_dim3A_3 : vector<16xf32> to vector<1x16xf32>
      tpu.vector_store %arg11[%swap3A, %swap3A_44], %swap3A_47 {strides = array<i32>} : memref<80x128xf32, #tpu.memory_space<vmem>>, vector<1x16xf32>,
      %swap3A_48 = arith.index_cast %scan3A_43 : i32 to index
      %swap3A_49 = arith.constant 16 : index
      %swap3A_50 = tpu.vector_load %arg11[%swap3A_48, %swap3A_49] {strides = array<i32>} : memref<80x128xf32, #tpu.memory_space<vmem>>, vector<1x16xf32>,
      %swap3A_51 = vector.shape_cast %swap3A_50 : vector<1x16xf32> to vector<16xf32>
      %swap3A_52 = vector.shape_cast %broadcast_in_dim3A_3 : vector<16xf32> to vector<1x16xf32>
      tpu.vector_store %arg11[%swap3A_48, %swap3A_49], %swap3A_52 {strides = array<i32>} : memref<80x128xf32, #tpu.memory_space<vmem>>, vector<1x16xf32>,
      %swap3A_53 = arith.index_cast %scan3A_43 : i32 to index
      %swap3A_54 = arith.constant 32 : index
      %swap3A_55 = tpu.vector_load %arg11[%swap3A_53, %swap3A_54] {strides = array<i32>} : memref<80x128xf32, #tpu.memory_space<vmem>>, vector<1x16xf32>,
      %swap3A_56 = vector.shape_cast %swap3A_55 : vector<1x16xf32> to vector<16xf32>
      %swap3A_57 = vector.shape_cast %broadcast_in_dim3A_3 : vector<16xf32> to vector<1x16xf32>
      tpu.vector_store %arg11[%swap3A_53, %swap3A_54], %swap3A_57 {strides = array<i32>} : memref<80x128xf32, #tpu.memory_space<vmem>>, vector<1x16xf32>,
      %swap3A_58 = arith.index_cast %scan3A_43 : i32 to index
      %swap3A_59 = arith.constant 48 : index
      %swap3A_60 = tpu.vector_load %arg11[%swap3A_58, %swap3A_59] {strides = array<i32>} : memref<80x128xf32, #tpu.memory_space<vmem>>, vector<1x16xf32>,
      %swap3A_61 = vector.shape_cast %swap3A_60 : vector<1x16xf32> to vector<16xf32>
      %swap3A_62 = vector.shape_cast %broadcast_in_dim3A_3 : vector<16xf32> to vector<1x16xf32>
      tpu.vector_store %arg11[%swap3A_58, %swap3A_59], %swap3A_62 {strides = array<i32>} : memref<80x128xf32, #tpu.memory_space<vmem>>, vector<1x16xf32>,
      %swap3A_63 = arith.index_cast %scan3A_43 : i32 to index
      %swap3A_64 = arith.constant 64 : index
      %swap3A_65 = tpu.vector_load %arg11[%swap3A_63, %swap3A_64] {strides = array<i32>} : memref<80x128xf32, #tpu.memory_space<vmem>>, vector<1x16xf32>,
      %swap3A_66 = vector.shape_cast %swap3A_65 : vector<1x16xf32> to vector<16xf32>
      %swap3A_67 = vector.shape_cast %broadcast_in_dim3A_3 : vector<16xf32> to vector<1x16xf32>
      tpu.vector_store %arg11[%swap3A_63, %swap3A_64], %swap3A_67 {strides = array<i32>} : memref<80x128xf32, #tpu.memory_space<vmem>>, vector<1x16xf32>,
      %swap3A_68 = arith.index_cast %scan3A_43 : i32 to index
      %swap3A_69 = arith.constant 80 : index
      %swap3A_70 = tpu.vector_load %arg11[%swap3A_68, %swap3A_69] {strides = array<i32>} : memref<80x128xf32, #tpu.memory_space<vmem>>, vector<1x16xf32>,
      %swap3A_71 = vector.shape_cast %swap3A_70 : vector<1x16xf32> to vector<16xf32>
      %swap3A_72 = vector.shape_cast %broadcast_in_dim3A_3 : vector<16xf32> to vector<1x16xf32>
      tpu.vector_store %arg11[%swap3A_68, %swap3A_69], %swap3A_72 {strides = array<i32>} : memref<80x128xf32, #tpu.memory_space<vmem>>, vector<1x16xf32>,
      %swap3A_73 = arith.index_cast %scan3A_43 : i32 to index
      %swap3A_74 = arith.constant 96 : index
      %swap3A_75 = tpu.vector_load %arg11[%swap3A_73, %swap3A_74] {strides = array<i32>} : memref<80x128xf32, #tpu.memory_space<vmem>>, vector<1x16xf32>,
      %swap3A_76 = vector.shape_cast %swap3A_75 : vector<1x16xf32> to vector<16xf32>
      %swap3A_77 = vector.shape_cast %broadcast_in_dim3A_3 : vector<16xf32> to vector<1x16xf32>
      tpu.vector_store %arg11[%swap3A_73, %swap3A_74], %swap3A_77 {strides = array<i32>} : memref<80x128xf32, #tpu.memory_space<vmem>>, vector<1x16xf32>,
      %swap3A_78 = arith.index_cast %scan3A_43 : i32 to index
      %swap3A_79 = arith.constant 112 : index
      %swap3A_80 = tpu.vector_load %arg11[%swap3A_78, %swap3A_79] {strides = array<i32>} : memref<80x128xf32, #tpu.memory_space<vmem>>, vector<1x16xf32>,
      %swap3A_81 = vector.shape_cast %swap3A_80 : vector<1x16xf32> to vector<16xf32>
      %swap3A_82 = vector.shape_cast %broadcast_in_dim3A_3 : vector<16xf32> to vector<1x16xf32>
      tpu.vector_store %arg11[%swap3A_78, %swap3A_79], %swap3A_82 {strides = array<i32>} : memref<80x128xf32, #tpu.memory_space<vmem>>, vector<1x16xf32>,
    }
    %scan3A_7 = arith.constant 80 : i32
    %add3A_8 = arith.constant 0 : i32
    %add3A_9 = arith.addi %mul3A_2, %add3A_8 : i32
    "tpu.region"() ({
      %run_scoped3A = tpu.sem_alloc : memref<!tpu.dma_semaphore, #tpu.memory_space<semaphore_mem>>
      %dma_start3A_43 = arith.constant 0 : i32
      %dma_start3A_44 = tpu.memref_slice %arg13[%add3A_9, %dma_start3A_43] : memref<10112x128xf32, #tpu.memory_space<vmem_shared>> -> memref<80x128xf32, #tpu.memory_space<vmem_shared>>
      %dma_start3A_45 = arith.constant 0 : i32
      %dma_start3A_46 = tpu.memref_slice %arg13[%add3A_9, %dma_start3A_45] : memref<10112x128xf32, #tpu.memory_space<vmem_shared>> -> memref<80x128xf32, #tpu.memory_space<vmem_shared>>
      tpu.enqueue_dma source(%arg11 : memref<80x128xf32, #tpu.memory_space<vmem>>) target(%dma_start3A_46 : memref<80x128xf32, #tpu.memory_space<vmem_shared>>) target_semaphore(%run_scoped3A : memref<!tpu.dma_semaphore, #tpu.memory_space<semaphore_mem>>)
      %dma_wait3A_47 = arith.constant 0 : i32
      %dma_wait3A_48 = tpu.memref_slice %arg13[%add3A_9, %dma_wait3A_47] : memref<10112x128xf32, #tpu.memory_space<vmem_shared>> -> memref<80x128xf32, #tpu.memory_space<vmem_shared>>
      %dma_wait3A_49 = arith.constant 0 : i32
      %dma_wait3A_50 = tpu.memref_slice %arg13[%add3A_9, %dma_wait3A_49] : memref<10112x128xf32, #tpu.memory_space<vmem_shared>> -> memref<80x128xf32, #tpu.memory_space<vmem_shared>>
      tpu.wait_dma2 semaphore(%run_scoped3A : memref<!tpu.dma_semaphore, #tpu.memory_space<semaphore_mem>>) src(%arg11 : memref<80x128xf32, #tpu.memory_space<vmem>>) dst(%dma_wait3A_50 : memref<80x128xf32, #tpu.memory_space<vmem_shared>>)
      tpu.yield
    }) : () -> ()
    %add3A_10 = arith.constant 80 : i32
    %add3A_11 = arith.addi %mul3A_2, %add3A_10 : i32
    "tpu.region"() ({
      %run_scoped3A = tpu.sem_alloc : memref<!tpu.dma_semaphore, #tpu.memory_space<semaphore_mem>>
      %dma_start3A_43 = arith.constant 0 : i32
      %dma_start3A_44 = tpu.memref_slice %arg13[%add3A_11, %dma_start3A_43] : memref<10112x128xf32, #tpu.memory_space<vmem_shared>> -> memref<80x128xf32, #tpu.memory_space<vmem_shared>>
      %dma_start3A_45 = arith.constant 0 : i32
      %dma_start3A_46 = tpu.memref_slice %arg13[%add3A_11, %dma_start3A_45] : memref<10112x128xf32, #tpu.memory_space<vmem_shared>> -> memref<80x128xf32, #tpu.memory_space<vmem_shared>>
      tpu.enqueue_dma source(%arg11 : memref<80x128xf32, #tpu.memory_space<vmem>>) target(%dma_start3A_46 : memref<80x128xf32, #tpu.memory_space<vmem_shared>>) target_semaphore(%run_scoped3A : memref<!tpu.dma_semaphore, #tpu.memory_space<semaphore_mem>>)
      %dma_wait3A_47 = arith.constant 0 : i32
      %dma_wait3A_48 = tpu.memref_slice %arg13[%add3A_11, %dma_wait3A_47] : memref<10112x128xf32, #tpu.memory_space<vmem_shared>> -> memref<80x128xf32, #tpu.memory_space<vmem_shared>>
      %dma_wait3A_49 = arith.constant 0 : i32
      %dma_wait3A_50 = tpu.memref_slice %arg13[%add3A_11, %dma_wait3A_49] : memref<10112x128xf32, #tpu.memory_space<vmem_shared>> -> memref<80x128xf32, #tpu.memory_space<vmem_shared>>
      tpu.wait_dma2 semaphore(%run_scoped3A : memref<!tpu.dma_semaphore, #tpu.memory_space<semaphore_mem>>) src(%arg11 : memref<80x128xf32, #tpu.memory_space<vmem>>) dst(%dma_wait3A_50 : memref<80x128xf32, #tpu.memory_space<vmem_shared>>)
      tpu.yield
    }) : () -> ()
    %add3A_12 = arith.constant 160 : i32
    %add3A_13 = arith.addi %mul3A_2, %add3A_12 : i32
    "tpu.region"() ({
      %run_scoped3A = tpu.sem_alloc : memref<!tpu.dma_semaphore, #tpu.memory_space<semaphore_mem>>
      %dma_start3A_43 = arith.constant 0 : i32
      %dma_start3A_44 = tpu.memref_slice %arg13[%add3A_13, %dma_start3A_43] : memref<10112x128xf32, #tpu.memory_space<vmem_shared>> -> memref<80x128xf32, #tpu.memory_space<vmem_shared>>
      %dma_start3A_45 = arith.constant 0 : i32
      %dma_start3A_46 = tpu.memref_slice %arg13[%add3A_13, %dma_start3A_45] : memref<10112x128xf32, #tpu.memory_space<vmem_shared>> -> memref<80x128xf32, #tpu.memory_space<vmem_shared>>
      tpu.enqueue_dma source(%arg11 : memref<80x128xf32, #tpu.memory_space<vmem>>) target(%dma_start3A_46 : memref<80x128xf32, #tpu.memory_space<vmem_shared>>) target_semaphore(%run_scoped3A : memref<!tpu.dma_semaphore, #tpu.memory_space<semaphore_mem>>)
      %dma_wait3A_47 = arith.constant 0 : i32
      %dma_wait3A_48 = tpu.memref_slice %arg13[%add3A_13, %dma_wait3A_47] : memref<10112x128xf32, #tpu.memory_space<vmem_shared>> -> memref<80x128xf32, #tpu.memory_space<vmem_shared>>
      %dma_wait3A_49 = arith.constant 0 : i32
      %dma_wait3A_50 = tpu.memref_slice %arg13[%add3A_13, %dma_wait3A_49] : memref<10112x128xf32, #tpu.memory_space<vmem_shared>> -> memref<80x128xf32, #tpu.memory_space<vmem_shared>>
      tpu.wait_dma2 semaphore(%run_scoped3A : memref<!tpu.dma_semaphore, #tpu.memory_space<semaphore_mem>>) src(%arg11 : memref<80x128xf32, #tpu.memory_space<vmem>>) dst(%dma_wait3A_50 : memref<80x128xf32, #tpu.memory_space<vmem_shared>>)
      tpu.yield
    }) : () -> ()
    %add3A_14 = arith.constant 240 : i32
    %add3A_15 = arith.addi %mul3A_2, %add3A_14 : i32
    "tpu.region"() ({
      %run_scoped3A = tpu.sem_alloc : memref<!tpu.dma_semaphore, #tpu.memory_space<semaphore_mem>>
      %dma_start3A_43 = arith.constant 0 : i32
      %dma_start3A_44 = tpu.memref_slice %arg13[%add3A_15, %dma_start3A_43] : memref<10112x128xf32, #tpu.memory_space<vmem_shared>> -> memref<80x128xf32, #tpu.memory_space<vmem_shared>>
      %dma_start3A_45 = arith.constant 0 : i32
      %dma_start3A_46 = tpu.memref_slice %arg13[%add3A_15, %dma_start3A_45] : memref<10112x128xf32, #tpu.memory_space<vmem_shared>> -> memref<80x128xf32, #tpu.memory_space<vmem_shared>>
      tpu.enqueue_dma source(%arg11 : memref<80x128xf32, #tpu.memory_space<vmem>>) target(%dma_start3A_46 : memref<80x128xf32, #tpu.memory_space<vmem_shared>>) target_semaphore(%run_scoped3A : memref<!tpu.dma_semaphore, #tpu.memory_space<semaphore_mem>>)
      %dma_wait3A_47 = arith.constant 0 : i32
      %dma_wait3A_48 = tpu.memref_slice %arg13[%add3A_15, %dma_wait3A_47] : memref<10112x128xf32, #tpu.memory_space<vmem_shared>> -> memref<80x128xf32, #tpu.memory_space<vmem_shared>>
      %dma_wait3A_49 = arith.constant 0 : i32
      %dma_wait3A_50 = tpu.memref_slice %arg13[%add3A_15, %dma_wait3A_49] : memref<10112x128xf32, #tpu.memory_space<vmem_shared>> -> memref<80x128xf32, #tpu.memory_space<vmem_shared>>
      tpu.wait_dma2 semaphore(%run_scoped3A : memref<!tpu.dma_semaphore, #tpu.memory_space<semaphore_mem>>) src(%arg11 : memref<80x128xf32, #tpu.memory_space<vmem>>) dst(%dma_wait3A_50 : memref<80x128xf32, #tpu.memory_space<vmem_shared>>)
      tpu.yield
    }) : () -> ()
    %add3A_16 = arith.constant 320 : i32
    %add3A_17 = arith.addi %mul3A_2, %add3A_16 : i32
    "tpu.region"() ({
      %run_scoped3A = tpu.sem_alloc : memref<!tpu.dma_semaphore, #tpu.memory_space<semaphore_mem>>
      %dma_start3A_43 = arith.constant 0 : i32
      %dma_start3A_44 = tpu.memref_slice %arg13[%add3A_17, %dma_start3A_43] : memref<10112x128xf32, #tpu.memory_space<vmem_shared>> -> memref<80x128xf32, #tpu.memory_space<vmem_shared>>
      %dma_start3A_45 = arith.constant 0 : i32
      %dma_start3A_46 = tpu.memref_slice %arg13[%add3A_17, %dma_start3A_45] : memref<10112x128xf32, #tpu.memory_space<vmem_shared>> -> memref<80x128xf32, #tpu.memory_space<vmem_shared>>
      tpu.enqueue_dma source(%arg11 : memref<80x128xf32, #tpu.memory_space<vmem>>) target(%dma_start3A_46 : memref<80x128xf32, #tpu.memory_space<vmem_shared>>) target_semaphore(%run_scoped3A : memref<!tpu.dma_semaphore, #tpu.memory_space<semaphore_mem>>)
      %dma_wait3A_47 = arith.constant 0 : i32
      %dma_wait3A_48 = tpu.memref_slice %arg13[%add3A_17, %dma_wait3A_47] : memref<10112x128xf32, #tpu.memory_space<vmem_shared>> -> memref<80x128xf32, #tpu.memory_space<vmem_shared>>
      %dma_wait3A_49 = arith.constant 0 : i32
      %dma_wait3A_50 = tpu.memref_slice %arg13[%add3A_17, %dma_wait3A_49] : memref<10112x128xf32, #tpu.memory_space<vmem_shared>> -> memref<80x128xf32, #tpu.memory_space<vmem_shared>>
      tpu.wait_dma2 semaphore(%run_scoped3A : memref<!tpu.dma_semaphore, #tpu.memory_space<semaphore_mem>>) src(%arg11 : memref<80x128xf32, #tpu.memory_space<vmem>>) dst(%dma_wait3A_50 : memref<80x128xf32, #tpu.memory_space<vmem_shared>>)
      tpu.yield
    }) : () -> ()
    %add3A_18 = arith.constant 400 : i32
    %add3A_19 = arith.addi %mul3A_2, %add3A_18 : i32
    "tpu.region"() ({
      %run_scoped3A = tpu.sem_alloc : memref<!tpu.dma_semaphore, #tpu.memory_space<semaphore_mem>>
      %dma_start3A_43 = arith.constant 0 : i32
      %dma_start3A_44 = tpu.memref_slice %arg13[%add3A_19, %dma_start3A_43] : memref<10112x128xf32, #tpu.memory_space<vmem_shared>> -> memref<80x128xf32, #tpu.memory_space<vmem_shared>>
      %dma_start3A_45 = arith.constant 0 : i32
      %dma_start3A_46 = tpu.memref_slice %arg13[%add3A_19, %dma_start3A_45] : memref<10112x128xf32, #tpu.memory_space<vmem_shared>> -> memref<80x128xf32, #tpu.memory_space<vmem_shared>>
      tpu.enqueue_dma source(%arg11 : memref<80x128xf32, #tpu.memory_space<vmem>>) target(%dma_start3A_46 : memref<80x128xf32, #tpu.memory_space<vmem_shared>>) target_semaphore(%run_scoped3A : memref<!tpu.dma_semaphore, #tpu.memory_space<semaphore_mem>>)
      %dma_wait3A_47 = arith.constant 0 : i32
      %dma_wait3A_48 = tpu.memref_slice %arg13[%add3A_19, %dma_wait3A_47] : memref<10112x128xf32, #tpu.memory_space<vmem_shared>> -> memref<80x128xf32, #tpu.memory_space<vmem_shared>>
      %dma_wait3A_49 = arith.constant 0 : i32
      %dma_wait3A_50 = tpu.memref_slice %arg13[%add3A_19, %dma_wait3A_49] : memref<10112x128xf32, #tpu.memory_space<vmem_shared>> -> memref<80x128xf32, #tpu.memory_space<vmem_shared>>
      tpu.wait_dma2 semaphore(%run_scoped3A : memref<!tpu.dma_semaphore, #tpu.memory_space<semaphore_mem>>) src(%arg11 : memref<80x128xf32, #tpu.memory_space<vmem>>) dst(%dma_wait3A_50 : memref<80x128xf32, #tpu.memory_space<vmem_shared>>)
      tpu.yield
    }) : () -> ()
    %add3A_20 = arith.constant 480 : i32
    %add3A_21 = arith.addi %mul3A_2, %add3A_20 : i32
    "tpu.region"() ({
      %run_scoped3A = tpu.sem_alloc : memref<!tpu.dma_semaphore, #tpu.memory_space<semaphore_mem>>
      %dma_start3A_43 = arith.constant 0 : i32
      %dma_start3A_44 = tpu.memref_slice %arg13[%add3A_21, %dma_start3A_43] : memref<10112x128xf32, #tpu.memory_space<vmem_shared>> -> memref<80x128xf32, #tpu.memory_space<vmem_shared>>
      %dma_start3A_45 = arith.constant 0 : i32
      %dma_start3A_46 = tpu.memref_slice %arg13[%add3A_21, %dma_start3A_45] : memref<10112x128xf32, #tpu.memory_space<vmem_shared>> -> memref<80x128xf32, #tpu.memory_space<vmem_shared>>
      tpu.enqueue_dma source(%arg11 : memref<80x128xf32, #tpu.memory_space<vmem>>) target(%dma_start3A_46 : memref<80x128xf32, #tpu.memory_space<vmem_shared>>) target_semaphore(%run_scoped3A : memref<!tpu.dma_semaphore, #tpu.memory_space<semaphore_mem>>)
      %dma_wait3A_47 = arith.constant 0 : i32
      %dma_wait3A_48 = tpu.memref_slice %arg13[%add3A_21, %dma_wait3A_47] : memref<10112x128xf32, #tpu.memory_space<vmem_shared>> -> memref<80x128xf32, #tpu.memory_space<vmem_shared>>
      %dma_wait3A_49 = arith.constant 0 : i32
      %dma_wait3A_50 = tpu.memref_slice %arg13[%add3A_21, %dma_wait3A_49] : memref<10112x128xf32, #tpu.memory_space<vmem_shared>> -> memref<80x128xf32, #tpu.memory_space<vmem_shared>>
      tpu.wait_dma2 semaphore(%run_scoped3A : memref<!tpu.dma_semaphore, #tpu.memory_space<semaphore_mem>>) src(%arg11 : memref<80x128xf32, #tpu.memory_space<vmem>>) dst(%dma_wait3A_50 : memref<80x128xf32, #tpu.memory_space<vmem_shared>>)
      tpu.yield
    }) : () -> ()
    %add3A_22 = arith.constant 560 : i32
    %add3A_23 = arith.addi %mul3A_2, %add3A_22 : i32
    "tpu.region"() ({
      %run_scoped3A = tpu.sem_alloc : memref<!tpu.dma_semaphore, #tpu.memory_space<semaphore_mem>>
      %dma_start3A_43 = arith.constant 0 : i32
      %dma_start3A_44 = arith.constant 0 : i32
      %dma_start3A_45 = tpu.memref_slice %arg11[%dma_start3A_43, %dma_start3A_44] : memref<80x128xf32, #tpu.memory_space<vmem>> -> memref<72x128xf32, #tpu.memory_space<vmem>>
      %dma_start3A_46 = arith.constant 0 : i32
      %dma_start3A_47 = tpu.memref_slice %arg13[%add3A_23, %dma_start3A_46] : memref<10112x128xf32, #tpu.memory_space<vmem_shared>> -> memref<72x128xf32, #tpu.memory_space<vmem_shared>>
      %dma_start3A_48 = arith.constant 0 : i32
      %dma_start3A_49 = tpu.memref_slice %arg13[%add3A_23, %dma_start3A_48] : memref<10112x128xf32, #tpu.memory_space<vmem_shared>> -> memref<72x128xf32, #tpu.memory_space<vmem_shared>>
      %dma_start3A_50 = arith.constant 0 : i32
      %dma_start3A_51 = arith.constant 0 : i32
      %dma_start3A_52 = tpu.memref_slice %arg11[%dma_start3A_50, %dma_start3A_51] : memref<80x128xf32, #tpu.memory_space<vmem>> -> memref<72x128xf32, #tpu.memory_space<vmem>>
      tpu.enqueue_dma source(%dma_start3A_52 : memref<72x128xf32, #tpu.memory_space<vmem>>) target(%dma_start3A_49 : memref<72x128xf32, #tpu.memory_space<vmem_shared>>) target_semaphore(%run_scoped3A : memref<!tpu.dma_semaphore, #tpu.memory_space<semaphore_mem>>)
      %dma_wait3A_53 = arith.constant 0 : i32
      %dma_wait3A_54 = arith.constant 0 : i32
      %dma_wait3A_55 = tpu.memref_slice %arg11[%dma_wait3A_53, %dma_wait3A_54] : memref<80x128xf32, #tpu.memory_space<vmem>> -> memref<72x128xf32, #tpu.memory_space<vmem>>
      %dma_wait3A_56 = arith.constant 0 : i32
      %dma_wait3A_57 = tpu.memref_slice %arg13[%add3A_23, %dma_wait3A_56] : memref<10112x128xf32, #tpu.memory_space<vmem_shared>> -> memref<72x128xf32, #tpu.memory_space<vmem_shared>>
      %dma_wait3A_58 = arith.constant 0 : i32
      %dma_wait3A_59 = tpu.memref_slice %arg13[%add3A_23, %dma_wait3A_58] : memref<10112x128xf32, #tpu.memory_space<vmem_shared>> -> memref<72x128xf32, #tpu.memory_space<vmem_shared>>
      %dma_wait3A_60 = arith.constant 0 : i32
      %dma_wait3A_61 = arith.constant 0 : i32
      %dma_wait3A_62 = tpu.memref_slice %arg11[%dma_wait3A_60, %dma_wait3A_61] : memref<80x128xf32, #tpu.memory_space<vmem>> -> memref<72x128xf32, #tpu.memory_space<vmem>>
      tpu.wait_dma2 semaphore(%run_scoped3A : memref<!tpu.dma_semaphore, #tpu.memory_space<semaphore_mem>>) src(%dma_wait3A_62 : memref<72x128xf32, #tpu.memory_space<vmem>>) dst(%dma_wait3A_59 : memref<72x128xf32, #tpu.memory_space<vmem_shared>>)
      tpu.yield
    }) : () -> ()
    %barrier3A = arith.constant 0 : index
    tpu.barrier barrier_id(%barrier3A)
    %mul3A_24 = arith.constant 10000 : i32
    %mul3A_25 = arith.muli %add3A, %mul3A_24 : i32
    "tpu.region"() ({
      %run_scoped3A = tpu.sem_alloc : memref<!tpu.dma_semaphore, #tpu.memory_space<semaphore_mem>>
      %dma_start3A_43 = tpu.memref_slice %arg3[%mul3A_25] : memref<320000xi32, #tpu.memory_space<hbm>> -> memref<80xi32, #tpu.memory_space<hbm>>
      %dma_start3A_44 = tpu.memref_slice %arg3[%mul3A_25] : memref<320000xi32, #tpu.memory_space<hbm>> -> memref<80xi32, #tpu.memory_space<hbm>>
      tpu.enqueue_dma source(%dma_start3A_44 : memref<80xi32, #tpu.memory_space<hbm>>) target(%arg7 : memref<80xi32, #tpu.memory_space<vmem>>) target_semaphore(%run_scoped3A : memref<!tpu.dma_semaphore, #tpu.memory_space<semaphore_mem>>)
      %dma_wait3A_45 = tpu.memref_slice %arg3[%mul3A_25] : memref<320000xi32, #tpu.memory_space<hbm>> -> memref<80xi32, #tpu.memory_space<hbm>>
      %dma_wait3A_46 = tpu.memref_slice %arg3[%mul3A_25] : memref<320000xi32, #tpu.memory_space<hbm>> -> memref<80xi32, #tpu.memory_space<hbm>>
      tpu.wait_dma2 semaphore(%run_scoped3A : memref<!tpu.dma_semaphore, #tpu.memory_space<semaphore_mem>>) src(%dma_wait3A_46 : memref<80xi32, #tpu.memory_space<hbm>>) dst(%arg7 : memref<80xi32, #tpu.memory_space<vmem>>)
      tpu.yield
    }) : () -> ()
    "tpu.region"() ({
      %run_scoped3A = tpu.sem_alloc : memref<!tpu.dma_semaphore, #tpu.memory_space<semaphore_mem>>
      %dma_start3A_43 = tpu.memref_slice %arg4[%mul3A_25] : memref<320000xi32, #tpu.memory_space<hbm>> -> memref<80xi32, #tpu.memory_space<hbm>>
      %dma_start3A_44 = tpu.memref_slice %arg4[%mul3A_25] : memref<320000xi32, #tpu.memory_space<hbm>> -> memref<80xi32, #tpu.memory_space<hbm>>
      tpu.enqueue_dma source(%dma_start3A_44 : memref<80xi32, #tpu.memory_space<hbm>>) target(%arg8 : memref<80xi32, #tpu.memory_space<vmem>>) target_semaphore(%run_scoped3A : memref<!tpu.dma_semaphore, #tpu.memory_space<semaphore_mem>>)
      %dma_wait3A_45 = tpu.memref_slice %arg4[%mul3A_25] : memref<320000xi32, #tpu.memory_space<hbm>> -> memref<80xi32, #tpu.memory_space<hbm>>
      %dma_wait3A_46 = tpu.memref_slice %arg4[%mul3A_25] : memref<320000xi32, #tpu.memory_space<hbm>> -> memref<80xi32, #tpu.memory_space<hbm>>
      tpu.wait_dma2 semaphore(%run_scoped3A : memref<!tpu.dma_semaphore, #tpu.memory_space<semaphore_mem>>) src(%dma_wait3A_46 : memref<80xi32, #tpu.memory_space<hbm>>) dst(%arg8 : memref<80xi32, #tpu.memory_space<vmem>>)
      tpu.yield
    }) : () -> ()
    %dma_start3A = arith.constant 0 : i32
    %dma_start3A_26 = arith.constant 0 : i32
    %dma_start3A_27 = tpu.memref_slice %arg2[%dma_start3A, %dma_start3A_26] : memref<10000x128xf32, #tpu.memory_space<hbm>> -> memref<10000x128xf32, #tpu.memory_space<hbm>>
    tpu.enqueue_indirect_dma source(%dma_start3A_27 : memref<10000x128xf32, #tpu.memory_space<hbm>>) target(%arg11 : memref<80x128xf32, #tpu.memory_space<vmem>>) offsets(%arg7 : memref<80xi32, #tpu.memory_space<vmem>>) semaphore(%arg14 : memref<!tpu.dma_semaphore, #tpu.memory_space<semaphore_mem>>)
    %scan3A_28 = arith.constant 0 : i32
    %scan3A_29 = arith.constant 62 : i32
    %scan3A_30 = arith.addi %scan3A_28, %scan3A_29 : i32
    %scan3A_31 = arith.constant 1 : i32
    scf.for %scan3A_43 = %scan3A_28 to %scan3A_30 step %scan3A_31  : i32 {
      %mul3A_44 = arith.constant 2 : i32
      %mul3A_45 = arith.muli %mul3A_44, %scan3A_43 : i32
      %add3A_46 = arith.constant 1 : i32
      %add3A_47 = arith.addi %mul3A_45, %add3A_46 : i32
      %mul3A_48 = arith.constant 80 : i32
      %mul3A_49 = arith.muli %add3A_47, %mul3A_48 : i32
      %add3A_50 = arith.addi %mul3A_25, %mul3A_49 : i32
      "tpu.region"() ({
        %run_scoped3A = tpu.sem_alloc : memref<!tpu.dma_semaphore, #tpu.memory_space<semaphore_mem>>
        %dma_start3A_70 = tpu.memref_slice %arg3[%add3A_50] : memref<320000xi32, #tpu.memory_space<hbm>> -> memref<80xi32, #tpu.memory_space<hbm>>
        %dma_start3A_71 = tpu.memref_slice %arg3[%add3A_50] : memref<320000xi32, #tpu.memory_space<hbm>> -> memref<80xi32, #tpu.memory_space<hbm>>
        tpu.enqueue_dma source(%dma_start3A_71 : memref<80xi32, #tpu.memory_space<hbm>>) target(%arg9 : memref<80xi32, #tpu.memory_space<vmem>>) target_semaphore(%run_scoped3A : memref<!tpu.dma_semaphore, #tpu.memory_space<semaphore_mem>>)
        %dma_wait3A_72 = tpu.memref_slice %arg3[%add3A_50] : memref<320000xi32, #tpu.memory_space<hbm>> -> memref<80xi32, #tpu.memory_space<hbm>>
        %dma_wait3A_73 = tpu.memref_slice %arg3[%add3A_50] : memref<320000xi32, #tpu.memory_space<hbm>> -> memref<80xi32, #tpu.memory_space<hbm>>
        tpu.wait_dma2 semaphore(%run_scoped3A : memref<!tpu.dma_semaphore, #tpu.memory_space<semaphore_mem>>) src(%dma_wait3A_73 : memref<80xi32, #tpu.memory_space<hbm>>) dst(%arg9 : memref<80xi32, #tpu.memory_space<vmem>>)
        tpu.yield
      }) : () -> ()
      "tpu.region"() ({
        %run_scoped3A = tpu.sem_alloc : memref<!tpu.dma_semaphore, #tpu.memory_space<semaphore_mem>>
        %dma_start3A_70 = tpu.memref_slice %arg4[%add3A_50] : memref<320000xi32, #tpu.memory_space<hbm>> -> memref<80xi32, #tpu.memory_space<hbm>>
        %dma_start3A_71 = tpu.memref_slice %arg4[%add3A_50] : memref<320000xi32, #tpu.memory_space<hbm>> -> memref<80xi32, #tpu.memory_space<hbm>>
        tpu.enqueue_dma source(%dma_start3A_71 : memref<80xi32, #tpu.memory_space<hbm>>) target(%arg10 : memref<80xi32, #tpu.memory_space<vmem>>) target_semaphore(%run_scoped3A : memref<!tpu.dma_semaphore, #tpu.memory_space<semaphore_mem>>)
        %dma_wait3A_72 = tpu.memref_slice %arg4[%add3A_50] : memref<320000xi32, #tpu.memory_space<hbm>> -> memref<80xi32, #tpu.memory_space<hbm>>
        %dma_wait3A_73 = tpu.memref_slice %arg4[%add3A_50] : memref<320000xi32, #tpu.memory_space<hbm>> -> memref<80xi32, #tpu.memory_space<hbm>>
        tpu.wait_dma2 semaphore(%run_scoped3A : memref<!tpu.dma_semaphore, #tpu.memory_space<semaphore_mem>>) src(%dma_wait3A_73 : memref<80xi32, #tpu.memory_space<hbm>>) dst(%arg10 : memref<80xi32, #tpu.memory_space<vmem>>)
        tpu.yield
      }) : () -> ()
      %dma_start3A_51 = arith.constant 0 : i32
      %dma_start3A_52 = arith.constant 0 : i32
      %dma_start3A_53 = tpu.memref_slice %arg2[%dma_start3A_51, %dma_start3A_52] : memref<10000x128xf32, #tpu.memory_space<hbm>> -> memref<10000x128xf32, #tpu.memory_space<hbm>>
      tpu.enqueue_indirect_dma source(%dma_start3A_53 : memref<10000x128xf32, #tpu.memory_space<hbm>>) target(%arg12 : memref<80x128xf32, #tpu.memory_space<vmem>>) offsets(%arg9 : memref<80xi32, #tpu.memory_space<vmem>>) semaphore(%arg15 : memref<!tpu.dma_semaphore, #tpu.memory_space<semaphore_mem>>)
      %dma_wait3A_54 = arith.constant 0 : i32
      %dma_wait3A_55 = arith.constant 0 : i32
      %dma_wait3A_56 = tpu.memref_slice %arg2[%dma_wait3A_54, %dma_wait3A_55] : memref<10000x128xf32, #tpu.memory_space<hbm>> -> memref<10000x128xf32, #tpu.memory_space<hbm>>
      tpu.wait_indirect_dma semaphore(%arg14 : memref<!tpu.dma_semaphore, #tpu.memory_space<semaphore_mem>>) src(%dma_wait3A_56 : memref<10000x128xf32, #tpu.memory_space<hbm>>) dst(%arg11 : memref<80x128xf32, #tpu.memory_space<vmem>>)
      "tpu.region"() ({
        %run_scoped3A = tpu.sem_alloc : memref<!tpu.dma_semaphore, #tpu.memory_space<semaphore_mem>>
        %dma_start3A_70 = arith.constant 0 : i32
        %dma_start3A_71 = arith.constant 0 : i32
        %dma_start3A_72 = tpu.memref_slice %arg13[%dma_start3A_70, %dma_start3A_71] : memref<10112x128xf32, #tpu.memory_space<vmem_shared>> -> memref<10112x128xf32, #tpu.memory_space<vmem_shared>>
        tpu.enqueue_indirect_dma source(%arg11 : memref<80x128xf32, #tpu.memory_space<vmem>>) target(%dma_start3A_72 : memref<10112x128xf32, #tpu.memory_space<vmem_shared>>) offsets(%arg8 : memref<80xi32, #tpu.memory_space<vmem>>) semaphore(%run_scoped3A : memref<!tpu.dma_semaphore, #tpu.memory_space<semaphore_mem>>) {add = true}
        %dma_wait3A_73 = arith.constant 0 : i32
        %dma_wait3A_74 = arith.constant 0 : i32
        %dma_wait3A_75 = tpu.memref_slice %arg13[%dma_wait3A_73, %dma_wait3A_74] : memref<10112x128xf32, #tpu.memory_space<vmem_shared>> -> memref<10112x128xf32, #tpu.memory_space<vmem_shared>>
        tpu.wait_indirect_dma semaphore(%run_scoped3A : memref<!tpu.dma_semaphore, #tpu.memory_space<semaphore_mem>>) src(%arg11 : memref<80x128xf32, #tpu.memory_space<vmem>>) dst(%dma_wait3A_75 : memref<10112x128xf32, #tpu.memory_space<vmem_shared>>)
        tpu.yield
      }) : () -> ()
      %mul3A_57 = arith.constant 2 : i32
      %mul3A_58 = arith.muli %mul3A_57, %scan3A_43 : i32
      %add3A_59 = arith.constant 2 : i32
      %add3A_60 = arith.addi %mul3A_58, %add3A_59 : i32
      %mul3A_61 = arith.constant 80 : i32
      %mul3A_62 = arith.muli %add3A_60, %mul3A_61 : i32
      %add3A_63 = arith.addi %mul3A_25, %mul3A_62 : i32
      "tpu.region"() ({
        %run_scoped3A = tpu.sem_alloc : memref<!tpu.dma_semaphore, #tpu.memory_space<semaphore_mem>>
        %dma_start3A_70 = tpu.memref_slice %arg3[%add3A_63] : memref<320000xi32, #tpu.memory_space<hbm>> -> memref<80xi32, #tpu.memory_space<hbm>>
        %dma_start3A_71 = tpu.memref_slice %arg3[%add3A_63] : memref<320000xi32, #tpu.memory_space<hbm>> -> memref<80xi32, #tpu.memory_space<hbm>>
        tpu.enqueue_dma source(%dma_start3A_71 : memref<80xi32, #tpu.memory_space<hbm>>) target(%arg7 : memref<80xi32, #tpu.memory_space<vmem>>) target_semaphore(%run_scoped3A : memref<!tpu.dma_semaphore, #tpu.memory_space<semaphore_mem>>)
        %dma_wait3A_72 = tpu.memref_slice %arg3[%add3A_63] : memref<320000xi32, #tpu.memory_space<hbm>> -> memref<80xi32, #tpu.memory_space<hbm>>
        %dma_wait3A_73 = tpu.memref_slice %arg3[%add3A_63] : memref<320000xi32, #tpu.memory_space<hbm>> -> memref<80xi32, #tpu.memory_space<hbm>>
        tpu.wait_dma2 semaphore(%run_scoped3A : memref<!tpu.dma_semaphore, #tpu.memory_space<semaphore_mem>>) src(%dma_wait3A_73 : memref<80xi32, #tpu.memory_space<hbm>>) dst(%arg7 : memref<80xi32, #tpu.memory_space<vmem>>)
        tpu.yield
      }) : () -> ()
      "tpu.region"() ({
        %run_scoped3A = tpu.sem_alloc : memref<!tpu.dma_semaphore, #tpu.memory_space<semaphore_mem>>
        %dma_start3A_70 = tpu.memref_slice %arg4[%add3A_63] : memref<320000xi32, #tpu.memory_space<hbm>> -> memref<80xi32, #tpu.memory_space<hbm>>
        %dma_start3A_71 = tpu.memref_slice %arg4[%add3A_63] : memref<320000xi32, #tpu.memory_space<hbm>> -> memref<80xi32, #tpu.memory_space<hbm>>
        tpu.enqueue_dma source(%dma_start3A_71 : memref<80xi32, #tpu.memory_space<hbm>>) target(%arg8 : memref<80xi32, #tpu.memory_space<vmem>>) target_semaphore(%run_scoped3A : memref<!tpu.dma_semaphore, #tpu.memory_space<semaphore_mem>>)
        %dma_wait3A_72 = tpu.memref_slice %arg4[%add3A_63] : memref<320000xi32, #tpu.memory_space<hbm>> -> memref<80xi32, #tpu.memory_space<hbm>>
        %dma_wait3A_73 = tpu.memref_slice %arg4[%add3A_63] : memref<320000xi32, #tpu.memory_space<hbm>> -> memref<80xi32, #tpu.memory_space<hbm>>
        tpu.wait_dma2 semaphore(%run_scoped3A : memref<!tpu.dma_semaphore, #tpu.memory_space<semaphore_mem>>) src(%dma_wait3A_73 : memref<80xi32, #tpu.memory_space<hbm>>) dst(%arg8 : memref<80xi32, #tpu.memory_space<vmem>>)
        tpu.yield
      }) : () -> ()
      %dma_start3A_64 = arith.constant 0 : i32
      %dma_start3A_65 = arith.constant 0 : i32
      %dma_start3A_66 = tpu.memref_slice %arg2[%dma_start3A_64, %dma_start3A_65] : memref<10000x128xf32, #tpu.memory_space<hbm>> -> memref<10000x128xf32, #tpu.memory_space<hbm>>
      tpu.enqueue_indirect_dma source(%dma_start3A_66 : memref<10000x128xf32, #tpu.memory_space<hbm>>) target(%arg11 : memref<80x128xf32, #tpu.memory_space<vmem>>) offsets(%arg7 : memref<80xi32, #tpu.memory_space<vmem>>) semaphore(%arg14 : memref<!tpu.dma_semaphore, #tpu.memory_space<semaphore_mem>>)
      %dma_wait3A_67 = arith.constant 0 : i32
      %dma_wait3A_68 = arith.constant 0 : i32
      %dma_wait3A_69 = tpu.memref_slice %arg2[%dma_wait3A_67, %dma_wait3A_68] : memref<10000x128xf32, #tpu.memory_space<hbm>> -> memref<10000x128xf32, #tpu.memory_space<hbm>>
      tpu.wait_indirect_dma semaphore(%arg15 : memref<!tpu.dma_semaphore, #tpu.memory_space<semaphore_mem>>) src(%dma_wait3A_69 : memref<10000x128xf32, #tpu.memory_space<hbm>>) dst(%arg12 : memref<80x128xf32, #tpu.memory_space<vmem>>)
      "tpu.region"() ({
        %run_scoped3A = tpu.sem_alloc : memref<!tpu.dma_semaphore, #tpu.memory_space<semaphore_mem>>
        %dma_start3A_70 = arith.constant 0 : i32
        %dma_start3A_71 = arith.constant 0 : i32
        %dma_start3A_72 = tpu.memref_slice %arg13[%dma_start3A_70, %dma_start3A_71] : memref<10112x128xf32, #tpu.memory_space<vmem_shared>> -> memref<10112x128xf32, #tpu.memory_space<vmem_shared>>
        tpu.enqueue_indirect_dma source(%arg12 : memref<80x128xf32, #tpu.memory_space<vmem>>) target(%dma_start3A_72 : memref<10112x128xf32, #tpu.memory_space<vmem_shared>>) offsets(%arg10 : memref<80xi32, #tpu.memory_space<vmem>>) semaphore(%run_scoped3A : memref<!tpu.dma_semaphore, #tpu.memory_space<semaphore_mem>>) {add = true}
        %dma_wait3A_73 = arith.constant 0 : i32
        %dma_wait3A_74 = arith.constant 0 : i32
        %dma_wait3A_75 = tpu.memref_slice %arg13[%dma_wait3A_73, %dma_wait3A_74] : memref<10112x128xf32, #tpu.memory_space<vmem_shared>> -> memref<10112x128xf32, #tpu.memory_space<vmem_shared>>
        tpu.wait_indirect_dma semaphore(%run_scoped3A : memref<!tpu.dma_semaphore, #tpu.memory_space<semaphore_mem>>) src(%arg12 : memref<80x128xf32, #tpu.memory_space<vmem>>) dst(%dma_wait3A_75 : memref<10112x128xf32, #tpu.memory_space<vmem_shared>>)
        tpu.yield
      }) : () -> ()
    }
    %scan3A_32 = arith.constant 62 : i32
    %dma_wait3A = arith.constant 0 : i32
    %dma_wait3A_33 = arith.constant 0 : i32
    %dma_wait3A_34 = tpu.memref_slice %arg2[%dma_wait3A, %dma_wait3A_33] : memref<10000x128xf32, #tpu.memory_space<hbm>> -> memref<10000x128xf32, #tpu.memory_space<hbm>>
    tpu.wait_indirect_dma semaphore(%arg14 : memref<!tpu.dma_semaphore, #tpu.memory_space<semaphore_mem>>) src(%dma_wait3A_34 : memref<10000x128xf32, #tpu.memory_space<hbm>>) dst(%arg11 : memref<80x128xf32, #tpu.memory_space<vmem>>)
    "tpu.region"() ({
      %run_scoped3A = tpu.sem_alloc : memref<!tpu.dma_semaphore, #tpu.memory_space<semaphore_mem>>
      %dma_start3A_43 = arith.constant 0 : i32
      %dma_start3A_44 = arith.constant 0 : i32
      %dma_start3A_45 = tpu.memref_slice %arg13[%dma_start3A_43, %dma_start3A_44] : memref<10112x128xf32, #tpu.memory_space<vmem_shared>> -> memref<10112x128xf32, #tpu.memory_space<vmem_shared>>
      tpu.enqueue_indirect_dma source(%arg11 : memref<80x128xf32, #tpu.memory_space<vmem>>) target(%dma_start3A_45 : memref<10112x128xf32, #tpu.memory_space<vmem_shared>>) offsets(%arg8 : memref<80xi32, #tpu.memory_space<vmem>>) semaphore(%run_scoped3A : memref<!tpu.dma_semaphore, #tpu.memory_space<semaphore_mem>>) {add = true}
      %dma_wait3A_46 = arith.constant 0 : i32
      %dma_wait3A_47 = arith.constant 0 : i32
      %dma_wait3A_48 = tpu.memref_slice %arg13[%dma_wait3A_46, %dma_wait3A_47] : memref<10112x128xf32, #tpu.memory_space<vmem_shared>> -> memref<10112x128xf32, #tpu.memory_space<vmem_shared>>
      tpu.wait_indirect_dma semaphore(%run_scoped3A : memref<!tpu.dma_semaphore, #tpu.memory_space<semaphore_mem>>) src(%arg11 : memref<80x128xf32, #tpu.memory_space<vmem>>) dst(%dma_wait3A_48 : memref<10112x128xf32, #tpu.memory_space<vmem_shared>>)
      tpu.yield
    }) : () -> ()
    %barrier3A_35 = arith.constant 0 : index
    tpu.barrier barrier_id(%barrier3A_35)
    %eq3A = arith.constant 0 : i32
    %eq3A_36 = arith.cmpi eq, %arg0, %eq3A : i32
    %convert_element_type3A = arith.extui %eq3A_36 : i1 to i32
    %cond3A = arith.constant 0 : i32
    %cond3A_37 = arith.cmpi ne, %convert_element_type3A, %cond3A : i32
    scf.if %cond3A_37 {
      "tpu.region"() ({
        %run_scoped3A = tpu.sem_alloc : memref<!tpu.dma_semaphore, #tpu.memory_space<semaphore_mem>>
        %dma_start3A_43 = arith.constant 0 : i32
        %dma_start3A_44 = tpu.memref_slice %arg5[%mul3A_2, %dma_start3A_43] : memref<10112x128xf32, #tpu.memory_space<hbm>> -> memref<632x128xf32, #tpu.memory_space<hbm>>
        %dma_start3A_45 = arith.constant 0 : i32
        %dma_start3A_46 = tpu.memref_slice %arg13[%mul3A_2, %dma_start3A_45] : memref<10112x128xf32, #tpu.memory_space<vmem_shared>> -> memref<632x128xf32, #tpu.memory_space<vmem_shared>>
        tpu.enqueue_dma source(%dma_start3A_46 : memref<632x128xf32, #tpu.memory_space<vmem_shared>>) target(%dma_start3A_44 : memref<632x128xf32, #tpu.memory_space<hbm>>) target_semaphore(%run_scoped3A : memref<!tpu.dma_semaphore, #tpu.memory_space<semaphore_mem>>)
        %dma_wait3A_47 = arith.constant 0 : i32
        %dma_wait3A_48 = tpu.memref_slice %arg5[%mul3A_2, %dma_wait3A_47] : memref<10112x128xf32, #tpu.memory_space<hbm>> -> memref<632x128xf32, #tpu.memory_space<hbm>>
        %dma_wait3A_49 = arith.constant 0 : i32
        %dma_wait3A_50 = tpu.memref_slice %arg13[%mul3A_2, %dma_wait3A_49] : memref<10112x128xf32, #tpu.memory_space<vmem_shared>> -> memref<632x128xf32, #tpu.memory_space<vmem_shared>>
        tpu.wait_dma2 semaphore(%run_scoped3A : memref<!tpu.dma_semaphore, #tpu.memory_space<semaphore_mem>>) src(%dma_wait3A_50 : memref<632x128xf32, #tpu.memory_space<vmem_shared>>) dst(%dma_wait3A_48 : memref<632x128xf32, #tpu.memory_space<hbm>>)
        tpu.yield
      }) : () -> ()
    } else {
    }
    %eq3A_38 = arith.constant 1 : i32
    %eq3A_39 = arith.cmpi eq, %arg0, %eq3A_38 : i32
    %convert_element_type3A_40 = arith.extui %eq3A_39 : i1 to i32
    %cond3A_41 = arith.constant 0 : i32
    %cond3A_42 = arith.cmpi ne, %convert_element_type3A_40, %cond3A_41 : i32
    scf.if %cond3A_42 {
      "tpu.region"() ({
        %run_scoped3A = tpu.sem_alloc : memref<!tpu.dma_semaphore, #tpu.memory_space<semaphore_mem>>
        %dma_start3A_43 = arith.constant 0 : i32
        %dma_start3A_44 = tpu.memref_slice %arg6[%mul3A_2, %dma_start3A_43] : memref<10112x128xf32, #tpu.memory_space<hbm>> -> memref<632x128xf32, #tpu.memory_space<hbm>>
        %dma_start3A_45 = arith.constant 0 : i32
        %dma_start3A_46 = tpu.memref_slice %arg13[%mul3A_2, %dma_start3A_45] : memref<10112x128xf32, #tpu.memory_space<vmem_shared>> -> memref<632x128xf32, #tpu.memory_space<vmem_shared>>
        tpu.enqueue_dma source(%dma_start3A_46 : memref<632x128xf32, #tpu.memory_space<vmem_shared>>) target(%dma_start3A_44 : memref<632x128xf32, #tpu.memory_space<hbm>>) target_semaphore(%run_scoped3A : memref<!tpu.dma_semaphore, #tpu.memory_space<semaphore_mem>>)
        %dma_wait3A_47 = arith.constant 0 : i32
        %dma_wait3A_48 = tpu.memref_slice %arg6[%mul3A_2, %dma_wait3A_47] : memref<10112x128xf32, #tpu.memory_space<hbm>> -> memref<632x128xf32, #tpu.memory_space<hbm>>
        %dma_wait3A_49 = arith.constant 0 : i32
        %dma_wait3A_50 = tpu.memref_slice %arg13[%mul3A_2, %dma_wait3A_49] : memref<10112x128xf32, #tpu.memory_space<vmem_shared>> -> memref<632x128xf32, #tpu.memory_space<vmem_shared>>
        tpu.wait_dma2 semaphore(%run_scoped3A : memref<!tpu.dma_semaphore, #tpu.memory_space<semaphore_mem>>) src(%dma_wait3A_50 : memref<632x128xf32, #tpu.memory_space<vmem_shared>>) dst(%dma_wait3A_48 : memref<632x128xf32, #tpu.memory_space<hbm>>)
        tpu.yield
      }) : () -> ()
    } else {
    }
    return
  }
}

#map = affine_map<(d0, d1) -> (0, 0)>
module attributes {stable_mosaic.version = 14 : i64} {
  func.func @_sc_cnt_body(%arg0: i32, %arg1: i32, %arg2: memref<2560x128xi32, #tpu.memory_space<hbm>>, %arg3: memref<10112x16xf32, #tpu.memory_space<hbm>>, %arg4: memref<10112x16xf32, #tpu.memory_space<hbm>>, %arg5: memref<80x128xi32, #tpu.memory_space<vmem>>, %arg6: memref<128x16xf32, #tpu.memory_space<vmem>>, %arg7: memref<128x16xf32, #tpu.memory_space<vmem>>, %arg8: memref<10112x16xf32, #tpu.memory_space<vmem_shared>>, %arg9: memref<!tpu.dma_semaphore, #tpu.memory_space<semaphore_mem>>) attributes {dimension_semantics = [#tpu.dimension_semantics<core_parallel>, #tpu.dimension_semantics<subcore_parallel>], iteration_bounds = array<i64: 2, 16>, scalar_prefetch = 0 : i64, scratch_operands = 5 : i64, tpu.core_type = #tpu.core_type<sc_vector_subcore>, window_params = [{transform_indices = #map}, {transform_indices = #map}, {transform_indices = #map}]} {
    %mul3A = arith.constant 16 : i32
    %mul3A_0 = arith.muli %arg0, %mul3A : i32
    %add3A = arith.addi %mul3A_0, %arg1 : i32
    %mul3A_1 = arith.constant 632 : i32
    %mul3A_2 = arith.muli %arg1, %mul3A_1 : i32
    %broadcast_in_dim3A = arith.constant 0.000000e+00 : f32
    %broadcast_in_dim3A_3 = vector.broadcast %broadcast_in_dim3A : f32 to vector<16xf32>
    %mul3A_4 = arith.constant 80 : i32
    %mul3A_5 = arith.muli %add3A, %mul3A_4 : i32
    "tpu.region"() ({
      %run_scoped3A = tpu.sem_alloc : memref<!tpu.dma_semaphore, #tpu.memory_space<semaphore_mem>>
      %dma_start3A = arith.constant 0 : i32
      %dma_start3A_33 = tpu.memref_slice %arg2[%mul3A_5, %dma_start3A] : memref<2560x128xi32, #tpu.memory_space<hbm>> -> memref<80x128xi32, #tpu.memory_space<hbm>>
      %dma_start3A_34 = arith.constant 0 : i32
      %dma_start3A_35 = tpu.memref_slice %arg2[%mul3A_5, %dma_start3A_34] : memref<2560x128xi32, #tpu.memory_space<hbm>> -> memref<80x128xi32, #tpu.memory_space<hbm>>
      tpu.enqueue_dma source(%dma_start3A_35 : memref<80x128xi32, #tpu.memory_space<hbm>>) target(%arg5 : memref<80x128xi32, #tpu.memory_space<vmem>>) target_semaphore(%run_scoped3A : memref<!tpu.dma_semaphore, #tpu.memory_space<semaphore_mem>>)
      %dma_wait3A = arith.constant 0 : i32
      %dma_wait3A_36 = tpu.memref_slice %arg2[%mul3A_5, %dma_wait3A] : memref<2560x128xi32, #tpu.memory_space<hbm>> -> memref<80x128xi32, #tpu.memory_space<hbm>>
      %dma_wait3A_37 = arith.constant 0 : i32
      %dma_wait3A_38 = tpu.memref_slice %arg2[%mul3A_5, %dma_wait3A_37] : memref<2560x128xi32, #tpu.memory_space<hbm>> -> memref<80x128xi32, #tpu.memory_space<hbm>>
      tpu.wait_dma2 semaphore(%run_scoped3A : memref<!tpu.dma_semaphore, #tpu.memory_space<semaphore_mem>>) src(%dma_wait3A_38 : memref<80x128xi32, #tpu.memory_space<hbm>>) dst(%arg5 : memref<80x128xi32, #tpu.memory_space<vmem>>)
      tpu.yield
    }) : () -> ()
    %scan3A = arith.constant 0 : i32
    %scan3A_6 = arith.constant 128 : i32
    %scan3A_7 = arith.addi %scan3A, %scan3A_6 : i32
    %scan3A_8 = arith.constant 1 : i32
    scf.for %scan3A_33 = %scan3A to %scan3A_7 step %scan3A_8  : i32 {
      %add3A_34 = arith.constant 1.000000e+00 : f32
      %add3A_35 = vector.broadcast %add3A_34 : f32 to vector<16xf32>
      %add3A_36 = arith.addf %broadcast_in_dim3A_3, %add3A_35 : vector<16xf32>
      %swap3A = arith.index_cast %scan3A_33 : i32 to index
      %swap3A_37 = arith.constant 0 : index
      %swap3A_38 = tpu.vector_load %arg6[%swap3A, %swap3A_37] {strides = array<i32>} : memref<128x16xf32, #tpu.memory_space<vmem>>, vector<1x16xf32>,
      %swap3A_39 = vector.shape_cast %swap3A_38 : vector<1x16xf32> to vector<16xf32>
      %swap3A_40 = vector.shape_cast %add3A_36 : vector<16xf32> to vector<1x16xf32>
      tpu.vector_store %arg6[%swap3A, %swap3A_37], %swap3A_40 {strides = array<i32>} : memref<128x16xf32, #tpu.memory_space<vmem>>, vector<1x16xf32>,
      %swap3A_41 = arith.index_cast %scan3A_33 : i32 to index
      %swap3A_42 = arith.constant 0 : index
      %swap3A_43 = tpu.vector_load %arg7[%swap3A_41, %swap3A_42] {strides = array<i32>} : memref<128x16xf32, #tpu.memory_space<vmem>>, vector<1x16xf32>,
      %swap3A_44 = vector.shape_cast %swap3A_43 : vector<1x16xf32> to vector<16xf32>
      %swap3A_45 = vector.shape_cast %broadcast_in_dim3A_3 : vector<16xf32> to vector<1x16xf32>
      tpu.vector_store %arg7[%swap3A_41, %swap3A_42], %swap3A_45 {strides = array<i32>} : memref<128x16xf32, #tpu.memory_space<vmem>>, vector<1x16xf32>,
    }
    %scan3A_9 = arith.constant 128 : i32
    %add3A_10 = arith.constant 0 : i32
    %add3A_11 = arith.addi %mul3A_2, %add3A_10 : i32
    "tpu.region"() ({
      %run_scoped3A = tpu.sem_alloc : memref<!tpu.dma_semaphore, #tpu.memory_space<semaphore_mem>>
      %dma_start3A = arith.constant 0 : i32
      %dma_start3A_33 = tpu.memref_slice %arg8[%add3A_11, %dma_start3A] : memref<10112x16xf32, #tpu.memory_space<vmem_shared>> -> memref<128x16xf32, #tpu.memory_space<vmem_shared>>
      %dma_start3A_34 = arith.constant 0 : i32
      %dma_start3A_35 = tpu.memref_slice %arg8[%add3A_11, %dma_start3A_34] : memref<10112x16xf32, #tpu.memory_space<vmem_shared>> -> memref<128x16xf32, #tpu.memory_space<vmem_shared>>
      tpu.enqueue_dma source(%arg7 : memref<128x16xf32, #tpu.memory_space<vmem>>) target(%dma_start3A_35 : memref<128x16xf32, #tpu.memory_space<vmem_shared>>) target_semaphore(%run_scoped3A : memref<!tpu.dma_semaphore, #tpu.memory_space<semaphore_mem>>)
      %dma_wait3A = arith.constant 0 : i32
      %dma_wait3A_36 = tpu.memref_slice %arg8[%add3A_11, %dma_wait3A] : memref<10112x16xf32, #tpu.memory_space<vmem_shared>> -> memref<128x16xf32, #tpu.memory_space<vmem_shared>>
      %dma_wait3A_37 = arith.constant 0 : i32
      %dma_wait3A_38 = tpu.memref_slice %arg8[%add3A_11, %dma_wait3A_37] : memref<10112x16xf32, #tpu.memory_space<vmem_shared>> -> memref<128x16xf32, #tpu.memory_space<vmem_shared>>
      tpu.wait_dma2 semaphore(%run_scoped3A : memref<!tpu.dma_semaphore, #tpu.memory_space<semaphore_mem>>) src(%arg7 : memref<128x16xf32, #tpu.memory_space<vmem>>) dst(%dma_wait3A_38 : memref<128x16xf32, #tpu.memory_space<vmem_shared>>)
      tpu.yield
    }) : () -> ()
    %add3A_12 = arith.constant 128 : i32
    %add3A_13 = arith.addi %mul3A_2, %add3A_12 : i32
    "tpu.region"() ({
      %run_scoped3A = tpu.sem_alloc : memref<!tpu.dma_semaphore, #tpu.memory_space<semaphore_mem>>
      %dma_start3A = arith.constant 0 : i32
      %dma_start3A_33 = tpu.memref_slice %arg8[%add3A_13, %dma_start3A] : memref<10112x16xf32, #tpu.memory_space<vmem_shared>> -> memref<128x16xf32, #tpu.memory_space<vmem_shared>>
      %dma_start3A_34 = arith.constant 0 : i32
      %dma_start3A_35 = tpu.memref_slice %arg8[%add3A_13, %dma_start3A_34] : memref<10112x16xf32, #tpu.memory_space<vmem_shared>> -> memref<128x16xf32, #tpu.memory_space<vmem_shared>>
      tpu.enqueue_dma source(%arg7 : memref<128x16xf32, #tpu.memory_space<vmem>>) target(%dma_start3A_35 : memref<128x16xf32, #tpu.memory_space<vmem_shared>>) target_semaphore(%run_scoped3A : memref<!tpu.dma_semaphore, #tpu.memory_space<semaphore_mem>>)
      %dma_wait3A = arith.constant 0 : i32
      %dma_wait3A_36 = tpu.memref_slice %arg8[%add3A_13, %dma_wait3A] : memref<10112x16xf32, #tpu.memory_space<vmem_shared>> -> memref<128x16xf32, #tpu.memory_space<vmem_shared>>
      %dma_wait3A_37 = arith.constant 0 : i32
      %dma_wait3A_38 = tpu.memref_slice %arg8[%add3A_13, %dma_wait3A_37] : memref<10112x16xf32, #tpu.memory_space<vmem_shared>> -> memref<128x16xf32, #tpu.memory_space<vmem_shared>>
      tpu.wait_dma2 semaphore(%run_scoped3A : memref<!tpu.dma_semaphore, #tpu.memory_space<semaphore_mem>>) src(%arg7 : memref<128x16xf32, #tpu.memory_space<vmem>>) dst(%dma_wait3A_38 : memref<128x16xf32, #tpu.memory_space<vmem_shared>>)
      tpu.yield
    }) : () -> ()
    %add3A_14 = arith.constant 256 : i32
    %add3A_15 = arith.addi %mul3A_2, %add3A_14 : i32
    "tpu.region"() ({
      %run_scoped3A = tpu.sem_alloc : memref<!tpu.dma_semaphore, #tpu.memory_space<semaphore_mem>>
      %dma_start3A = arith.constant 0 : i32
      %dma_start3A_33 = tpu.memref_slice %arg8[%add3A_15, %dma_start3A] : memref<10112x16xf32, #tpu.memory_space<vmem_shared>> -> memref<128x16xf32, #tpu.memory_space<vmem_shared>>
      %dma_start3A_34 = arith.constant 0 : i32
      %dma_start3A_35 = tpu.memref_slice %arg8[%add3A_15, %dma_start3A_34] : memref<10112x16xf32, #tpu.memory_space<vmem_shared>> -> memref<128x16xf32, #tpu.memory_space<vmem_shared>>
      tpu.enqueue_dma source(%arg7 : memref<128x16xf32, #tpu.memory_space<vmem>>) target(%dma_start3A_35 : memref<128x16xf32, #tpu.memory_space<vmem_shared>>) target_semaphore(%run_scoped3A : memref<!tpu.dma_semaphore, #tpu.memory_space<semaphore_mem>>)
      %dma_wait3A = arith.constant 0 : i32
      %dma_wait3A_36 = tpu.memref_slice %arg8[%add3A_15, %dma_wait3A] : memref<10112x16xf32, #tpu.memory_space<vmem_shared>> -> memref<128x16xf32, #tpu.memory_space<vmem_shared>>
      %dma_wait3A_37 = arith.constant 0 : i32
      %dma_wait3A_38 = tpu.memref_slice %arg8[%add3A_15, %dma_wait3A_37] : memref<10112x16xf32, #tpu.memory_space<vmem_shared>> -> memref<128x16xf32, #tpu.memory_space<vmem_shared>>
      tpu.wait_dma2 semaphore(%run_scoped3A : memref<!tpu.dma_semaphore, #tpu.memory_space<semaphore_mem>>) src(%arg7 : memref<128x16xf32, #tpu.memory_space<vmem>>) dst(%dma_wait3A_38 : memref<128x16xf32, #tpu.memory_space<vmem_shared>>)
      tpu.yield
    }) : () -> ()
    %add3A_16 = arith.constant 384 : i32
    %add3A_17 = arith.addi %mul3A_2, %add3A_16 : i32
    "tpu.region"() ({
      %run_scoped3A = tpu.sem_alloc : memref<!tpu.dma_semaphore, #tpu.memory_space<semaphore_mem>>
      %dma_start3A = arith.constant 0 : i32
      %dma_start3A_33 = tpu.memref_slice %arg8[%add3A_17, %dma_start3A] : memref<10112x16xf32, #tpu.memory_space<vmem_shared>> -> memref<128x16xf32, #tpu.memory_space<vmem_shared>>
      %dma_start3A_34 = arith.constant 0 : i32
      %dma_start3A_35 = tpu.memref_slice %arg8[%add3A_17, %dma_start3A_34] : memref<10112x16xf32, #tpu.memory_space<vmem_shared>> -> memref<128x16xf32, #tpu.memory_space<vmem_shared>>
      tpu.enqueue_dma source(%arg7 : memref<128x16xf32, #tpu.memory_space<vmem>>) target(%dma_start3A_35 : memref<128x16xf32, #tpu.memory_space<vmem_shared>>) target_semaphore(%run_scoped3A : memref<!tpu.dma_semaphore, #tpu.memory_space<semaphore_mem>>)
      %dma_wait3A = arith.constant 0 : i32
      %dma_wait3A_36 = tpu.memref_slice %arg8[%add3A_17, %dma_wait3A] : memref<10112x16xf32, #tpu.memory_space<vmem_shared>> -> memref<128x16xf32, #tpu.memory_space<vmem_shared>>
      %dma_wait3A_37 = arith.constant 0 : i32
      %dma_wait3A_38 = tpu.memref_slice %arg8[%add3A_17, %dma_wait3A_37] : memref<10112x16xf32, #tpu.memory_space<vmem_shared>> -> memref<128x16xf32, #tpu.memory_space<vmem_shared>>
      tpu.wait_dma2 semaphore(%run_scoped3A : memref<!tpu.dma_semaphore, #tpu.memory_space<semaphore_mem>>) src(%arg7 : memref<128x16xf32, #tpu.memory_space<vmem>>) dst(%dma_wait3A_38 : memref<128x16xf32, #tpu.memory_space<vmem_shared>>)
      tpu.yield
    }) : () -> ()
    %add3A_18 = arith.constant 512 : i32
    %add3A_19 = arith.addi %mul3A_2, %add3A_18 : i32
    "tpu.region"() ({
      %run_scoped3A = tpu.sem_alloc : memref<!tpu.dma_semaphore, #tpu.memory_space<semaphore_mem>>
      %dma_start3A = arith.constant 0 : i32
      %dma_start3A_33 = arith.constant 0 : i32
      %dma_start3A_34 = tpu.memref_slice %arg7[%dma_start3A, %dma_start3A_33] : memref<128x16xf32, #tpu.memory_space<vmem>> -> memref<120x16xf32, #tpu.memory_space<vmem>>
      %dma_start3A_35 = arith.constant 0 : i32
      %dma_start3A_36 = tpu.memref_slice %arg8[%add3A_19, %dma_start3A_35] : memref<10112x16xf32, #tpu.memory_space<vmem_shared>> -> memref<120x16xf32, #tpu.memory_space<vmem_shared>>
      %dma_start3A_37 = arith.constant 0 : i32
      %dma_start3A_38 = tpu.memref_slice %arg8[%add3A_19, %dma_start3A_37] : memref<10112x16xf32, #tpu.memory_space<vmem_shared>> -> memref<120x16xf32, #tpu.memory_space<vmem_shared>>
      %dma_start3A_39 = arith.constant 0 : i32
      %dma_start3A_40 = arith.constant 0 : i32
      %dma_start3A_41 = tpu.memref_slice %arg7[%dma_start3A_39, %dma_start3A_40] : memref<128x16xf32, #tpu.memory_space<vmem>> -> memref<120x16xf32, #tpu.memory_space<vmem>>
      tpu.enqueue_dma source(%dma_start3A_41 : memref<120x16xf32, #tpu.memory_space<vmem>>) target(%dma_start3A_38 : memref<120x16xf32, #tpu.memory_space<vmem_shared>>) target_semaphore(%run_scoped3A : memref<!tpu.dma_semaphore, #tpu.memory_space<semaphore_mem>>)
      %dma_wait3A = arith.constant 0 : i32
      %dma_wait3A_42 = arith.constant 0 : i32
      %dma_wait3A_43 = tpu.memref_slice %arg7[%dma_wait3A, %dma_wait3A_42] : memref<128x16xf32, #tpu.memory_space<vmem>> -> memref<120x16xf32, #tpu.memory_space<vmem>>
      %dma_wait3A_44 = arith.constant 0 : i32
      %dma_wait3A_45 = tpu.memref_slice %arg8[%add3A_19, %dma_wait3A_44] : memref<10112x16xf32, #tpu.memory_space<vmem_shared>> -> memref<120x16xf32, #tpu.memory_space<vmem_shared>>
      %dma_wait3A_46 = arith.constant 0 : i32
      %dma_wait3A_47 = tpu.memref_slice %arg8[%add3A_19, %dma_wait3A_46] : memref<10112x16xf32, #tpu.memory_space<vmem_shared>> -> memref<120x16xf32, #tpu.memory_space<vmem_shared>>
      %dma_wait3A_48 = arith.constant 0 : i32
      %dma_wait3A_49 = arith.constant 0 : i32
      %dma_wait3A_50 = tpu.memref_slice %arg7[%dma_wait3A_48, %dma_wait3A_49] : memref<128x16xf32, #tpu.memory_space<vmem>> -> memref<120x16xf32, #tpu.memory_space<vmem>>
      tpu.wait_dma2 semaphore(%run_scoped3A : memref<!tpu.dma_semaphore, #tpu.memory_space<semaphore_mem>>) src(%dma_wait3A_50 : memref<120x16xf32, #tpu.memory_space<vmem>>) dst(%dma_wait3A_47 : memref<120x16xf32, #tpu.memory_space<vmem_shared>>)
      tpu.yield
    }) : () -> ()
    %barrier3A = arith.constant 0 : index
    tpu.barrier barrier_id(%barrier3A)
    %scan3A_20 = arith.constant 0 : i32
    %scan3A_21 = arith.constant 80 : i32
    %scan3A_22 = arith.addi %scan3A_20, %scan3A_21 : i32
    %scan3A_23 = arith.constant 1 : i32
    scf.for %scan3A_33 = %scan3A_20 to %scan3A_22 step %scan3A_23  : i32 {
      "tpu.region"() ({
        %run_scoped3A = tpu.sem_alloc : memref<!tpu.dma_semaphore, #tpu.memory_space<semaphore_mem>>
        %dma_start3A = arith.constant 0 : i32
        %dma_start3A_34 = tpu.memref_slice %arg5[%scan3A_33, %dma_start3A] : memref<80x128xi32, #tpu.memory_space<vmem>> -> memref<1x128xi32, #tpu.memory_space<vmem>>
        %dma_start3A_35 = tpu.memref_squeeze %dma_start3A_34 : memref<1x128xi32, #tpu.memory_space<vmem>> -> memref<128xi32, #tpu.memory_space<vmem>>
        %dma_start3A_36 = arith.constant 0 : i32
        %dma_start3A_37 = arith.constant 0 : i32
        %dma_start3A_38 = tpu.memref_slice %arg8[%dma_start3A_36, %dma_start3A_37] : memref<10112x16xf32, #tpu.memory_space<vmem_shared>> -> memref<10112x16xf32, #tpu.memory_space<vmem_shared>>
        tpu.enqueue_indirect_dma source(%arg6 : memref<128x16xf32, #tpu.memory_space<vmem>>) target(%dma_start3A_38 : memref<10112x16xf32, #tpu.memory_space<vmem_shared>>) offsets(%dma_start3A_35 : memref<128xi32, #tpu.memory_space<vmem>>) semaphore(%run_scoped3A : memref<!tpu.dma_semaphore, #tpu.memory_space<semaphore_mem>>) {add = true}
        %dma_wait3A = arith.constant 0 : i32
        %dma_wait3A_39 = tpu.memref_slice %arg5[%scan3A_33, %dma_wait3A] : memref<80x128xi32, #tpu.memory_space<vmem>> -> memref<1x128xi32, #tpu.memory_space<vmem>>
        %dma_wait3A_40 = tpu.memref_squeeze %dma_wait3A_39 : memref<1x128xi32, #tpu.memory_space<vmem>> -> memref<128xi32, #tpu.memory_space<vmem>>
        %dma_wait3A_41 = arith.constant 0 : i32
        %dma_wait3A_42 = arith.constant 0 : i32
        %dma_wait3A_43 = tpu.memref_slice %arg8[%dma_wait3A_41, %dma_wait3A_42] : memref<10112x16xf32, #tpu.memory_space<vmem_shared>> -> memref<10112x16xf32, #tpu.memory_space<vmem_shared>>
        tpu.wait_indirect_dma semaphore(%run_scoped3A : memref<!tpu.dma_semaphore, #tpu.memory_space<semaphore_mem>>) src(%arg6 : memref<128x16xf32, #tpu.memory_space<vmem>>) dst(%dma_wait3A_43 : memref<10112x16xf32, #tpu.memory_space<vmem_shared>>)
        tpu.yield
      }) : () -> ()
    }
    %scan3A_24 = arith.constant 80 : i32
    %barrier3A_25 = arith.constant 0 : index
    tpu.barrier barrier_id(%barrier3A_25)
    %eq3A = arith.constant 0 : i32
    %eq3A_26 = arith.cmpi eq, %arg0, %eq3A : i32
    %convert_element_type3A = arith.extui %eq3A_26 : i1 to i32
    %cond3A = arith.constant 0 : i32
    %cond3A_27 = arith.cmpi ne, %convert_element_type3A, %cond3A : i32
    scf.if %cond3A_27 {
      "tpu.region"() ({
        %run_scoped3A = tpu.sem_alloc : memref<!tpu.dma_semaphore, #tpu.memory_space<semaphore_mem>>
        %dma_start3A = arith.constant 0 : i32
        %dma_start3A_33 = tpu.memref_slice %arg3[%mul3A_2, %dma_start3A] : memref<10112x16xf32, #tpu.memory_space<hbm>> -> memref<632x16xf32, #tpu.memory_space<hbm>>
        %dma_start3A_34 = arith.constant 0 : i32
        %dma_start3A_35 = tpu.memref_slice %arg8[%mul3A_2, %dma_start3A_34] : memref<10112x16xf32, #tpu.memory_space<vmem_shared>> -> memref<632x16xf32, #tpu.memory_space<vmem_shared>>
        tpu.enqueue_dma source(%dma_start3A_35 : memref<632x16xf32, #tpu.memory_space<vmem_shared>>) target(%dma_start3A_33 : memref<632x16xf32, #tpu.memory_space<hbm>>) target_semaphore(%run_scoped3A : memref<!tpu.dma_semaphore, #tpu.memory_space<semaphore_mem>>)
        %dma_wait3A = arith.constant 0 : i32
        %dma_wait3A_36 = tpu.memref_slice %arg3[%mul3A_2, %dma_wait3A] : memref<10112x16xf32, #tpu.memory_space<hbm>> -> memref<632x16xf32, #tpu.memory_space<hbm>>
        %dma_wait3A_37 = arith.constant 0 : i32
        %dma_wait3A_38 = tpu.memref_slice %arg8[%mul3A_2, %dma_wait3A_37] : memref<10112x16xf32, #tpu.memory_space<vmem_shared>> -> memref<632x16xf32, #tpu.memory_space<vmem_shared>>
        tpu.wait_dma2 semaphore(%run_scoped3A : memref<!tpu.dma_semaphore, #tpu.memory_space<semaphore_mem>>) src(%dma_wait3A_38 : memref<632x16xf32, #tpu.memory_space<vmem_shared>>) dst(%dma_wait3A_36 : memref<632x16xf32, #tpu.memory_space<hbm>>)
        tpu.yield
      }) : () -> ()
    } else {
    }
    %eq3A_28 = arith.constant 1 : i32
    %eq3A_29 = arith.cmpi eq, %arg0, %eq3A_28 : i32
    %convert_element_type3A_30 = arith.extui %eq3A_29 : i1 to i32
    %cond3A_31 = arith.constant 0 : i32
    %cond3A_32 = arith.cmpi ne, %convert_element_type3A_30, %cond3A_31 : i32
    scf.if %cond3A_32 {
      "tpu.region"() ({
        %run_scoped3A = tpu.sem_alloc : memref<!tpu.dma_semaphore, #tpu.memory_space<semaphore_mem>>
        %dma_start3A = arith.constant 0 : i32
        %dma_start3A_33 = tpu.memref_slice %arg4[%mul3A_2, %dma_start3A] : memref<10112x16xf32, #tpu.memory_space<hbm>> -> memref<632x16xf32, #tpu.memory_space<hbm>>
        %dma_start3A_34 = arith.constant 0 : i32
        %dma_start3A_35 = tpu.memref_slice %arg8[%mul3A_2, %dma_start3A_34] : memref<10112x16xf32, #tpu.memory_space<vmem_shared>> -> memref<632x16xf32, #tpu.memory_space<vmem_shared>>
        tpu.enqueue_dma source(%dma_start3A_35 : memref<632x16xf32, #tpu.memory_space<vmem_shared>>) target(%dma_start3A_33 : memref<632x16xf32, #tpu.memory_space<hbm>>) target_semaphore(%run_scoped3A : memref<!tpu.dma_semaphore, #tpu.memory_space<semaphore_mem>>)
        %dma_wait3A = arith.constant 0 : i32
        %dma_wait3A_36 = tpu.memref_slice %arg4[%mul3A_2, %dma_wait3A] : memref<10112x16xf32, #tpu.memory_space<hbm>> -> memref<632x16xf32, #tpu.memory_space<hbm>>
        %dma_wait3A_37 = arith.constant 0 : i32
        %dma_wait3A_38 = tpu.memref_slice %arg8[%mul3A_2, %dma_wait3A_37] : memref<10112x16xf32, #tpu.memory_space<vmem_shared>> -> memref<632x16xf32, #tpu.memory_space<vmem_shared>>
        tpu.wait_dma2 semaphore(%run_scoped3A : memref<!tpu.dma_semaphore, #tpu.memory_space<semaphore_mem>>) src(%dma_wait3A_38 : memref<632x16xf32, #tpu.memory_space<vmem_shared>>) dst(%dma_wait3A_36 : memref<632x16xf32, #tpu.memory_space<hbm>>)
        tpu.yield
      }) : () -> ()
    } else {
    }
    return
  }
}

#map = affine_map<(d0, d1) -> (0, 0)>
#map1 = affine_map<(d0, d1) -> (0)>
module attributes {stable_mosaic.version = 14 : i64} {
  func.func @_sc_segsum_body(%arg0: i32, %arg1: i32, %arg2: memref<10000x128xf32, #tpu.memory_space<hbm>>, %arg3: memref<320000xi32, #tpu.memory_space<hbm>>, %arg4: memref<320000xi32, #tpu.memory_space<hbm>>, %arg5: memref<10112x128xf32, #tpu.memory_space<hbm>>, %arg6: memref<10112x128xf32, #tpu.memory_space<hbm>>, %arg7: memref<80xi32, #tpu.memory_space<vmem>>, %arg8: memref<80xi32, #tpu.memory_space<vmem>>, %arg9: memref<80xi32, #tpu.memory_space<vmem>>, %arg10: memref<80xi32, #tpu.memory_space<vmem>>, %arg11: memref<80x128xf32, #tpu.memory_space<vmem>>, %arg12: memref<80x128xf32, #tpu.memory_space<vmem>>, %arg13: memref<10112x128xf32, #tpu.memory_space<vmem_shared>>, %arg14: memref<!tpu.dma_semaphore, #tpu.memory_space<semaphore_mem>>, %arg15: memref<!tpu.dma_semaphore, #tpu.memory_space<semaphore_mem>>) attributes {dimension_semantics = [#tpu.dimension_semantics<core_parallel>, #tpu.dimension_semantics<subcore_parallel>], iteration_bounds = array<i64: 2, 16>, scalar_prefetch = 0 : i64, scratch_operands = 9 : i64, tpu.core_type = #tpu.core_type<sc_vector_subcore>, window_params = [{transform_indices = #map}, {transform_indices = #map1}, {transform_indices = #map1}, {transform_indices = #map}, {transform_indices = #map}]} {
    %mul3A = arith.constant 16 : i32
    %mul3A_0 = arith.muli %arg0, %mul3A : i32
    %add3A = arith.addi %mul3A_0, %arg1 : i32
    %mul3A_1 = arith.constant 632 : i32
    %mul3A_2 = arith.muli %arg1, %mul3A_1 : i32
    %broadcast_in_dim3A = arith.constant 0.000000e+00 : f32
    %broadcast_in_dim3A_3 = vector.broadcast %broadcast_in_dim3A : f32 to vector<16xf32>
    %scan3A = arith.constant 0 : i32
    %scan3A_4 = arith.constant 80 : i32
    %scan3A_5 = arith.addi %scan3A, %scan3A_4 : i32
    %scan3A_6 = arith.constant 1 : i32
    scf.for %scan3A_43 = %scan3A to %scan3A_5 step %scan3A_6  : i32 {
      %swap3A = arith.index_cast %scan3A_43 : i32 to index
      %swap3A_44 = arith.constant 0 : index
      %swap3A_45 = tpu.vector_load %arg11[%swap3A, %swap3A_44] {strides = array<i32>} : memref<80x128xf32, #tpu.memory_space<vmem>>, vector<1x16xf32>,
      %swap3A_46 = vector.shape_cast %swap3A_45 : vector<1x16xf32> to vector<16xf32>
      %swap3A_47 = vector.shape_cast %broadcast_in_dim3A_3 : vector<16xf32> to vector<1x16xf32>
      tpu.vector_store %arg11[%swap3A, %swap3A_44], %swap3A_47 {strides = array<i32>} : memref<80x128xf32, #tpu.memory_space<vmem>>, vector<1x16xf32>,
      %swap3A_48 = arith.index_cast %scan3A_43 : i32 to index
      %swap3A_49 = arith.constant 16 : index
      %swap3A_50 = tpu.vector_load %arg11[%swap3A_48, %swap3A_49] {strides = array<i32>} : memref<80x128xf32, #tpu.memory_space<vmem>>, vector<1x16xf32>,
      %swap3A_51 = vector.shape_cast %swap3A_50 : vector<1x16xf32> to vector<16xf32>
      %swap3A_52 = vector.shape_cast %broadcast_in_dim3A_3 : vector<16xf32> to vector<1x16xf32>
      tpu.vector_store %arg11[%swap3A_48, %swap3A_49], %swap3A_52 {strides = array<i32>} : memref<80x128xf32, #tpu.memory_space<vmem>>, vector<1x16xf32>,
      %swap3A_53 = arith.index_cast %scan3A_43 : i32 to index
      %swap3A_54 = arith.constant 32 : index
      %swap3A_55 = tpu.vector_load %arg11[%swap3A_53, %swap3A_54] {strides = array<i32>} : memref<80x128xf32, #tpu.memory_space<vmem>>, vector<1x16xf32>,
      %swap3A_56 = vector.shape_cast %swap3A_55 : vector<1x16xf32> to vector<16xf32>
      %swap3A_57 = vector.shape_cast %broadcast_in_dim3A_3 : vector<16xf32> to vector<1x16xf32>
      tpu.vector_store %arg11[%swap3A_53, %swap3A_54], %swap3A_57 {strides = array<i32>} : memref<80x128xf32, #tpu.memory_space<vmem>>, vector<1x16xf32>,
      %swap3A_58 = arith.index_cast %scan3A_43 : i32 to index
      %swap3A_59 = arith.constant 48 : index
      %swap3A_60 = tpu.vector_load %arg11[%swap3A_58, %swap3A_59] {strides = array<i32>} : memref<80x128xf32, #tpu.memory_space<vmem>>, vector<1x16xf32>,
      %swap3A_61 = vector.shape_cast %swap3A_60 : vector<1x16xf32> to vector<16xf32>
      %swap3A_62 = vector.shape_cast %broadcast_in_dim3A_3 : vector<16xf32> to vector<1x16xf32>
      tpu.vector_store %arg11[%swap3A_58, %swap3A_59], %swap3A_62 {strides = array<i32>} : memref<80x128xf32, #tpu.memory_space<vmem>>, vector<1x16xf32>,
      %swap3A_63 = arith.index_cast %scan3A_43 : i32 to index
      %swap3A_64 = arith.constant 64 : index
      %swap3A_65 = tpu.vector_load %arg11[%swap3A_63, %swap3A_64] {strides = array<i32>} : memref<80x128xf32, #tpu.memory_space<vmem>>, vector<1x16xf32>,
      %swap3A_66 = vector.shape_cast %swap3A_65 : vector<1x16xf32> to vector<16xf32>
      %swap3A_67 = vector.shape_cast %broadcast_in_dim3A_3 : vector<16xf32> to vector<1x16xf32>
      tpu.vector_store %arg11[%swap3A_63, %swap3A_64], %swap3A_67 {strides = array<i32>} : memref<80x128xf32, #tpu.memory_space<vmem>>, vector<1x16xf32>,
      %swap3A_68 = arith.index_cast %scan3A_43 : i32 to index
      %swap3A_69 = arith.constant 80 : index
      %swap3A_70 = tpu.vector_load %arg11[%swap3A_68, %swap3A_69] {strides = array<i32>} : memref<80x128xf32, #tpu.memory_space<vmem>>, vector<1x16xf32>,
      %swap3A_71 = vector.shape_cast %swap3A_70 : vector<1x16xf32> to vector<16xf32>
      %swap3A_72 = vector.shape_cast %broadcast_in_dim3A_3 : vector<16xf32> to vector<1x16xf32>
      tpu.vector_store %arg11[%swap3A_68, %swap3A_69], %swap3A_72 {strides = array<i32>} : memref<80x128xf32, #tpu.memory_space<vmem>>, vector<1x16xf32>,
      %swap3A_73 = arith.index_cast %scan3A_43 : i32 to index
      %swap3A_74 = arith.constant 96 : index
      %swap3A_75 = tpu.vector_load %arg11[%swap3A_73, %swap3A_74] {strides = array<i32>} : memref<80x128xf32, #tpu.memory_space<vmem>>, vector<1x16xf32>,
      %swap3A_76 = vector.shape_cast %swap3A_75 : vector<1x16xf32> to vector<16xf32>
      %swap3A_77 = vector.shape_cast %broadcast_in_dim3A_3 : vector<16xf32> to vector<1x16xf32>
      tpu.vector_store %arg11[%swap3A_73, %swap3A_74], %swap3A_77 {strides = array<i32>} : memref<80x128xf32, #tpu.memory_space<vmem>>, vector<1x16xf32>,
      %swap3A_78 = arith.index_cast %scan3A_43 : i32 to index
      %swap3A_79 = arith.constant 112 : index
      %swap3A_80 = tpu.vector_load %arg11[%swap3A_78, %swap3A_79] {strides = array<i32>} : memref<80x128xf32, #tpu.memory_space<vmem>>, vector<1x16xf32>,
      %swap3A_81 = vector.shape_cast %swap3A_80 : vector<1x16xf32> to vector<16xf32>
      %swap3A_82 = vector.shape_cast %broadcast_in_dim3A_3 : vector<16xf32> to vector<1x16xf32>
      tpu.vector_store %arg11[%swap3A_78, %swap3A_79], %swap3A_82 {strides = array<i32>} : memref<80x128xf32, #tpu.memory_space<vmem>>, vector<1x16xf32>,
    }
    %scan3A_7 = arith.constant 80 : i32
    %add3A_8 = arith.constant 0 : i32
    %add3A_9 = arith.addi %mul3A_2, %add3A_8 : i32
    "tpu.region"() ({
      %run_scoped3A = tpu.sem_alloc : memref<!tpu.dma_semaphore, #tpu.memory_space<semaphore_mem>>
      %dma_start3A_43 = arith.constant 0 : i32
      %dma_start3A_44 = tpu.memref_slice %arg13[%add3A_9, %dma_start3A_43] : memref<10112x128xf32, #tpu.memory_space<vmem_shared>> -> memref<80x128xf32, #tpu.memory_space<vmem_shared>>
      %dma_start3A_45 = arith.constant 0 : i32
      %dma_start3A_46 = tpu.memref_slice %arg13[%add3A_9, %dma_start3A_45] : memref<10112x128xf32, #tpu.memory_space<vmem_shared>> -> memref<80x128xf32, #tpu.memory_space<vmem_shared>>
      tpu.enqueue_dma source(%arg11 : memref<80x128xf32, #tpu.memory_space<vmem>>) target(%dma_start3A_46 : memref<80x128xf32, #tpu.memory_space<vmem_shared>>) target_semaphore(%run_scoped3A : memref<!tpu.dma_semaphore, #tpu.memory_space<semaphore_mem>>)
      %dma_wait3A_47 = arith.constant 0 : i32
      %dma_wait3A_48 = tpu.memref_slice %arg13[%add3A_9, %dma_wait3A_47] : memref<10112x128xf32, #tpu.memory_space<vmem_shared>> -> memref<80x128xf32, #tpu.memory_space<vmem_shared>>
      %dma_wait3A_49 = arith.constant 0 : i32
      %dma_wait3A_50 = tpu.memref_slice %arg13[%add3A_9, %dma_wait3A_49] : memref<10112x128xf32, #tpu.memory_space<vmem_shared>> -> memref<80x128xf32, #tpu.memory_space<vmem_shared>>
      tpu.wait_dma2 semaphore(%run_scoped3A : memref<!tpu.dma_semaphore, #tpu.memory_space<semaphore_mem>>) src(%arg11 : memref<80x128xf32, #tpu.memory_space<vmem>>) dst(%dma_wait3A_50 : memref<80x128xf32, #tpu.memory_space<vmem_shared>>)
      tpu.yield
    }) : () -> ()
    %add3A_10 = arith.constant 80 : i32
    %add3A_11 = arith.addi %mul3A_2, %add3A_10 : i32
    "tpu.region"() ({
      %run_scoped3A = tpu.sem_alloc : memref<!tpu.dma_semaphore, #tpu.memory_space<semaphore_mem>>
      %dma_start3A_43 = arith.constant 0 : i32
      %dma_start3A_44 = tpu.memref_slice %arg13[%add3A_11, %dma_start3A_43] : memref<10112x128xf32, #tpu.memory_space<vmem_shared>> -> memref<80x128xf32, #tpu.memory_space<vmem_shared>>
      %dma_start3A_45 = arith.constant 0 : i32
      %dma_start3A_46 = tpu.memref_slice %arg13[%add3A_11, %dma_start3A_45] : memref<10112x128xf32, #tpu.memory_space<vmem_shared>> -> memref<80x128xf32, #tpu.memory_space<vmem_shared>>
      tpu.enqueue_dma source(%arg11 : memref<80x128xf32, #tpu.memory_space<vmem>>) target(%dma_start3A_46 : memref<80x128xf32, #tpu.memory_space<vmem_shared>>) target_semaphore(%run_scoped3A : memref<!tpu.dma_semaphore, #tpu.memory_space<semaphore_mem>>)
      %dma_wait3A_47 = arith.constant 0 : i32
      %dma_wait3A_48 = tpu.memref_slice %arg13[%add3A_11, %dma_wait3A_47] : memref<10112x128xf32, #tpu.memory_space<vmem_shared>> -> memref<80x128xf32, #tpu.memory_space<vmem_shared>>
      %dma_wait3A_49 = arith.constant 0 : i32
      %dma_wait3A_50 = tpu.memref_slice %arg13[%add3A_11, %dma_wait3A_49] : memref<10112x128xf32, #tpu.memory_space<vmem_shared>> -> memref<80x128xf32, #tpu.memory_space<vmem_shared>>
      tpu.wait_dma2 semaphore(%run_scoped3A : memref<!tpu.dma_semaphore, #tpu.memory_space<semaphore_mem>>) src(%arg11 : memref<80x128xf32, #tpu.memory_space<vmem>>) dst(%dma_wait3A_50 : memref<80x128xf32, #tpu.memory_space<vmem_shared>>)
      tpu.yield
    }) : () -> ()
    %add3A_12 = arith.constant 160 : i32
    %add3A_13 = arith.addi %mul3A_2, %add3A_12 : i32
    "tpu.region"() ({
      %run_scoped3A = tpu.sem_alloc : memref<!tpu.dma_semaphore, #tpu.memory_space<semaphore_mem>>
      %dma_start3A_43 = arith.constant 0 : i32
      %dma_start3A_44 = tpu.memref_slice %arg13[%add3A_13, %dma_start3A_43] : memref<10112x128xf32, #tpu.memory_space<vmem_shared>> -> memref<80x128xf32, #tpu.memory_space<vmem_shared>>
      %dma_start3A_45 = arith.constant 0 : i32
      %dma_start3A_46 = tpu.memref_slice %arg13[%add3A_13, %dma_start3A_45] : memref<10112x128xf32, #tpu.memory_space<vmem_shared>> -> memref<80x128xf32, #tpu.memory_space<vmem_shared>>
      tpu.enqueue_dma source(%arg11 : memref<80x128xf32, #tpu.memory_space<vmem>>) target(%dma_start3A_46 : memref<80x128xf32, #tpu.memory_space<vmem_shared>>) target_semaphore(%run_scoped3A : memref<!tpu.dma_semaphore, #tpu.memory_space<semaphore_mem>>)
      %dma_wait3A_47 = arith.constant 0 : i32
      %dma_wait3A_48 = tpu.memref_slice %arg13[%add3A_13, %dma_wait3A_47] : memref<10112x128xf32, #tpu.memory_space<vmem_shared>> -> memref<80x128xf32, #tpu.memory_space<vmem_shared>>
      %dma_wait3A_49 = arith.constant 0 : i32
      %dma_wait3A_50 = tpu.memref_slice %arg13[%add3A_13, %dma_wait3A_49] : memref<10112x128xf32, #tpu.memory_space<vmem_shared>> -> memref<80x128xf32, #tpu.memory_space<vmem_shared>>
      tpu.wait_dma2 semaphore(%run_scoped3A : memref<!tpu.dma_semaphore, #tpu.memory_space<semaphore_mem>>) src(%arg11 : memref<80x128xf32, #tpu.memory_space<vmem>>) dst(%dma_wait3A_50 : memref<80x128xf32, #tpu.memory_space<vmem_shared>>)
      tpu.yield
    }) : () -> ()
    %add3A_14 = arith.constant 240 : i32
    %add3A_15 = arith.addi %mul3A_2, %add3A_14 : i32
    "tpu.region"() ({
      %run_scoped3A = tpu.sem_alloc : memref<!tpu.dma_semaphore, #tpu.memory_space<semaphore_mem>>
      %dma_start3A_43 = arith.constant 0 : i32
      %dma_start3A_44 = tpu.memref_slice %arg13[%add3A_15, %dma_start3A_43] : memref<10112x128xf32, #tpu.memory_space<vmem_shared>> -> memref<80x128xf32, #tpu.memory_space<vmem_shared>>
      %dma_start3A_45 = arith.constant 0 : i32
      %dma_start3A_46 = tpu.memref_slice %arg13[%add3A_15, %dma_start3A_45] : memref<10112x128xf32, #tpu.memory_space<vmem_shared>> -> memref<80x128xf32, #tpu.memory_space<vmem_shared>>
      tpu.enqueue_dma source(%arg11 : memref<80x128xf32, #tpu.memory_space<vmem>>) target(%dma_start3A_46 : memref<80x128xf32, #tpu.memory_space<vmem_shared>>) target_semaphore(%run_scoped3A : memref<!tpu.dma_semaphore, #tpu.memory_space<semaphore_mem>>)
      %dma_wait3A_47 = arith.constant 0 : i32
      %dma_wait3A_48 = tpu.memref_slice %arg13[%add3A_15, %dma_wait3A_47] : memref<10112x128xf32, #tpu.memory_space<vmem_shared>> -> memref<80x128xf32, #tpu.memory_space<vmem_shared>>
      %dma_wait3A_49 = arith.constant 0 : i32
      %dma_wait3A_50 = tpu.memref_slice %arg13[%add3A_15, %dma_wait3A_49] : memref<10112x128xf32, #tpu.memory_space<vmem_shared>> -> memref<80x128xf32, #tpu.memory_space<vmem_shared>>
      tpu.wait_dma2 semaphore(%run_scoped3A : memref<!tpu.dma_semaphore, #tpu.memory_space<semaphore_mem>>) src(%arg11 : memref<80x128xf32, #tpu.memory_space<vmem>>) dst(%dma_wait3A_50 : memref<80x128xf32, #tpu.memory_space<vmem_shared>>)
      tpu.yield
    }) : () -> ()
    %add3A_16 = arith.constant 320 : i32
    %add3A_17 = arith.addi %mul3A_2, %add3A_16 : i32
    "tpu.region"() ({
      %run_scoped3A = tpu.sem_alloc : memref<!tpu.dma_semaphore, #tpu.memory_space<semaphore_mem>>
      %dma_start3A_43 = arith.constant 0 : i32
      %dma_start3A_44 = tpu.memref_slice %arg13[%add3A_17, %dma_start3A_43] : memref<10112x128xf32, #tpu.memory_space<vmem_shared>> -> memref<80x128xf32, #tpu.memory_space<vmem_shared>>
      %dma_start3A_45 = arith.constant 0 : i32
      %dma_start3A_46 = tpu.memref_slice %arg13[%add3A_17, %dma_start3A_45] : memref<10112x128xf32, #tpu.memory_space<vmem_shared>> -> memref<80x128xf32, #tpu.memory_space<vmem_shared>>
      tpu.enqueue_dma source(%arg11 : memref<80x128xf32, #tpu.memory_space<vmem>>) target(%dma_start3A_46 : memref<80x128xf32, #tpu.memory_space<vmem_shared>>) target_semaphore(%run_scoped3A : memref<!tpu.dma_semaphore, #tpu.memory_space<semaphore_mem>>)
      %dma_wait3A_47 = arith.constant 0 : i32
      %dma_wait3A_48 = tpu.memref_slice %arg13[%add3A_17, %dma_wait3A_47] : memref<10112x128xf32, #tpu.memory_space<vmem_shared>> -> memref<80x128xf32, #tpu.memory_space<vmem_shared>>
      %dma_wait3A_49 = arith.constant 0 : i32
      %dma_wait3A_50 = tpu.memref_slice %arg13[%add3A_17, %dma_wait3A_49] : memref<10112x128xf32, #tpu.memory_space<vmem_shared>> -> memref<80x128xf32, #tpu.memory_space<vmem_shared>>
      tpu.wait_dma2 semaphore(%run_scoped3A : memref<!tpu.dma_semaphore, #tpu.memory_space<semaphore_mem>>) src(%arg11 : memref<80x128xf32, #tpu.memory_space<vmem>>) dst(%dma_wait3A_50 : memref<80x128xf32, #tpu.memory_space<vmem_shared>>)
      tpu.yield
    }) : () -> ()
    %add3A_18 = arith.constant 400 : i32
    %add3A_19 = arith.addi %mul3A_2, %add3A_18 : i32
    "tpu.region"() ({
      %run_scoped3A = tpu.sem_alloc : memref<!tpu.dma_semaphore, #tpu.memory_space<semaphore_mem>>
      %dma_start3A_43 = arith.constant 0 : i32
      %dma_start3A_44 = tpu.memref_slice %arg13[%add3A_19, %dma_start3A_43] : memref<10112x128xf32, #tpu.memory_space<vmem_shared>> -> memref<80x128xf32, #tpu.memory_space<vmem_shared>>
      %dma_start3A_45 = arith.constant 0 : i32
      %dma_start3A_46 = tpu.memref_slice %arg13[%add3A_19, %dma_start3A_45] : memref<10112x128xf32, #tpu.memory_space<vmem_shared>> -> memref<80x128xf32, #tpu.memory_space<vmem_shared>>
      tpu.enqueue_dma source(%arg11 : memref<80x128xf32, #tpu.memory_space<vmem>>) target(%dma_start3A_46 : memref<80x128xf32, #tpu.memory_space<vmem_shared>>) target_semaphore(%run_scoped3A : memref<!tpu.dma_semaphore, #tpu.memory_space<semaphore_mem>>)
      %dma_wait3A_47 = arith.constant 0 : i32
      %dma_wait3A_48 = tpu.memref_slice %arg13[%add3A_19, %dma_wait3A_47] : memref<10112x128xf32, #tpu.memory_space<vmem_shared>> -> memref<80x128xf32, #tpu.memory_space<vmem_shared>>
      %dma_wait3A_49 = arith.constant 0 : i32
      %dma_wait3A_50 = tpu.memref_slice %arg13[%add3A_19, %dma_wait3A_49] : memref<10112x128xf32, #tpu.memory_space<vmem_shared>> -> memref<80x128xf32, #tpu.memory_space<vmem_shared>>
      tpu.wait_dma2 semaphore(%run_scoped3A : memref<!tpu.dma_semaphore, #tpu.memory_space<semaphore_mem>>) src(%arg11 : memref<80x128xf32, #tpu.memory_space<vmem>>) dst(%dma_wait3A_50 : memref<80x128xf32, #tpu.memory_space<vmem_shared>>)
      tpu.yield
    }) : () -> ()
    %add3A_20 = arith.constant 480 : i32
    %add3A_21 = arith.addi %mul3A_2, %add3A_20 : i32
    "tpu.region"() ({
      %run_scoped3A = tpu.sem_alloc : memref<!tpu.dma_semaphore, #tpu.memory_space<semaphore_mem>>
      %dma_start3A_43 = arith.constant 0 : i32
      %dma_start3A_44 = tpu.memref_slice %arg13[%add3A_21, %dma_start3A_43] : memref<10112x128xf32, #tpu.memory_space<vmem_shared>> -> memref<80x128xf32, #tpu.memory_space<vmem_shared>>
      %dma_start3A_45 = arith.constant 0 : i32
      %dma_start3A_46 = tpu.memref_slice %arg13[%add3A_21, %dma_start3A_45] : memref<10112x128xf32, #tpu.memory_space<vmem_shared>> -> memref<80x128xf32, #tpu.memory_space<vmem_shared>>
      tpu.enqueue_dma source(%arg11 : memref<80x128xf32, #tpu.memory_space<vmem>>) target(%dma_start3A_46 : memref<80x128xf32, #tpu.memory_space<vmem_shared>>) target_semaphore(%run_scoped3A : memref<!tpu.dma_semaphore, #tpu.memory_space<semaphore_mem>>)
      %dma_wait3A_47 = arith.constant 0 : i32
      %dma_wait3A_48 = tpu.memref_slice %arg13[%add3A_21, %dma_wait3A_47] : memref<10112x128xf32, #tpu.memory_space<vmem_shared>> -> memref<80x128xf32, #tpu.memory_space<vmem_shared>>
      %dma_wait3A_49 = arith.constant 0 : i32
      %dma_wait3A_50 = tpu.memref_slice %arg13[%add3A_21, %dma_wait3A_49] : memref<10112x128xf32, #tpu.memory_space<vmem_shared>> -> memref<80x128xf32, #tpu.memory_space<vmem_shared>>
      tpu.wait_dma2 semaphore(%run_scoped3A : memref<!tpu.dma_semaphore, #tpu.memory_space<semaphore_mem>>) src(%arg11 : memref<80x128xf32, #tpu.memory_space<vmem>>) dst(%dma_wait3A_50 : memref<80x128xf32, #tpu.memory_space<vmem_shared>>)
      tpu.yield
    }) : () -> ()
    %add3A_22 = arith.constant 560 : i32
    %add3A_23 = arith.addi %mul3A_2, %add3A_22 : i32
    "tpu.region"() ({
      %run_scoped3A = tpu.sem_alloc : memref<!tpu.dma_semaphore, #tpu.memory_space<semaphore_mem>>
      %dma_start3A_43 = arith.constant 0 : i32
      %dma_start3A_44 = arith.constant 0 : i32
      %dma_start3A_45 = tpu.memref_slice %arg11[%dma_start3A_43, %dma_start3A_44] : memref<80x128xf32, #tpu.memory_space<vmem>> -> memref<72x128xf32, #tpu.memory_space<vmem>>
      %dma_start3A_46 = arith.constant 0 : i32
      %dma_start3A_47 = tpu.memref_slice %arg13[%add3A_23, %dma_start3A_46] : memref<10112x128xf32, #tpu.memory_space<vmem_shared>> -> memref<72x128xf32, #tpu.memory_space<vmem_shared>>
      %dma_start3A_48 = arith.constant 0 : i32
      %dma_start3A_49 = tpu.memref_slice %arg13[%add3A_23, %dma_start3A_48] : memref<10112x128xf32, #tpu.memory_space<vmem_shared>> -> memref<72x128xf32, #tpu.memory_space<vmem_shared>>
      %dma_start3A_50 = arith.constant 0 : i32
      %dma_start3A_51 = arith.constant 0 : i32
      %dma_start3A_52 = tpu.memref_slice %arg11[%dma_start3A_50, %dma_start3A_51] : memref<80x128xf32, #tpu.memory_space<vmem>> -> memref<72x128xf32, #tpu.memory_space<vmem>>
      tpu.enqueue_dma source(%dma_start3A_52 : memref<72x128xf32, #tpu.memory_space<vmem>>) target(%dma_start3A_49 : memref<72x128xf32, #tpu.memory_space<vmem_shared>>) target_semaphore(%run_scoped3A : memref<!tpu.dma_semaphore, #tpu.memory_space<semaphore_mem>>)
      %dma_wait3A_53 = arith.constant 0 : i32
      %dma_wait3A_54 = arith.constant 0 : i32
      %dma_wait3A_55 = tpu.memref_slice %arg11[%dma_wait3A_53, %dma_wait3A_54] : memref<80x128xf32, #tpu.memory_space<vmem>> -> memref<72x128xf32, #tpu.memory_space<vmem>>
      %dma_wait3A_56 = arith.constant 0 : i32
      %dma_wait3A_57 = tpu.memref_slice %arg13[%add3A_23, %dma_wait3A_56] : memref<10112x128xf32, #tpu.memory_space<vmem_shared>> -> memref<72x128xf32, #tpu.memory_space<vmem_shared>>
      %dma_wait3A_58 = arith.constant 0 : i32
      %dma_wait3A_59 = tpu.memref_slice %arg13[%add3A_23, %dma_wait3A_58] : memref<10112x128xf32, #tpu.memory_space<vmem_shared>> -> memref<72x128xf32, #tpu.memory_space<vmem_shared>>
      %dma_wait3A_60 = arith.constant 0 : i32
      %dma_wait3A_61 = arith.constant 0 : i32
      %dma_wait3A_62 = tpu.memref_slice %arg11[%dma_wait3A_60, %dma_wait3A_61] : memref<80x128xf32, #tpu.memory_space<vmem>> -> memref<72x128xf32, #tpu.memory_space<vmem>>
      tpu.wait_dma2 semaphore(%run_scoped3A : memref<!tpu.dma_semaphore, #tpu.memory_space<semaphore_mem>>) src(%dma_wait3A_62 : memref<72x128xf32, #tpu.memory_space<vmem>>) dst(%dma_wait3A_59 : memref<72x128xf32, #tpu.memory_space<vmem_shared>>)
      tpu.yield
    }) : () -> ()
    %barrier3A = arith.constant 0 : index
    tpu.barrier barrier_id(%barrier3A)
    %mul3A_24 = arith.constant 10000 : i32
    %mul3A_25 = arith.muli %add3A, %mul3A_24 : i32
    "tpu.region"() ({
      %run_scoped3A = tpu.sem_alloc : memref<!tpu.dma_semaphore, #tpu.memory_space<semaphore_mem>>
      %dma_start3A_43 = tpu.memref_slice %arg3[%mul3A_25] : memref<320000xi32, #tpu.memory_space<hbm>> -> memref<80xi32, #tpu.memory_space<hbm>>
      %dma_start3A_44 = tpu.memref_slice %arg3[%mul3A_25] : memref<320000xi32, #tpu.memory_space<hbm>> -> memref<80xi32, #tpu.memory_space<hbm>>
      tpu.enqueue_dma source(%dma_start3A_44 : memref<80xi32, #tpu.memory_space<hbm>>) target(%arg7 : memref<80xi32, #tpu.memory_space<vmem>>) target_semaphore(%run_scoped3A : memref<!tpu.dma_semaphore, #tpu.memory_space<semaphore_mem>>)
      %dma_wait3A_45 = tpu.memref_slice %arg3[%mul3A_25] : memref<320000xi32, #tpu.memory_space<hbm>> -> memref<80xi32, #tpu.memory_space<hbm>>
      %dma_wait3A_46 = tpu.memref_slice %arg3[%mul3A_25] : memref<320000xi32, #tpu.memory_space<hbm>> -> memref<80xi32, #tpu.memory_space<hbm>>
      tpu.wait_dma2 semaphore(%run_scoped3A : memref<!tpu.dma_semaphore, #tpu.memory_space<semaphore_mem>>) src(%dma_wait3A_46 : memref<80xi32, #tpu.memory_space<hbm>>) dst(%arg7 : memref<80xi32, #tpu.memory_space<vmem>>)
      tpu.yield
    }) : () -> ()
    "tpu.region"() ({
      %run_scoped3A = tpu.sem_alloc : memref<!tpu.dma_semaphore, #tpu.memory_space<semaphore_mem>>
      %dma_start3A_43 = tpu.memref_slice %arg4[%mul3A_25] : memref<320000xi32, #tpu.memory_space<hbm>> -> memref<80xi32, #tpu.memory_space<hbm>>
      %dma_start3A_44 = tpu.memref_slice %arg4[%mul3A_25] : memref<320000xi32, #tpu.memory_space<hbm>> -> memref<80xi32, #tpu.memory_space<hbm>>
      tpu.enqueue_dma source(%dma_start3A_44 : memref<80xi32, #tpu.memory_space<hbm>>) target(%arg8 : memref<80xi32, #tpu.memory_space<vmem>>) target_semaphore(%run_scoped3A : memref<!tpu.dma_semaphore, #tpu.memory_space<semaphore_mem>>)
      %dma_wait3A_45 = tpu.memref_slice %arg4[%mul3A_25] : memref<320000xi32, #tpu.memory_space<hbm>> -> memref<80xi32, #tpu.memory_space<hbm>>
      %dma_wait3A_46 = tpu.memref_slice %arg4[%mul3A_25] : memref<320000xi32, #tpu.memory_space<hbm>> -> memref<80xi32, #tpu.memory_space<hbm>>
      tpu.wait_dma2 semaphore(%run_scoped3A : memref<!tpu.dma_semaphore, #tpu.memory_space<semaphore_mem>>) src(%dma_wait3A_46 : memref<80xi32, #tpu.memory_space<hbm>>) dst(%arg8 : memref<80xi32, #tpu.memory_space<vmem>>)
      tpu.yield
    }) : () -> ()
    %dma_start3A = arith.constant 0 : i32
    %dma_start3A_26 = arith.constant 0 : i32
    %dma_start3A_27 = tpu.memref_slice %arg2[%dma_start3A, %dma_start3A_26] : memref<10000x128xf32, #tpu.memory_space<hbm>> -> memref<10000x128xf32, #tpu.memory_space<hbm>>
    tpu.enqueue_indirect_dma source(%dma_start3A_27 : memref<10000x128xf32, #tpu.memory_space<hbm>>) target(%arg11 : memref<80x128xf32, #tpu.memory_space<vmem>>) offsets(%arg7 : memref<80xi32, #tpu.memory_space<vmem>>) semaphore(%arg14 : memref<!tpu.dma_semaphore, #tpu.memory_space<semaphore_mem>>)
    %scan3A_28 = arith.constant 0 : i32
    %scan3A_29 = arith.constant 62 : i32
    %scan3A_30 = arith.addi %scan3A_28, %scan3A_29 : i32
    %scan3A_31 = arith.constant 1 : i32
    scf.for %scan3A_43 = %scan3A_28 to %scan3A_30 step %scan3A_31  : i32 {
      %mul3A_44 = arith.constant 2 : i32
      %mul3A_45 = arith.muli %mul3A_44, %scan3A_43 : i32
      %add3A_46 = arith.constant 1 : i32
      %add3A_47 = arith.addi %mul3A_45, %add3A_46 : i32
      %mul3A_48 = arith.constant 80 : i32
      %mul3A_49 = arith.muli %add3A_47, %mul3A_48 : i32
      %add3A_50 = arith.addi %mul3A_25, %mul3A_49 : i32
      "tpu.region"() ({
        %run_scoped3A = tpu.sem_alloc : memref<!tpu.dma_semaphore, #tpu.memory_space<semaphore_mem>>
        %dma_start3A_70 = tpu.memref_slice %arg3[%add3A_50] : memref<320000xi32, #tpu.memory_space<hbm>> -> memref<80xi32, #tpu.memory_space<hbm>>
        %dma_start3A_71 = tpu.memref_slice %arg3[%add3A_50] : memref<320000xi32, #tpu.memory_space<hbm>> -> memref<80xi32, #tpu.memory_space<hbm>>
        tpu.enqueue_dma source(%dma_start3A_71 : memref<80xi32, #tpu.memory_space<hbm>>) target(%arg9 : memref<80xi32, #tpu.memory_space<vmem>>) target_semaphore(%run_scoped3A : memref<!tpu.dma_semaphore, #tpu.memory_space<semaphore_mem>>)
        %dma_wait3A_72 = tpu.memref_slice %arg3[%add3A_50] : memref<320000xi32, #tpu.memory_space<hbm>> -> memref<80xi32, #tpu.memory_space<hbm>>
        %dma_wait3A_73 = tpu.memref_slice %arg3[%add3A_50] : memref<320000xi32, #tpu.memory_space<hbm>> -> memref<80xi32, #tpu.memory_space<hbm>>
        tpu.wait_dma2 semaphore(%run_scoped3A : memref<!tpu.dma_semaphore, #tpu.memory_space<semaphore_mem>>) src(%dma_wait3A_73 : memref<80xi32, #tpu.memory_space<hbm>>) dst(%arg9 : memref<80xi32, #tpu.memory_space<vmem>>)
        tpu.yield
      }) : () -> ()
      "tpu.region"() ({
        %run_scoped3A = tpu.sem_alloc : memref<!tpu.dma_semaphore, #tpu.memory_space<semaphore_mem>>
        %dma_start3A_70 = tpu.memref_slice %arg4[%add3A_50] : memref<320000xi32, #tpu.memory_space<hbm>> -> memref<80xi32, #tpu.memory_space<hbm>>
        %dma_start3A_71 = tpu.memref_slice %arg4[%add3A_50] : memref<320000xi32, #tpu.memory_space<hbm>> -> memref<80xi32, #tpu.memory_space<hbm>>
        tpu.enqueue_dma source(%dma_start3A_71 : memref<80xi32, #tpu.memory_space<hbm>>) target(%arg10 : memref<80xi32, #tpu.memory_space<vmem>>) target_semaphore(%run_scoped3A : memref<!tpu.dma_semaphore, #tpu.memory_space<semaphore_mem>>)
        %dma_wait3A_72 = tpu.memref_slice %arg4[%add3A_50] : memref<320000xi32, #tpu.memory_space<hbm>> -> memref<80xi32, #tpu.memory_space<hbm>>
        %dma_wait3A_73 = tpu.memref_slice %arg4[%add3A_50] : memref<320000xi32, #tpu.memory_space<hbm>> -> memref<80xi32, #tpu.memory_space<hbm>>
        tpu.wait_dma2 semaphore(%run_scoped3A : memref<!tpu.dma_semaphore, #tpu.memory_space<semaphore_mem>>) src(%dma_wait3A_73 : memref<80xi32, #tpu.memory_space<hbm>>) dst(%arg10 : memref<80xi32, #tpu.memory_space<vmem>>)
        tpu.yield
      }) : () -> ()
      %dma_start3A_51 = arith.constant 0 : i32
      %dma_start3A_52 = arith.constant 0 : i32
      %dma_start3A_53 = tpu.memref_slice %arg2[%dma_start3A_51, %dma_start3A_52] : memref<10000x128xf32, #tpu.memory_space<hbm>> -> memref<10000x128xf32, #tpu.memory_space<hbm>>
      tpu.enqueue_indirect_dma source(%dma_start3A_53 : memref<10000x128xf32, #tpu.memory_space<hbm>>) target(%arg12 : memref<80x128xf32, #tpu.memory_space<vmem>>) offsets(%arg9 : memref<80xi32, #tpu.memory_space<vmem>>) semaphore(%arg15 : memref<!tpu.dma_semaphore, #tpu.memory_space<semaphore_mem>>)
      %dma_wait3A_54 = arith.constant 0 : i32
      %dma_wait3A_55 = arith.constant 0 : i32
      %dma_wait3A_56 = tpu.memref_slice %arg2[%dma_wait3A_54, %dma_wait3A_55] : memref<10000x128xf32, #tpu.memory_space<hbm>> -> memref<10000x128xf32, #tpu.memory_space<hbm>>
      tpu.wait_indirect_dma semaphore(%arg14 : memref<!tpu.dma_semaphore, #tpu.memory_space<semaphore_mem>>) src(%dma_wait3A_56 : memref<10000x128xf32, #tpu.memory_space<hbm>>) dst(%arg11 : memref<80x128xf32, #tpu.memory_space<vmem>>)
      "tpu.region"() ({
        %run_scoped3A = tpu.sem_alloc : memref<!tpu.dma_semaphore, #tpu.memory_space<semaphore_mem>>
        %dma_start3A_70 = arith.constant 0 : i32
        %dma_start3A_71 = arith.constant 0 : i32
        %dma_start3A_72 = tpu.memref_slice %arg13[%dma_start3A_70, %dma_start3A_71] : memref<10112x128xf32, #tpu.memory_space<vmem_shared>> -> memref<10112x128xf32, #tpu.memory_space<vmem_shared>>
        tpu.enqueue_indirect_dma source(%arg11 : memref<80x128xf32, #tpu.memory_space<vmem>>) target(%dma_start3A_72 : memref<10112x128xf32, #tpu.memory_space<vmem_shared>>) offsets(%arg8 : memref<80xi32, #tpu.memory_space<vmem>>) semaphore(%run_scoped3A : memref<!tpu.dma_semaphore, #tpu.memory_space<semaphore_mem>>) {add = true}
        %dma_wait3A_73 = arith.constant 0 : i32
        %dma_wait3A_74 = arith.constant 0 : i32
        %dma_wait3A_75 = tpu.memref_slice %arg13[%dma_wait3A_73, %dma_wait3A_74] : memref<10112x128xf32, #tpu.memory_space<vmem_shared>> -> memref<10112x128xf32, #tpu.memory_space<vmem_shared>>
        tpu.wait_indirect_dma semaphore(%run_scoped3A : memref<!tpu.dma_semaphore, #tpu.memory_space<semaphore_mem>>) src(%arg11 : memref<80x128xf32, #tpu.memory_space<vmem>>) dst(%dma_wait3A_75 : memref<10112x128xf32, #tpu.memory_space<vmem_shared>>)
        tpu.yield
      }) : () -> ()
      %mul3A_57 = arith.constant 2 : i32
      %mul3A_58 = arith.muli %mul3A_57, %scan3A_43 : i32
      %add3A_59 = arith.constant 2 : i32
      %add3A_60 = arith.addi %mul3A_58, %add3A_59 : i32
      %mul3A_61 = arith.constant 80 : i32
      %mul3A_62 = arith.muli %add3A_60, %mul3A_61 : i32
      %add3A_63 = arith.addi %mul3A_25, %mul3A_62 : i32
      "tpu.region"() ({
        %run_scoped3A = tpu.sem_alloc : memref<!tpu.dma_semaphore, #tpu.memory_space<semaphore_mem>>
        %dma_start3A_70 = tpu.memref_slice %arg3[%add3A_63] : memref<320000xi32, #tpu.memory_space<hbm>> -> memref<80xi32, #tpu.memory_space<hbm>>
        %dma_start3A_71 = tpu.memref_slice %arg3[%add3A_63] : memref<320000xi32, #tpu.memory_space<hbm>> -> memref<80xi32, #tpu.memory_space<hbm>>
        tpu.enqueue_dma source(%dma_start3A_71 : memref<80xi32, #tpu.memory_space<hbm>>) target(%arg7 : memref<80xi32, #tpu.memory_space<vmem>>) target_semaphore(%run_scoped3A : memref<!tpu.dma_semaphore, #tpu.memory_space<semaphore_mem>>)
        %dma_wait3A_72 = tpu.memref_slice %arg3[%add3A_63] : memref<320000xi32, #tpu.memory_space<hbm>> -> memref<80xi32, #tpu.memory_space<hbm>>
        %dma_wait3A_73 = tpu.memref_slice %arg3[%add3A_63] : memref<320000xi32, #tpu.memory_space<hbm>> -> memref<80xi32, #tpu.memory_space<hbm>>
        tpu.wait_dma2 semaphore(%run_scoped3A : memref<!tpu.dma_semaphore, #tpu.memory_space<semaphore_mem>>) src(%dma_wait3A_73 : memref<80xi32, #tpu.memory_space<hbm>>) dst(%arg7 : memref<80xi32, #tpu.memory_space<vmem>>)
        tpu.yield
      }) : () -> ()
      "tpu.region"() ({
        %run_scoped3A = tpu.sem_alloc : memref<!tpu.dma_semaphore, #tpu.memory_space<semaphore_mem>>
        %dma_start3A_70 = tpu.memref_slice %arg4[%add3A_63] : memref<320000xi32, #tpu.memory_space<hbm>> -> memref<80xi32, #tpu.memory_space<hbm>>
        %dma_start3A_71 = tpu.memref_slice %arg4[%add3A_63] : memref<320000xi32, #tpu.memory_space<hbm>> -> memref<80xi32, #tpu.memory_space<hbm>>
        tpu.enqueue_dma source(%dma_start3A_71 : memref<80xi32, #tpu.memory_space<hbm>>) target(%arg8 : memref<80xi32, #tpu.memory_space<vmem>>) target_semaphore(%run_scoped3A : memref<!tpu.dma_semaphore, #tpu.memory_space<semaphore_mem>>)
        %dma_wait3A_72 = tpu.memref_slice %arg4[%add3A_63] : memref<320000xi32, #tpu.memory_space<hbm>> -> memref<80xi32, #tpu.memory_space<hbm>>
        %dma_wait3A_73 = tpu.memref_slice %arg4[%add3A_63] : memref<320000xi32, #tpu.memory_space<hbm>> -> memref<80xi32, #tpu.memory_space<hbm>>
        tpu.wait_dma2 semaphore(%run_scoped3A : memref<!tpu.dma_semaphore, #tpu.memory_space<semaphore_mem>>) src(%dma_wait3A_73 : memref<80xi32, #tpu.memory_space<hbm>>) dst(%arg8 : memref<80xi32, #tpu.memory_space<vmem>>)
        tpu.yield
      }) : () -> ()
      %dma_start3A_64 = arith.constant 0 : i32
      %dma_start3A_65 = arith.constant 0 : i32
      %dma_start3A_66 = tpu.memref_slice %arg2[%dma_start3A_64, %dma_start3A_65] : memref<10000x128xf32, #tpu.memory_space<hbm>> -> memref<10000x128xf32, #tpu.memory_space<hbm>>
      tpu.enqueue_indirect_dma source(%dma_start3A_66 : memref<10000x128xf32, #tpu.memory_space<hbm>>) target(%arg11 : memref<80x128xf32, #tpu.memory_space<vmem>>) offsets(%arg7 : memref<80xi32, #tpu.memory_space<vmem>>) semaphore(%arg14 : memref<!tpu.dma_semaphore, #tpu.memory_space<semaphore_mem>>)
      %dma_wait3A_67 = arith.constant 0 : i32
      %dma_wait3A_68 = arith.constant 0 : i32
      %dma_wait3A_69 = tpu.memref_slice %arg2[%dma_wait3A_67, %dma_wait3A_68] : memref<10000x128xf32, #tpu.memory_space<hbm>> -> memref<10000x128xf32, #tpu.memory_space<hbm>>
      tpu.wait_indirect_dma semaphore(%arg15 : memref<!tpu.dma_semaphore, #tpu.memory_space<semaphore_mem>>) src(%dma_wait3A_69 : memref<10000x128xf32, #tpu.memory_space<hbm>>) dst(%arg12 : memref<80x128xf32, #tpu.memory_space<vmem>>)
      "tpu.region"() ({
        %run_scoped3A = tpu.sem_alloc : memref<!tpu.dma_semaphore, #tpu.memory_space<semaphore_mem>>
        %dma_start3A_70 = arith.constant 0 : i32
        %dma_start3A_71 = arith.constant 0 : i32
        %dma_start3A_72 = tpu.memref_slice %arg13[%dma_start3A_70, %dma_start3A_71] : memref<10112x128xf32, #tpu.memory_space<vmem_shared>> -> memref<10112x128xf32, #tpu.memory_space<vmem_shared>>
        tpu.enqueue_indirect_dma source(%arg12 : memref<80x128xf32, #tpu.memory_space<vmem>>) target(%dma_start3A_72 : memref<10112x128xf32, #tpu.memory_space<vmem_shared>>) offsets(%arg10 : memref<80xi32, #tpu.memory_space<vmem>>) semaphore(%run_scoped3A : memref<!tpu.dma_semaphore, #tpu.memory_space<semaphore_mem>>) {add = true}
        %dma_wait3A_73 = arith.constant 0 : i32
        %dma_wait3A_74 = arith.constant 0 : i32
        %dma_wait3A_75 = tpu.memref_slice %arg13[%dma_wait3A_73, %dma_wait3A_74] : memref<10112x128xf32, #tpu.memory_space<vmem_shared>> -> memref<10112x128xf32, #tpu.memory_space<vmem_shared>>
        tpu.wait_indirect_dma semaphore(%run_scoped3A : memref<!tpu.dma_semaphore, #tpu.memory_space<semaphore_mem>>) src(%arg12 : memref<80x128xf32, #tpu.memory_space<vmem>>) dst(%dma_wait3A_75 : memref<10112x128xf32, #tpu.memory_space<vmem_shared>>)
        tpu.yield
      }) : () -> ()
    }
    %scan3A_32 = arith.constant 62 : i32
    %dma_wait3A = arith.constant 0 : i32
    %dma_wait3A_33 = arith.constant 0 : i32
    %dma_wait3A_34 = tpu.memref_slice %arg2[%dma_wait3A, %dma_wait3A_33] : memref<10000x128xf32, #tpu.memory_space<hbm>> -> memref<10000x128xf32, #tpu.memory_space<hbm>>
    tpu.wait_indirect_dma semaphore(%arg14 : memref<!tpu.dma_semaphore, #tpu.memory_space<semaphore_mem>>) src(%dma_wait3A_34 : memref<10000x128xf32, #tpu.memory_space<hbm>>) dst(%arg11 : memref<80x128xf32, #tpu.memory_space<vmem>>)
    "tpu.region"() ({
      %run_scoped3A = tpu.sem_alloc : memref<!tpu.dma_semaphore, #tpu.memory_space<semaphore_mem>>
      %dma_start3A_43 = arith.constant 0 : i32
      %dma_start3A_44 = arith.constant 0 : i32
      %dma_start3A_45 = tpu.memref_slice %arg13[%dma_start3A_43, %dma_start3A_44] : memref<10112x128xf32, #tpu.memory_space<vmem_shared>> -> memref<10112x128xf32, #tpu.memory_space<vmem_shared>>
      tpu.enqueue_indirect_dma source(%arg11 : memref<80x128xf32, #tpu.memory_space<vmem>>) target(%dma_start3A_45 : memref<10112x128xf32, #tpu.memory_space<vmem_shared>>) offsets(%arg8 : memref<80xi32, #tpu.memory_space<vmem>>) semaphore(%run_scoped3A : memref<!tpu.dma_semaphore, #tpu.memory_space<semaphore_mem>>) {add = true}
      %dma_wait3A_46 = arith.constant 0 : i32
      %dma_wait3A_47 = arith.constant 0 : i32
      %dma_wait3A_48 = tpu.memref_slice %arg13[%dma_wait3A_46, %dma_wait3A_47] : memref<10112x128xf32, #tpu.memory_space<vmem_shared>> -> memref<10112x128xf32, #tpu.memory_space<vmem_shared>>
      tpu.wait_indirect_dma semaphore(%run_scoped3A : memref<!tpu.dma_semaphore, #tpu.memory_space<semaphore_mem>>) src(%arg11 : memref<80x128xf32, #tpu.memory_space<vmem>>) dst(%dma_wait3A_48 : memref<10112x128xf32, #tpu.memory_space<vmem_shared>>)
      tpu.yield
    }) : () -> ()
    %barrier3A_35 = arith.constant 0 : index
    tpu.barrier barrier_id(%barrier3A_35)
    %eq3A = arith.constant 0 : i32
    %eq3A_36 = arith.cmpi eq, %arg0, %eq3A : i32
    %convert_element_type3A = arith.extui %eq3A_36 : i1 to i32
    %cond3A = arith.constant 0 : i32
    %cond3A_37 = arith.cmpi ne, %convert_element_type3A, %cond3A : i32
    scf.if %cond3A_37 {
      "tpu.region"() ({
        %run_scoped3A = tpu.sem_alloc : memref<!tpu.dma_semaphore, #tpu.memory_space<semaphore_mem>>
        %dma_start3A_43 = arith.constant 0 : i32
        %dma_start3A_44 = tpu.memref_slice %arg5[%mul3A_2, %dma_start3A_43] : memref<10112x128xf32, #tpu.memory_space<hbm>> -> memref<632x128xf32, #tpu.memory_space<hbm>>
        %dma_start3A_45 = arith.constant 0 : i32
        %dma_start3A_46 = tpu.memref_slice %arg13[%mul3A_2, %dma_start3A_45] : memref<10112x128xf32, #tpu.memory_space<vmem_shared>> -> memref<632x128xf32, #tpu.memory_space<vmem_shared>>
        tpu.enqueue_dma source(%dma_start3A_46 : memref<632x128xf32, #tpu.memory_space<vmem_shared>>) target(%dma_start3A_44 : memref<632x128xf32, #tpu.memory_space<hbm>>) target_semaphore(%run_scoped3A : memref<!tpu.dma_semaphore, #tpu.memory_space<semaphore_mem>>)
        %dma_wait3A_47 = arith.constant 0 : i32
        %dma_wait3A_48 = tpu.memref_slice %arg5[%mul3A_2, %dma_wait3A_47] : memref<10112x128xf32, #tpu.memory_space<hbm>> -> memref<632x128xf32, #tpu.memory_space<hbm>>
        %dma_wait3A_49 = arith.constant 0 : i32
        %dma_wait3A_50 = tpu.memref_slice %arg13[%mul3A_2, %dma_wait3A_49] : memref<10112x128xf32, #tpu.memory_space<vmem_shared>> -> memref<632x128xf32, #tpu.memory_space<vmem_shared>>
        tpu.wait_dma2 semaphore(%run_scoped3A : memref<!tpu.dma_semaphore, #tpu.memory_space<semaphore_mem>>) src(%dma_wait3A_50 : memref<632x128xf32, #tpu.memory_space<vmem_shared>>) dst(%dma_wait3A_48 : memref<632x128xf32, #tpu.memory_space<hbm>>)
        tpu.yield
      }) : () -> ()
    } else {
    }
    %eq3A_38 = arith.constant 1 : i32
    %eq3A_39 = arith.cmpi eq, %arg0, %eq3A_38 : i32
    %convert_element_type3A_40 = arith.extui %eq3A_39 : i1 to i32
    %cond3A_41 = arith.constant 0 : i32
    %cond3A_42 = arith.cmpi ne, %convert_element_type3A_40, %cond3A_41 : i32
    scf.if %cond3A_42 {
      "tpu.region"() ({
        %run_scoped3A = tpu.sem_alloc : memref<!tpu.dma_semaphore, #tpu.memory_space<semaphore_mem>>
        %dma_start3A_43 = arith.constant 0 : i32
        %dma_start3A_44 = tpu.memref_slice %arg6[%mul3A_2, %dma_start3A_43] : memref<10112x128xf32, #tpu.memory_space<hbm>> -> memref<632x128xf32, #tpu.memory_space<hbm>>
        %dma_start3A_45 = arith.constant 0 : i32
        %dma_start3A_46 = tpu.memref_slice %arg13[%mul3A_2, %dma_start3A_45] : memref<10112x128xf32, #tpu.memory_space<vmem_shared>> -> memref<632x128xf32, #tpu.memory_space<vmem_shared>>
        tpu.enqueue_dma source(%dma_start3A_46 : memref<632x128xf32, #tpu.memory_space<vmem_shared>>) target(%dma_start3A_44 : memref<632x128xf32, #tpu.memory_space<hbm>>) target_semaphore(%run_scoped3A : memref<!tpu.dma_semaphore, #tpu.memory_space<semaphore_mem>>)
        %dma_wait3A_47 = arith.constant 0 : i32
        %dma_wait3A_48 = tpu.memref_slice %arg6[%mul3A_2, %dma_wait3A_47] : memref<10112x128xf32, #tpu.memory_space<hbm>> -> memref<632x128xf32, #tpu.memory_space<hbm>>
        %dma_wait3A_49 = arith.constant 0 : i32
        %dma_wait3A_50 = tpu.memref_slice %arg13[%mul3A_2, %dma_wait3A_49] : memref<10112x128xf32, #tpu.memory_space<vmem_shared>> -> memref<632x128xf32, #tpu.memory_space<vmem_shared>>
        tpu.wait_dma2 semaphore(%run_scoped3A : memref<!tpu.dma_semaphore, #tpu.memory_space<semaphore_mem>>) src(%dma_wait3A_50 : memref<632x128xf32, #tpu.memory_space<vmem_shared>>) dst(%dma_wait3A_48 : memref<632x128xf32, #tpu.memory_space<hbm>>)
        tpu.yield
      }) : () -> ()
    } else {
    }
    return
  }
}

module attributes {stable_mosaic.version = 14 : i64} {
  func.func @_prelin_body(%arg0: i32, %arg1: memref<1000x128xf32, #tpu.memory_space<vmem>>, %arg2: memref<128x128xf32, #tpu.memory_space<vmem>>, %arg3: memref<1x128xf32, #tpu.memory_space<vmem>>, %arg4: memref<1000x128xf32, #tpu.memory_space<vmem>>) attributes {dimension_semantics = [#tpu.dimension_semantics<arbitrary>], iteration_bounds = array<i64: 10>, scalar_prefetch = 0 : i64, scratch_operands = 0 : i64, tpu.core_type = #tpu.core_type<tc>, window_params = [{transform_indices = @transform_0, window_bounds = array<i64: 1000, 128>}, {pipeline_mode = #tpu.pipeline_mode<synchronous>, transform_indices = @transform_1, window_bounds = array<i64: 128, 128>}, {pipeline_mode = #tpu.pipeline_mode<synchronous>, transform_indices = @transform_2, window_bounds = array<i64: 1, 128>}, {transform_indices = @transform_3, window_bounds = array<i64: 1000, 128>}]} {
    %get3A = arith.constant 0 : index
    %get3A_0 = arith.constant 0 : index
    %get3A_1 = vector.load %arg1[%get3A, %get3A_0] : memref<1000x128xf32, #tpu.memory_space<vmem>>, vector<1000x128xf32>
    %get3A_2 = arith.constant 0 : index
    %get3A_3 = arith.constant 0 : index
    %get3A_4 = vector.load %arg2[%get3A_2, %get3A_3] : memref<128x128xf32, #tpu.memory_space<vmem>>, vector<128x128xf32>
    %dot_general3A = arith.constant dense<0.000000e+00> : vector<1000x128xf32>
    %dot_general3A_5 = tpu.matmul %get3A_1, %get3A_4, %dot_general3A {dimension_numbers = #tpu.dot_dimension_numbers<[1], [0], [0], [1], [0, 0, 1, 1], [], []>, transpose_lhs_hint = false} : vector<1000x128xf32>, vector<128x128xf32>, vector<1000x128xf32> -> vector<1000x128xf32>
    %get3A_6 = arith.constant 0 : index
    %get3A_7 = arith.constant 0 : index
    %get3A_8 = vector.load %arg3[%get3A_6, %get3A_7] : memref<1x128xf32, #tpu.memory_space<vmem>>, vector<1x128xf32>
    %add3A = vector.broadcast %get3A_8 : vector<1x128xf32> to vector<1000x128xf32>
    %add3A_9 = arith.addf %dot_general3A_5, %add3A : vector<1000x128xf32>
    %max3A = arith.constant 0.000000e+00 : f32
    %max3A_10 = vector.broadcast %max3A : f32 to vector<1000x128xf32>
    %max3A_11 = arith.maximumf %add3A_9, %max3A_10 : vector<1000x128xf32>
    %swap3A = arith.constant 0 : index
    %swap3A_12 = arith.constant 0 : index
    %swap3A_13 = vector.load %arg4[%swap3A, %swap3A_12] : memref<1000x128xf32, #tpu.memory_space<vmem>>, vector<1000x128xf32>
    tpu.vector_store %arg4[%swap3A, %swap3A_12], %max3A_11 {strides = array<i32>} : memref<1000x128xf32, #tpu.memory_space<vmem>>, vector<1000x128xf32>,
    return
  }
  func.func @transform_0(%arg0: i32) -> (i32, i32) {
    %c0_i32 = arith.constant 0 : i32
    %c0_i32_0 = arith.constant 0 : i32
    return %arg0, %c0_i32 : i32, i32
  }
  func.func @transform_1(%arg0: i32) -> (i32, i32) {
    %c0_i32 = arith.constant 0 : i32
    %c0_i32_0 = arith.constant 0 : i32
    %c0_i32_1 = arith.constant 0 : i32
    return %c0_i32, %c0_i32_0 : i32, i32
  }
  func.func @transform_2(%arg0: i32) -> (i32, i32) {
    %c0_i32 = arith.constant 0 : i32
    %c0_i32_0 = arith.constant 0 : i32
    %c0_i32_1 = arith.constant 0 : i32
    return %c0_i32, %c0_i32_0 : i32, i32
  }
  func.func @transform_3(%arg0: i32) -> (i32, i32) {
    %c0_i32 = arith.constant 0 : i32
    %c0_i32_0 = arith.constant 0 : i32
    return %arg0, %c0_i32 : i32, i32
  }
}

module attributes {stable_mosaic.version = 14 : i64} {
  func.func @_moe_mid_body(%arg0: i32, %arg1: memref<1000x128xf32, #tpu.memory_space<vmem>>, %arg2: memref<1000x128xf32, #tpu.memory_space<vmem>>, %arg3: memref<1000x128xf32, #tpu.memory_space<vmem>>, %arg4: memref<1000x16xf32, #tpu.memory_space<vmem>>, %arg5: memref<1000x16xf32, #tpu.memory_space<vmem>>, %arg6: memref<128x4xf32, #tpu.memory_space<vmem>>, %arg7: memref<128x4xf32, #tpu.memory_space<vmem>>, %arg8: memref<1x4xf32, #tpu.memory_space<vmem>>, %arg9: memref<4x128x128xf32, #tpu.memory_space<vmem>>, %arg10: memref<4x128x128xf32, #tpu.memory_space<vmem>>, %arg11: memref<1x4x128xf32, #tpu.memory_space<vmem>>, %arg12: memref<128x128xf32, #tpu.memory_space<vmem>>, %arg13: memref<1x128xf32, #tpu.memory_space<vmem>>, %arg14: memref<1000x128xf32, #tpu.memory_space<vmem>>, %arg15: memref<1000x128xf32, #tpu.memory_space<vmem>>) attributes {dimension_semantics = [#tpu.dimension_semantics<arbitrary>], iteration_bounds = array<i64: 10>, scalar_prefetch = 0 : i64, scratch_operands = 0 : i64, tpu.core_type = #tpu.core_type<tc>, window_params = [{transform_indices = @transform_0, window_bounds = array<i64: 1000, 128>}, {transform_indices = @transform_1, window_bounds = array<i64: 1000, 128>}, {transform_indices = @transform_2, window_bounds = array<i64: 1000, 128>}, {transform_indices = @transform_3, window_bounds = array<i64: 1000, 16>}, {transform_indices = @transform_4, window_bounds = array<i64: 1000, 16>}, {pipeline_mode = #tpu.pipeline_mode<synchronous>, transform_indices = @transform_5, window_bounds = array<i64: 128, 4>}, {pipeline_mode = #tpu.pipeline_mode<synchronous>, transform_indices = @transform_6, window_bounds = array<i64: 128, 4>}, {pipeline_mode = #tpu.pipeline_mode<synchronous>, transform_indices = @transform_7, window_bounds = array<i64: 1, 4>}, {pipeline_mode = #tpu.pipeline_mode<synchronous>, transform_indices = @transform_8, window_bounds = array<i64: 4, 128, 128>}, {pipeline_mode = #tpu.pipeline_mode<synchronous>, transform_indices = @transform_9, window_bounds = array<i64: 4, 128, 128>}, {pipeline_mode = #tpu.pipeline_mode<synchronous>, transform_indices = @transform_10, window_bounds = array<i64: 1, 4, 128>}, {pipeline_mode = #tpu.pipeline_mode<synchronous>, transform_indices = @transform_11, window_bounds = array<i64: 128, 128>}, {pipeline_mode = #tpu.pipeline_mode<synchronous>, transform_indices = @transform_12, window_bounds = array<i64: 1, 128>}, {transform_indices = @transform_13, window_bounds = array<i64: 1000, 128>}, {transform_indices = @transform_14, window_bounds = array<i64: 1000, 128>}]} {
    %get3A = arith.constant 0 : index
    %get3A_0 = arith.constant 0 : index
    %get3A_1 = vector.load %arg1[%get3A, %get3A_0] : memref<1000x128xf32, #tpu.memory_space<vmem>>, vector<1000x128xf32>
    %get3A_2 = arith.constant 0 : index
    %get3A_3 = arith.constant 0 : index
    %get3A_4 = vector.load %arg4[%get3A_2, %get3A_3] : memref<1000x16xf32, #tpu.memory_space<vmem>>, vector<1000x1xf32>
    %get3A_5 = arith.constant 0 : index
    %get3A_6 = arith.constant 0 : index
    %get3A_7 = vector.load %arg5[%get3A_5, %get3A_6] : memref<1000x16xf32, #tpu.memory_space<vmem>>, vector<1000x1xf32>
    %add3A = arith.addf %get3A_4, %get3A_7 : vector<1000x1xf32>
    %get3A_8 = arith.constant 0 : index
    %get3A_9 = arith.constant 0 : index
    %get3A_10 = vector.load %arg2[%get3A_8, %get3A_9] : memref<1000x128xf32, #tpu.memory_space<vmem>>, vector<1000x128xf32>
    %get3A_11 = arith.constant 0 : index
    %get3A_12 = arith.constant 0 : index
    %get3A_13 = vector.load %arg3[%get3A_11, %get3A_12] : memref<1000x128xf32, #tpu.memory_space<vmem>>, vector<1000x128xf32>
    %add3A_14 = arith.addf %get3A_10, %get3A_13 : vector<1000x128xf32>
    %max3A = arith.constant 1.000000e+00 : f32
    %max3A_15 = vector.broadcast %max3A : f32 to vector<1000x1xf32>
    %max3A_16 = arith.maximumf %add3A, %max3A_15 : vector<1000x1xf32>
    %div3A = vector.broadcast %max3A_16 : vector<1000x1xf32> to vector<1000x128xf32>
    %div3A_17 = arith.divf %add3A_14, %div3A : vector<1000x128xf32>
    %get3A_18 = arith.constant 0 : index
    %get3A_19 = arith.constant 0 : index
    %get3A_20 = vector.load %arg6[%get3A_18, %get3A_19] : memref<128x4xf32, #tpu.memory_space<vmem>>, vector<128x4xf32>
    %dot_general3A = arith.constant dense<0.000000e+00> : vector<1000x4xf32>
    %dot_general3A_21 = tpu.matmul %get3A_1, %get3A_20, %dot_general3A {dimension_numbers = #tpu.dot_dimension_numbers<[1], [0], [0], [1], [0, 0, 1, 1], [], []>, transpose_lhs_hint = false} : vector<1000x128xf32>, vector<128x4xf32>, vector<1000x4xf32> -> vector<1000x4xf32>
    %get3A_22 = arith.constant 0 : index
    %get3A_23 = arith.constant 0 : index
    %get3A_24 = vector.load %arg7[%get3A_22, %get3A_23] : memref<128x4xf32, #tpu.memory_space<vmem>>, vector<128x4xf32>
    %dot_general3A_25 = arith.constant dense<0.000000e+00> : vector<1000x4xf32>
    %dot_general3A_26 = tpu.matmul %div3A_17, %get3A_24, %dot_general3A_25 {dimension_numbers = #tpu.dot_dimension_numbers<[1], [0], [0], [1], [0, 0, 1, 1], [], []>, transpose_lhs_hint = false} : vector<1000x128xf32>, vector<128x4xf32>, vector<1000x4xf32> -> vector<1000x4xf32>
    %add3A_27 = arith.addf %dot_general3A_21, %dot_general3A_26 : vector<1000x4xf32>
    %get3A_28 = arith.constant 0 : index
    %get3A_29 = arith.constant 0 : index
    %get3A_30 = vector.load %arg8[%get3A_28, %get3A_29] : memref<1x4xf32, #tpu.memory_space<vmem>>, vector<1x4xf32>
    %add3A_31 = vector.broadcast %get3A_30 : vector<1x4xf32> to vector<1000x4xf32>
    %add3A_32 = arith.addf %add3A_27, %add3A_31 : vector<1000x4xf32>
    %reduce_max3A = arith.constant dense<0xFF800000> : vector<1000xf32>
    %reduce_max3A_33 = vector.multi_reduction <maximumf>, %add3A_32, %reduce_max3A [1] : vector<1000x4xf32> to vector<1000xf32>
    %broadcast_in_dim3A = vector.shape_cast %reduce_max3A_33 : vector<1000xf32> to vector<1000x1xf32>
    %sub3A = vector.broadcast %broadcast_in_dim3A : vector<1000x1xf32> to vector<1000x4xf32>
    %sub3A_34 = arith.subf %add3A_32, %sub3A : vector<1000x4xf32>
    %exp3A = math.exp %sub3A_34 : vector<1000x4xf32>
    %reduce_sum3A = arith.constant dense<0.000000e+00> : vector<1000xf32>
    %reduce_sum3A_35 = vector.multi_reduction <add>, %exp3A, %reduce_sum3A [1] : vector<1000x4xf32> to vector<1000xf32>
    %broadcast_in_dim3A_36 = vector.shape_cast %reduce_sum3A_35 : vector<1000xf32> to vector<1000x1xf32>
    %div3A_37 = vector.broadcast %broadcast_in_dim3A_36 : vector<1000x1xf32> to vector<1000x4xf32>
    %div3A_38 = arith.divf %exp3A, %div3A_37 : vector<1000x4xf32>
    %broadcast_in_dim3A_39 = arith.constant 0.000000e+00 : f32
    %broadcast_in_dim3A_40 = vector.broadcast %broadcast_in_dim3A_39 : f32 to vector<1000x128xf32>
    %get3A_41 = arith.constant 0 : index
    %get3A_42 = arith.constant 0 : index
    %get3A_43 = arith.constant 0 : index
    %get3A_44 = vector.load %arg9[%get3A_41, %get3A_42, %get3A_43] : memref<4x128x128xf32, #tpu.memory_space<vmem>>, vector<1x128x128xf32>
    %get3A_45 = vector.shape_cast %get3A_44 : vector<1x128x128xf32> to vector<128x128xf32>
    %dot_general3A_46 = arith.constant dense<0.000000e+00> : vector<1000x128xf32>
    %dot_general3A_47 = tpu.matmul %get3A_1, %get3A_45, %dot_general3A_46 {dimension_numbers = #tpu.dot_dimension_numbers<[1], [0], [0], [1], [0, 0, 1, 1], [], []>, transpose_lhs_hint = false} : vector<1000x128xf32>, vector<128x128xf32>, vector<1000x128xf32> -> vector<1000x128xf32>
    %get3A_48 = arith.constant 0 : index
    %get3A_49 = arith.constant 0 : index
    %get3A_50 = arith.constant 0 : index
    %get3A_51 = vector.load %arg10[%get3A_48, %get3A_49, %get3A_50] : memref<4x128x128xf32, #tpu.memory_space<vmem>>, vector<1x128x128xf32>
    %get3A_52 = vector.shape_cast %get3A_51 : vector<1x128x128xf32> to vector<128x128xf32>
    %dot_general3A_53 = arith.constant dense<0.000000e+00> : vector<1000x128xf32>
    %dot_general3A_54 = tpu.matmul %div3A_17, %get3A_52, %dot_general3A_53 {dimension_numbers = #tpu.dot_dimension_numbers<[1], [0], [0], [1], [0, 0, 1, 1], [], []>, transpose_lhs_hint = false} : vector<1000x128xf32>, vector<128x128xf32>, vector<1000x128xf32> -> vector<1000x128xf32>
    %add3A_55 = arith.addf %dot_general3A_47, %dot_general3A_54 : vector<1000x128xf32>
    %get3A_56 = arith.constant 0 : index
    %get3A_57 = arith.constant 0 : index
    %get3A_58 = arith.constant 0 : index
    %get3A_59 = vector.load %arg11[%get3A_56, %get3A_57, %get3A_58] : memref<1x4x128xf32, #tpu.memory_space<vmem>>, vector<1x1x128xf32>
    %get3A_60 = vector.shape_cast %get3A_59 : vector<1x1x128xf32> to vector<1x128xf32>
    %add3A_61 = vector.broadcast %get3A_60 : vector<1x128xf32> to vector<1000x128xf32>
    %add3A_62 = arith.addf %add3A_55, %add3A_61 : vector<1000x128xf32>
    %max3A_63 = arith.constant 0.000000e+00 : f32
    %max3A_64 = vector.broadcast %max3A_63 : f32 to vector<1000x128xf32>
    %max3A_65 = arith.maximumf %add3A_62, %max3A_64 : vector<1000x128xf32>
    %slice3A = vector.extract_strided_slice %div3A_38 {offsets = [0, 0], sizes = [1000, 1], strides = [1, 1]} : vector<1000x4xf32> to vector<1000x1xf32>
    %mul3A = vector.broadcast %slice3A : vector<1000x1xf32> to vector<1000x128xf32>
    %mul3A_66 = arith.mulf %max3A_65, %mul3A : vector<1000x128xf32>
    %add3A_67 = arith.addf %broadcast_in_dim3A_40, %mul3A_66 : vector<1000x128xf32>
    %get3A_68 = arith.constant 1 : index
    %get3A_69 = arith.constant 0 : index
    %get3A_70 = arith.constant 0 : index
    %get3A_71 = vector.load %arg9[%get3A_68, %get3A_69, %get3A_70] : memref<4x128x128xf32, #tpu.memory_space<vmem>>, vector<1x128x128xf32>
    %get3A_72 = vector.shape_cast %get3A_71 : vector<1x128x128xf32> to vector<128x128xf32>
    %dot_general3A_73 = arith.constant dense<0.000000e+00> : vector<1000x128xf32>
    %dot_general3A_74 = tpu.matmul %get3A_1, %get3A_72, %dot_general3A_73 {dimension_numbers = #tpu.dot_dimension_numbers<[1], [0], [0], [1], [0, 0, 1, 1], [], []>, transpose_lhs_hint = false} : vector<1000x128xf32>, vector<128x128xf32>, vector<1000x128xf32> -> vector<1000x128xf32>
    %get3A_75 = arith.constant 1 : index
    %get3A_76 = arith.constant 0 : index
    %get3A_77 = arith.constant 0 : index
    %get3A_78 = vector.load %arg10[%get3A_75, %get3A_76, %get3A_77] : memref<4x128x128xf32, #tpu.memory_space<vmem>>, vector<1x128x128xf32>
    %get3A_79 = vector.shape_cast %get3A_78 : vector<1x128x128xf32> to vector<128x128xf32>
    %dot_general3A_80 = arith.constant dense<0.000000e+00> : vector<1000x128xf32>
    %dot_general3A_81 = tpu.matmul %div3A_17, %get3A_79, %dot_general3A_80 {dimension_numbers = #tpu.dot_dimension_numbers<[1], [0], [0], [1], [0, 0, 1, 1], [], []>, transpose_lhs_hint = false} : vector<1000x128xf32>, vector<128x128xf32>, vector<1000x128xf32> -> vector<1000x128xf32>
    %add3A_82 = arith.addf %dot_general3A_74, %dot_general3A_81 : vector<1000x128xf32>
    %get3A_83 = arith.constant 0 : index
    %get3A_84 = arith.constant 1 : index
    %get3A_85 = arith.constant 0 : index
    %get3A_86 = vector.load %arg11[%get3A_83, %get3A_84, %get3A_85] : memref<1x4x128xf32, #tpu.memory_space<vmem>>, vector<1x1x128xf32>
    %get3A_87 = vector.shape_cast %get3A_86 : vector<1x1x128xf32> to vector<1x128xf32>
    %add3A_88 = vector.broadcast %get3A_87 : vector<1x128xf32> to vector<1000x128xf32>
    %add3A_89 = arith.addf %add3A_82, %add3A_88 : vector<1000x128xf32>
    %max3A_90 = arith.constant 0.000000e+00 : f32
    %max3A_91 = vector.broadcast %max3A_90 : f32 to vector<1000x128xf32>
    %max3A_92 = arith.maximumf %add3A_89, %max3A_91 : vector<1000x128xf32>
    %slice3A_93 = vector.extract_strided_slice %div3A_38 {offsets = [0, 1], sizes = [1000, 1], strides = [1, 1]} : vector<1000x4xf32> to vector<1000x1xf32>
    %mul3A_94 = vector.broadcast %slice3A_93 : vector<1000x1xf32> to vector<1000x128xf32>
    %mul3A_95 = arith.mulf %max3A_92, %mul3A_94 : vector<1000x128xf32>
    %add3A_96 = arith.addf %add3A_67, %mul3A_95 : vector<1000x128xf32>
    %get3A_97 = arith.constant 2 : index
    %get3A_98 = arith.constant 0 : index
    %get3A_99 = arith.constant 0 : index
    %get3A_100 = vector.load %arg9[%get3A_97, %get3A_98, %get3A_99] : memref<4x128x128xf32, #tpu.memory_space<vmem>>, vector<1x128x128xf32>
    %get3A_101 = vector.shape_cast %get3A_100 : vector<1x128x128xf32> to vector<128x128xf32>
    %dot_general3A_102 = arith.constant dense<0.000000e+00> : vector<1000x128xf32>
    %dot_general3A_103 = tpu.matmul %get3A_1, %get3A_101, %dot_general3A_102 {dimension_numbers = #tpu.dot_dimension_numbers<[1], [0], [0], [1], [0, 0, 1, 1], [], []>, transpose_lhs_hint = false} : vector<1000x128xf32>, vector<128x128xf32>, vector<1000x128xf32> -> vector<1000x128xf32>
    %get3A_104 = arith.constant 2 : index
    %get3A_105 = arith.constant 0 : index
    %get3A_106 = arith.constant 0 : index
    %get3A_107 = vector.load %arg10[%get3A_104, %get3A_105, %get3A_106] : memref<4x128x128xf32, #tpu.memory_space<vmem>>, vector<1x128x128xf32>
    %get3A_108 = vector.shape_cast %get3A_107 : vector<1x128x128xf32> to vector<128x128xf32>
    %dot_general3A_109 = arith.constant dense<0.000000e+00> : vector<1000x128xf32>
    %dot_general3A_110 = tpu.matmul %div3A_17, %get3A_108, %dot_general3A_109 {dimension_numbers = #tpu.dot_dimension_numbers<[1], [0], [0], [1], [0, 0, 1, 1], [], []>, transpose_lhs_hint = false} : vector<1000x128xf32>, vector<128x128xf32>, vector<1000x128xf32> -> vector<1000x128xf32>
    %add3A_111 = arith.addf %dot_general3A_103, %dot_general3A_110 : vector<1000x128xf32>
    %get3A_112 = arith.constant 0 : index
    %get3A_113 = arith.constant 2 : index
    %get3A_114 = arith.constant 0 : index
    %get3A_115 = vector.load %arg11[%get3A_112, %get3A_113, %get3A_114] : memref<1x4x128xf32, #tpu.memory_space<vmem>>, vector<1x1x128xf32>
    %get3A_116 = vector.shape_cast %get3A_115 : vector<1x1x128xf32> to vector<1x128xf32>
    %add3A_117 = vector.broadcast %get3A_116 : vector<1x128xf32> to vector<1000x128xf32>
    %add3A_118 = arith.addf %add3A_111, %add3A_117 : vector<1000x128xf32>
    %max3A_119 = arith.constant 0.000000e+00 : f32
    %max3A_120 = vector.broadcast %max3A_119 : f32 to vector<1000x128xf32>
    %max3A_121 = arith.maximumf %add3A_118, %max3A_120 : vector<1000x128xf32>
    %slice3A_122 = vector.extract_strided_slice %div3A_38 {offsets = [0, 2], sizes = [1000, 1], strides = [1, 1]} : vector<1000x4xf32> to vector<1000x1xf32>
    %mul3A_123 = vector.broadcast %slice3A_122 : vector<1000x1xf32> to vector<1000x128xf32>
    %mul3A_124 = arith.mulf %max3A_121, %mul3A_123 : vector<1000x128xf32>
    %add3A_125 = arith.addf %add3A_96, %mul3A_124 : vector<1000x128xf32>
    %get3A_126 = arith.constant 3 : index
    %get3A_127 = arith.constant 0 : index
    %get3A_128 = arith.constant 0 : index
    %get3A_129 = vector.load %arg9[%get3A_126, %get3A_127, %get3A_128] : memref<4x128x128xf32, #tpu.memory_space<vmem>>, vector<1x128x128xf32>
    %get3A_130 = vector.shape_cast %get3A_129 : vector<1x128x128xf32> to vector<128x128xf32>
    %dot_general3A_131 = arith.constant dense<0.000000e+00> : vector<1000x128xf32>
    %dot_general3A_132 = tpu.matmul %get3A_1, %get3A_130, %dot_general3A_131 {dimension_numbers = #tpu.dot_dimension_numbers<[1], [0], [0], [1], [0, 0, 1, 1], [], []>, transpose_lhs_hint = false} : vector<1000x128xf32>, vector<128x128xf32>, vector<1000x128xf32> -> vector<1000x128xf32>
    %get3A_133 = arith.constant 3 : index
    %get3A_134 = arith.constant 0 : index
    %get3A_135 = arith.constant 0 : index
    %get3A_136 = vector.load %arg10[%get3A_133, %get3A_134, %get3A_135] : memref<4x128x128xf32, #tpu.memory_space<vmem>>, vector<1x128x128xf32>
    %get3A_137 = vector.shape_cast %get3A_136 : vector<1x128x128xf32> to vector<128x128xf32>
    %dot_general3A_138 = arith.constant dense<0.000000e+00> : vector<1000x128xf32>
    %dot_general3A_139 = tpu.matmul %div3A_17, %get3A_137, %dot_general3A_138 {dimension_numbers = #tpu.dot_dimension_numbers<[1], [0], [0], [1], [0, 0, 1, 1], [], []>, transpose_lhs_hint = false} : vector<1000x128xf32>, vector<128x128xf32>, vector<1000x128xf32> -> vector<1000x128xf32>
    %add3A_140 = arith.addf %dot_general3A_132, %dot_general3A_139 : vector<1000x128xf32>
    %get3A_141 = arith.constant 0 : index
    %get3A_142 = arith.constant 3 : index
    %get3A_143 = arith.constant 0 : index
    %get3A_144 = vector.load %arg11[%get3A_141, %get3A_142, %get3A_143] : memref<1x4x128xf32, #tpu.memory_space<vmem>>, vector<1x1x128xf32>
    %get3A_145 = vector.shape_cast %get3A_144 : vector<1x1x128xf32> to vector<1x128xf32>
    %add3A_146 = vector.broadcast %get3A_145 : vector<1x128xf32> to vector<1000x128xf32>
    %add3A_147 = arith.addf %add3A_140, %add3A_146 : vector<1000x128xf32>
    %max3A_148 = arith.constant 0.000000e+00 : f32
    %max3A_149 = vector.broadcast %max3A_148 : f32 to vector<1000x128xf32>
    %max3A_150 = arith.maximumf %add3A_147, %max3A_149 : vector<1000x128xf32>
    %slice3A_151 = vector.extract_strided_slice %div3A_38 {offsets = [0, 3], sizes = [1000, 1], strides = [1, 1]} : vector<1000x4xf32> to vector<1000x1xf32>
    %mul3A_152 = vector.broadcast %slice3A_151 : vector<1000x1xf32> to vector<1000x128xf32>
    %mul3A_153 = arith.mulf %max3A_150, %mul3A_152 : vector<1000x128xf32>
    %add3A_154 = arith.addf %add3A_125, %mul3A_153 : vector<1000x128xf32>
    %mul3A_155 = arith.mulf %add3A_154, %add3A_154 : vector<1000x128xf32>
    %reduce_sum3A_156 = arith.constant dense<0.000000e+00> : vector<1000xf32>
    %reduce_sum3A_157 = vector.multi_reduction <add>, %mul3A_155, %reduce_sum3A_156 [1] : vector<1000x128xf32> to vector<1000xf32>
    %broadcast_in_dim3A_158 = vector.shape_cast %reduce_sum3A_157 : vector<1000xf32> to vector<1000x1xf32>
    %sqrt3A = math.sqrt %broadcast_in_dim3A_158 : vector<1000x1xf32>
    %max3A_159 = arith.constant 9.99999996E-13 : f32
    %max3A_160 = vector.broadcast %max3A_159 : f32 to vector<1000x1xf32>
    %max3A_161 = arith.maximumf %sqrt3A, %max3A_160 : vector<1000x1xf32>
    %div3A_162 = vector.broadcast %max3A_161 : vector<1000x1xf32> to vector<1000x128xf32>
    %div3A_163 = arith.divf %add3A_154, %div3A_162 : vector<1000x128xf32>
    %max3A_164 = arith.constant 0.000000e+00 : f32
    %max3A_165 = vector.broadcast %max3A_164 : f32 to vector<1000x128xf32>
    %max3A_166 = arith.maximumf %div3A_163, %max3A_165 : vector<1000x128xf32>
    %swap3A = arith.constant 0 : index
    %swap3A_167 = arith.constant 0 : index
    %swap3A_168 = vector.load %arg14[%swap3A, %swap3A_167] : memref<1000x128xf32, #tpu.memory_space<vmem>>, vector<1000x128xf32>
    tpu.vector_store %arg14[%swap3A, %swap3A_167], %max3A_166 {strides = array<i32>} : memref<1000x128xf32, #tpu.memory_space<vmem>>, vector<1000x128xf32>,
    %get3A_169 = arith.constant 0 : index
    %get3A_170 = arith.constant 0 : index
    %get3A_171 = vector.load %arg12[%get3A_169, %get3A_170] : memref<128x128xf32, #tpu.memory_space<vmem>>, vector<128x128xf32>
    %dot_general3A_172 = arith.constant dense<0.000000e+00> : vector<1000x128xf32>
    %dot_general3A_173 = tpu.matmul %max3A_166, %get3A_171, %dot_general3A_172 {dimension_numbers = #tpu.dot_dimension_numbers<[1], [0], [0], [1], [0, 0, 1, 1], [], []>, transpose_lhs_hint = false} : vector<1000x128xf32>, vector<128x128xf32>, vector<1000x128xf32> -> vector<1000x128xf32>
    %get3A_174 = arith.constant 0 : index
    %get3A_175 = arith.constant 0 : index
    %get3A_176 = vector.load %arg13[%get3A_174, %get3A_175] : memref<1x128xf32, #tpu.memory_space<vmem>>, vector<1x128xf32>
    %add3A_177 = vector.broadcast %get3A_176 : vector<1x128xf32> to vector<1000x128xf32>
    %add3A_178 = arith.addf %dot_general3A_173, %add3A_177 : vector<1000x128xf32>
    %max3A_179 = arith.constant 0.000000e+00 : f32
    %max3A_180 = vector.broadcast %max3A_179 : f32 to vector<1000x128xf32>
    %max3A_181 = arith.maximumf %add3A_178, %max3A_180 : vector<1000x128xf32>
    %swap3A_182 = arith.constant 0 : index
    %swap3A_183 = arith.constant 0 : index
    %swap3A_184 = vector.load %arg15[%swap3A_182, %swap3A_183] : memref<1000x128xf32, #tpu.memory_space<vmem>>, vector<1000x128xf32>
    tpu.vector_store %arg15[%swap3A_182, %swap3A_183], %max3A_181 {strides = array<i32>} : memref<1000x128xf32, #tpu.memory_space<vmem>>, vector<1000x128xf32>,
    return
  }
  func.func @transform_0(%arg0: i32) -> (i32, i32) {
    %c0_i32 = arith.constant 0 : i32
    %c0_i32_0 = arith.constant 0 : i32
    return %arg0, %c0_i32 : i32, i32
  }
  func.func @transform_1(%arg0: i32) -> (i32, i32) {
    %c0_i32 = arith.constant 0 : i32
    %c0_i32_0 = arith.constant 0 : i32
    return %arg0, %c0_i32 : i32, i32
  }
  func.func @transform_2(%arg0: i32) -> (i32, i32) {
    %c0_i32 = arith.constant 0 : i32
    %c0_i32_0 = arith.constant 0 : i32
    return %arg0, %c0_i32 : i32, i32
  }
  func.func @transform_3(%arg0: i32) -> (i32, i32) {
    %c0_i32 = arith.constant 0 : i32
    %c0_i32_0 = arith.constant 0 : i32
    return %arg0, %c0_i32 : i32, i32
  }
  func.func @transform_4(%arg0: i32) -> (i32, i32) {
    %c0_i32 = arith.constant 0 : i32
    %c0_i32_0 = arith.constant 0 : i32
    return %arg0, %c0_i32 : i32, i32
  }
  func.func @transform_5(%arg0: i32) -> (i32, i32) {
    %c0_i32 = arith.constant 0 : i32
    %c0_i32_0 = arith.constant 0 : i32
    %c0_i32_1 = arith.constant 0 : i32
    return %c0_i32, %c0_i32_0 : i32, i32
  }
  func.func @transform_6(%arg0: i32) -> (i32, i32) {
    %c0_i32 = arith.constant 0 : i32
    %c0_i32_0 = arith.constant 0 : i32
    %c0_i32_1 = arith.constant 0 : i32
    return %c0_i32, %c0_i32_0 : i32, i32
  }
  func.func @transform_7(%arg0: i32) -> (i32, i32) {
    %c0_i32 = arith.constant 0 : i32
    %c0_i32_0 = arith.constant 0 : i32
    %c0_i32_1 = arith.constant 0 : i32
    return %c0_i32, %c0_i32_0 : i32, i32
  }
  func.func @transform_8(%arg0: i32) -> (i32, i32, i32) {
    %c0_i32 = arith.constant 0 : i32
    %c0_i32_0 = arith.constant 0 : i32
    %c0_i32_1 = arith.constant 0 : i32
    %c0_i32_2 = arith.constant 0 : i32
    return %c0_i32, %c0_i32_0, %c0_i32_1 : i32, i32, i32
  }
  func.func @transform_9(%arg0: i32) -> (i32, i32, i32) {
    %c0_i32 = arith.constant 0 : i32
    %c0_i32_0 = arith.constant 0 : i32
    %c0_i32_1 = arith.constant 0 : i32
    %c0_i32_2 = arith.constant 0 : i32
    return %c0_i32, %c0_i32_0, %c0_i32_1 : i32, i32, i32
  }
  func.func @transform_10(%arg0: i32) -> (i32, i32, i32) {
    %c0_i32 = arith.constant 0 : i32
    %c0_i32_0 = arith.constant 0 : i32
    %c0_i32_1 = arith.constant 0 : i32
    %c0_i32_2 = arith.constant 0 : i32
    return %c0_i32, %c0_i32_0, %c0_i32_1 : i32, i32, i32
  }
  func.func @transform_11(%arg0: i32) -> (i32, i32) {
    %c0_i32 = arith.constant 0 : i32
    %c0_i32_0 = arith.constant 0 : i32
    %c0_i32_1 = arith.constant 0 : i32
    return %c0_i32, %c0_i32_0 : i32, i32
  }
  func.func @transform_12(%arg0: i32) -> (i32, i32) {
    %c0_i32 = arith.constant 0 : i32
    %c0_i32_0 = arith.constant 0 : i32
    %c0_i32_1 = arith.constant 0 : i32
    return %c0_i32, %c0_i32_0 : i32, i32
  }
  func.func @transform_13(%arg0: i32) -> (i32, i32) {
    %c0_i32 = arith.constant 0 : i32
    %c0_i32_0 = arith.constant 0 : i32
    return %arg0, %c0_i32 : i32, i32
  }
  func.func @transform_14(%arg0: i32) -> (i32, i32) {
    %c0_i32 = arith.constant 0 : i32
    %c0_i32_0 = arith.constant 0 : i32
    return %arg0, %c0_i32 : i32, i32
  }
}

module attributes {stable_mosaic.version = 14 : i64} {
  func.func @_moe_fin_body(%arg0: i32, %arg1: memref<1000x128xf32, #tpu.memory_space<vmem>>, %arg2: memref<1000x128xf32, #tpu.memory_space<vmem>>, %arg3: memref<1000x128xf32, #tpu.memory_space<vmem>>, %arg4: memref<1000x16xf32, #tpu.memory_space<vmem>>, %arg5: memref<1000x16xf32, #tpu.memory_space<vmem>>, %arg6: memref<128x4xf32, #tpu.memory_space<vmem>>, %arg7: memref<128x4xf32, #tpu.memory_space<vmem>>, %arg8: memref<1x4xf32, #tpu.memory_space<vmem>>, %arg9: memref<4x128x128xf32, #tpu.memory_space<vmem>>, %arg10: memref<4x128x128xf32, #tpu.memory_space<vmem>>, %arg11: memref<1x4x128xf32, #tpu.memory_space<vmem>>, %arg12: memref<128x128xf32, #tpu.memory_space<vmem>>, %arg13: memref<1x128xf32, #tpu.memory_space<vmem>>, %arg14: memref<128x128xf32, #tpu.memory_space<vmem>>, %arg15: memref<1x128xf32, #tpu.memory_space<vmem>>, %arg16: memref<1000x128xf32, #tpu.memory_space<vmem>>) attributes {dimension_semantics = [#tpu.dimension_semantics<arbitrary>], iteration_bounds = array<i64: 10>, scalar_prefetch = 0 : i64, scratch_operands = 0 : i64, tpu.core_type = #tpu.core_type<tc>, window_params = [{transform_indices = @transform_0, window_bounds = array<i64: 1000, 128>}, {transform_indices = @transform_1, window_bounds = array<i64: 1000, 128>}, {transform_indices = @transform_2, window_bounds = array<i64: 1000, 128>}, {transform_indices = @transform_3, window_bounds = array<i64: 1000, 16>}, {transform_indices = @transform_4, window_bounds = array<i64: 1000, 16>}, {pipeline_mode = #tpu.pipeline_mode<synchronous>, transform_indices = @transform_5, window_bounds = array<i64: 128, 4>}, {pipeline_mode = #tpu.pipeline_mode<synchronous>, transform_indices = @transform_6, window_bounds = array<i64: 128, 4>}, {pipeline_mode = #tpu.pipeline_mode<synchronous>, transform_indices = @transform_7, window_bounds = array<i64: 1, 4>}, {pipeline_mode = #tpu.pipeline_mode<synchronous>, transform_indices = @transform_8, window_bounds = array<i64: 4, 128, 128>}, {pipeline_mode = #tpu.pipeline_mode<synchronous>, transform_indices = @transform_9, window_bounds = array<i64: 4, 128, 128>}, {pipeline_mode = #tpu.pipeline_mode<synchronous>, transform_indices = @transform_10, window_bounds = array<i64: 1, 4, 128>}, {pipeline_mode = #tpu.pipeline_mode<synchronous>, transform_indices = @transform_11, window_bounds = array<i64: 128, 128>}, {pipeline_mode = #tpu.pipeline_mode<synchronous>, transform_indices = @transform_12, window_bounds = array<i64: 1, 128>}, {pipeline_mode = #tpu.pipeline_mode<synchronous>, transform_indices = @transform_13, window_bounds = array<i64: 128, 128>}, {pipeline_mode = #tpu.pipeline_mode<synchronous>, transform_indices = @transform_14, window_bounds = array<i64: 1, 128>}, {transform_indices = @transform_15, window_bounds = array<i64: 1000, 128>}]} {
    %get3A = arith.constant 0 : index
    %get3A_0 = arith.constant 0 : index
    %get3A_1 = vector.load %arg1[%get3A, %get3A_0] : memref<1000x128xf32, #tpu.memory_space<vmem>>, vector<1000x128xf32>
    %get3A_2 = arith.constant 0 : index
    %get3A_3 = arith.constant 0 : index
    %get3A_4 = vector.load %arg4[%get3A_2, %get3A_3] : memref<1000x16xf32, #tpu.memory_space<vmem>>, vector<1000x1xf32>
    %get3A_5 = arith.constant 0 : index
    %get3A_6 = arith.constant 0 : index
    %get3A_7 = vector.load %arg5[%get3A_5, %get3A_6] : memref<1000x16xf32, #tpu.memory_space<vmem>>, vector<1000x1xf32>
    %add3A = arith.addf %get3A_4, %get3A_7 : vector<1000x1xf32>
    %get3A_8 = arith.constant 0 : index
    %get3A_9 = arith.constant 0 : index
    %get3A_10 = vector.load %arg2[%get3A_8, %get3A_9] : memref<1000x128xf32, #tpu.memory_space<vmem>>, vector<1000x128xf32>
    %get3A_11 = arith.constant 0 : index
    %get3A_12 = arith.constant 0 : index
    %get3A_13 = vector.load %arg3[%get3A_11, %get3A_12] : memref<1000x128xf32, #tpu.memory_space<vmem>>, vector<1000x128xf32>
    %add3A_14 = arith.addf %get3A_10, %get3A_13 : vector<1000x128xf32>
    %max3A = arith.constant 1.000000e+00 : f32
    %max3A_15 = vector.broadcast %max3A : f32 to vector<1000x1xf32>
    %max3A_16 = arith.maximumf %add3A, %max3A_15 : vector<1000x1xf32>
    %div3A = vector.broadcast %max3A_16 : vector<1000x1xf32> to vector<1000x128xf32>
    %div3A_17 = arith.divf %add3A_14, %div3A : vector<1000x128xf32>
    %get3A_18 = arith.constant 0 : index
    %get3A_19 = arith.constant 0 : index
    %get3A_20 = vector.load %arg6[%get3A_18, %get3A_19] : memref<128x4xf32, #tpu.memory_space<vmem>>, vector<128x4xf32>
    %dot_general3A = arith.constant dense<0.000000e+00> : vector<1000x4xf32>
    %dot_general3A_21 = tpu.matmul %get3A_1, %get3A_20, %dot_general3A {dimension_numbers = #tpu.dot_dimension_numbers<[1], [0], [0], [1], [0, 0, 1, 1], [], []>, transpose_lhs_hint = false} : vector<1000x128xf32>, vector<128x4xf32>, vector<1000x4xf32> -> vector<1000x4xf32>
    %get3A_22 = arith.constant 0 : index
    %get3A_23 = arith.constant 0 : index
    %get3A_24 = vector.load %arg7[%get3A_22, %get3A_23] : memref<128x4xf32, #tpu.memory_space<vmem>>, vector<128x4xf32>
    %dot_general3A_25 = arith.constant dense<0.000000e+00> : vector<1000x4xf32>
    %dot_general3A_26 = tpu.matmul %div3A_17, %get3A_24, %dot_general3A_25 {dimension_numbers = #tpu.dot_dimension_numbers<[1], [0], [0], [1], [0, 0, 1, 1], [], []>, transpose_lhs_hint = false} : vector<1000x128xf32>, vector<128x4xf32>, vector<1000x4xf32> -> vector<1000x4xf32>
    %add3A_27 = arith.addf %dot_general3A_21, %dot_general3A_26 : vector<1000x4xf32>
    %get3A_28 = arith.constant 0 : index
    %get3A_29 = arith.constant 0 : index
    %get3A_30 = vector.load %arg8[%get3A_28, %get3A_29] : memref<1x4xf32, #tpu.memory_space<vmem>>, vector<1x4xf32>
    %add3A_31 = vector.broadcast %get3A_30 : vector<1x4xf32> to vector<1000x4xf32>
    %add3A_32 = arith.addf %add3A_27, %add3A_31 : vector<1000x4xf32>
    %reduce_max3A = arith.constant dense<0xFF800000> : vector<1000xf32>
    %reduce_max3A_33 = vector.multi_reduction <maximumf>, %add3A_32, %reduce_max3A [1] : vector<1000x4xf32> to vector<1000xf32>
    %broadcast_in_dim3A = vector.shape_cast %reduce_max3A_33 : vector<1000xf32> to vector<1000x1xf32>
    %sub3A = vector.broadcast %broadcast_in_dim3A : vector<1000x1xf32> to vector<1000x4xf32>
    %sub3A_34 = arith.subf %add3A_32, %sub3A : vector<1000x4xf32>
    %exp3A = math.exp %sub3A_34 : vector<1000x4xf32>
    %reduce_sum3A = arith.constant dense<0.000000e+00> : vector<1000xf32>
    %reduce_sum3A_35 = vector.multi_reduction <add>, %exp3A, %reduce_sum3A [1] : vector<1000x4xf32> to vector<1000xf32>
    %broadcast_in_dim3A_36 = vector.shape_cast %reduce_sum3A_35 : vector<1000xf32> to vector<1000x1xf32>
    %div3A_37 = vector.broadcast %broadcast_in_dim3A_36 : vector<1000x1xf32> to vector<1000x4xf32>
    %div3A_38 = arith.divf %exp3A, %div3A_37 : vector<1000x4xf32>
    %broadcast_in_dim3A_39 = arith.constant 0.000000e+00 : f32
    %broadcast_in_dim3A_40 = vector.broadcast %broadcast_in_dim3A_39 : f32 to vector<1000x128xf32>
    %get3A_41 = arith.constant 0 : index
    %get3A_42 = arith.constant 0 : index
    %get3A_43 = arith.constant 0 : index
    %get3A_44 = vector.load %arg9[%get3A_41, %get3A_42, %get3A_43] : memref<4x128x128xf32, #tpu.memory_space<vmem>>, vector<1x128x128xf32>
    %get3A_45 = vector.shape_cast %get3A_44 : vector<1x128x128xf32> to vector<128x128xf32>
    %dot_general3A_46 = arith.constant dense<0.000000e+00> : vector<1000x128xf32>
    %dot_general3A_47 = tpu.matmul %get3A_1, %get3A_45, %dot_general3A_46 {dimension_numbers = #tpu.dot_dimension_numbers<[1], [0], [0], [1], [0, 0, 1, 1], [], []>, transpose_lhs_hint = false} : vector<1000x128xf32>, vector<128x128xf32>, vector<1000x128xf32> -> vector<1000x128xf32>
    %get3A_48 = arith.constant 0 : index
    %get3A_49 = arith.constant 0 : index
    %get3A_50 = arith.constant 0 : index
    %get3A_51 = vector.load %arg10[%get3A_48, %get3A_49, %get3A_50] : memref<4x128x128xf32, #tpu.memory_space<vmem>>, vector<1x128x128xf32>
    %get3A_52 = vector.shape_cast %get3A_51 : vector<1x128x128xf32> to vector<128x128xf32>
    %dot_general3A_53 = arith.constant dense<0.000000e+00> : vector<1000x128xf32>
    %dot_general3A_54 = tpu.matmul %div3A_17, %get3A_52, %dot_general3A_53 {dimension_numbers = #tpu.dot_dimension_numbers<[1], [0], [0], [1], [0, 0, 1, 1], [], []>, transpose_lhs_hint = false} : vector<1000x128xf32>, vector<128x128xf32>, vector<1000x128xf32> -> vector<1000x128xf32>
    %add3A_55 = arith.addf %dot_general3A_47, %dot_general3A_54 : vector<1000x128xf32>
    %get3A_56 = arith.constant 0 : index
    %get3A_57 = arith.constant 0 : index
    %get3A_58 = arith.constant 0 : index
    %get3A_59 = vector.load %arg11[%get3A_56, %get3A_57, %get3A_58] : memref<1x4x128xf32, #tpu.memory_space<vmem>>, vector<1x1x128xf32>
    %get3A_60 = vector.shape_cast %get3A_59 : vector<1x1x128xf32> to vector<1x128xf32>
    %add3A_61 = vector.broadcast %get3A_60 : vector<1x128xf32> to vector<1000x128xf32>
    %add3A_62 = arith.addf %add3A_55, %add3A_61 : vector<1000x128xf32>
    %max3A_63 = arith.constant 0.000000e+00 : f32
    %max3A_64 = vector.broadcast %max3A_63 : f32 to vector<1000x128xf32>
    %max3A_65 = arith.maximumf %add3A_62, %max3A_64 : vector<1000x128xf32>
    %slice3A = vector.extract_strided_slice %div3A_38 {offsets = [0, 0], sizes = [1000, 1], strides = [1, 1]} : vector<1000x4xf32> to vector<1000x1xf32>
    %mul3A = vector.broadcast %slice3A : vector<1000x1xf32> to vector<1000x128xf32>
    %mul3A_66 = arith.mulf %max3A_65, %mul3A : vector<1000x128xf32>
    %add3A_67 = arith.addf %broadcast_in_dim3A_40, %mul3A_66 : vector<1000x128xf32>
    %get3A_68 = arith.constant 1 : index
    %get3A_69 = arith.constant 0 : index
    %get3A_70 = arith.constant 0 : index
    %get3A_71 = vector.load %arg9[%get3A_68, %get3A_69, %get3A_70] : memref<4x128x128xf32, #tpu.memory_space<vmem>>, vector<1x128x128xf32>
    %get3A_72 = vector.shape_cast %get3A_71 : vector<1x128x128xf32> to vector<128x128xf32>
    %dot_general3A_73 = arith.constant dense<0.000000e+00> : vector<1000x128xf32>
    %dot_general3A_74 = tpu.matmul %get3A_1, %get3A_72, %dot_general3A_73 {dimension_numbers = #tpu.dot_dimension_numbers<[1], [0], [0], [1], [0, 0, 1, 1], [], []>, transpose_lhs_hint = false} : vector<1000x128xf32>, vector<128x128xf32>, vector<1000x128xf32> -> vector<1000x128xf32>
    %get3A_75 = arith.constant 1 : index
    %get3A_76 = arith.constant 0 : index
    %get3A_77 = arith.constant 0 : index
    %get3A_78 = vector.load %arg10[%get3A_75, %get3A_76, %get3A_77] : memref<4x128x128xf32, #tpu.memory_space<vmem>>, vector<1x128x128xf32>
    %get3A_79 = vector.shape_cast %get3A_78 : vector<1x128x128xf32> to vector<128x128xf32>
    %dot_general3A_80 = arith.constant dense<0.000000e+00> : vector<1000x128xf32>
    %dot_general3A_81 = tpu.matmul %div3A_17, %get3A_79, %dot_general3A_80 {dimension_numbers = #tpu.dot_dimension_numbers<[1], [0], [0], [1], [0, 0, 1, 1], [], []>, transpose_lhs_hint = false} : vector<1000x128xf32>, vector<128x128xf32>, vector<1000x128xf32> -> vector<1000x128xf32>
    %add3A_82 = arith.addf %dot_general3A_74, %dot_general3A_81 : vector<1000x128xf32>
    %get3A_83 = arith.constant 0 : index
    %get3A_84 = arith.constant 1 : index
    %get3A_85 = arith.constant 0 : index
    %get3A_86 = vector.load %arg11[%get3A_83, %get3A_84, %get3A_85] : memref<1x4x128xf32, #tpu.memory_space<vmem>>, vector<1x1x128xf32>
    %get3A_87 = vector.shape_cast %get3A_86 : vector<1x1x128xf32> to vector<1x128xf32>
    %add3A_88 = vector.broadcast %get3A_87 : vector<1x128xf32> to vector<1000x128xf32>
    %add3A_89 = arith.addf %add3A_82, %add3A_88 : vector<1000x128xf32>
    %max3A_90 = arith.constant 0.000000e+00 : f32
    %max3A_91 = vector.broadcast %max3A_90 : f32 to vector<1000x128xf32>
    %max3A_92 = arith.maximumf %add3A_89, %max3A_91 : vector<1000x128xf32>
    %slice3A_93 = vector.extract_strided_slice %div3A_38 {offsets = [0, 1], sizes = [1000, 1], strides = [1, 1]} : vector<1000x4xf32> to vector<1000x1xf32>
    %mul3A_94 = vector.broadcast %slice3A_93 : vector<1000x1xf32> to vector<1000x128xf32>
    %mul3A_95 = arith.mulf %max3A_92, %mul3A_94 : vector<1000x128xf32>
    %add3A_96 = arith.addf %add3A_67, %mul3A_95 : vector<1000x128xf32>
    %get3A_97 = arith.constant 2 : index
    %get3A_98 = arith.constant 0 : index
    %get3A_99 = arith.constant 0 : index
    %get3A_100 = vector.load %arg9[%get3A_97, %get3A_98, %get3A_99] : memref<4x128x128xf32, #tpu.memory_space<vmem>>, vector<1x128x128xf32>
    %get3A_101 = vector.shape_cast %get3A_100 : vector<1x128x128xf32> to vector<128x128xf32>
    %dot_general3A_102 = arith.constant dense<0.000000e+00> : vector<1000x128xf32>
    %dot_general3A_103 = tpu.matmul %get3A_1, %get3A_101, %dot_general3A_102 {dimension_numbers = #tpu.dot_dimension_numbers<[1], [0], [0], [1], [0, 0, 1, 1], [], []>, transpose_lhs_hint = false} : vector<1000x128xf32>, vector<128x128xf32>, vector<1000x128xf32> -> vector<1000x128xf32>
    %get3A_104 = arith.constant 2 : index
    %get3A_105 = arith.constant 0 : index
    %get3A_106 = arith.constant 0 : index
    %get3A_107 = vector.load %arg10[%get3A_104, %get3A_105, %get3A_106] : memref<4x128x128xf32, #tpu.memory_space<vmem>>, vector<1x128x128xf32>
    %get3A_108 = vector.shape_cast %get3A_107 : vector<1x128x128xf32> to vector<128x128xf32>
    %dot_general3A_109 = arith.constant dense<0.000000e+00> : vector<1000x128xf32>
    %dot_general3A_110 = tpu.matmul %div3A_17, %get3A_108, %dot_general3A_109 {dimension_numbers = #tpu.dot_dimension_numbers<[1], [0], [0], [1], [0, 0, 1, 1], [], []>, transpose_lhs_hint = false} : vector<1000x128xf32>, vector<128x128xf32>, vector<1000x128xf32> -> vector<1000x128xf32>
    %add3A_111 = arith.addf %dot_general3A_103, %dot_general3A_110 : vector<1000x128xf32>
    %get3A_112 = arith.constant 0 : index
    %get3A_113 = arith.constant 2 : index
    %get3A_114 = arith.constant 0 : index
    %get3A_115 = vector.load %arg11[%get3A_112, %get3A_113, %get3A_114] : memref<1x4x128xf32, #tpu.memory_space<vmem>>, vector<1x1x128xf32>
    %get3A_116 = vector.shape_cast %get3A_115 : vector<1x1x128xf32> to vector<1x128xf32>
    %add3A_117 = vector.broadcast %get3A_116 : vector<1x128xf32> to vector<1000x128xf32>
    %add3A_118 = arith.addf %add3A_111, %add3A_117 : vector<1000x128xf32>
    %max3A_119 = arith.constant 0.000000e+00 : f32
    %max3A_120 = vector.broadcast %max3A_119 : f32 to vector<1000x128xf32>
    %max3A_121 = arith.maximumf %add3A_118, %max3A_120 : vector<1000x128xf32>
    %slice3A_122 = vector.extract_strided_slice %div3A_38 {offsets = [0, 2], sizes = [1000, 1], strides = [1, 1]} : vector<1000x4xf32> to vector<1000x1xf32>
    %mul3A_123 = vector.broadcast %slice3A_122 : vector<1000x1xf32> to vector<1000x128xf32>
    %mul3A_124 = arith.mulf %max3A_121, %mul3A_123 : vector<1000x128xf32>
    %add3A_125 = arith.addf %add3A_96, %mul3A_124 : vector<1000x128xf32>
    %get3A_126 = arith.constant 3 : index
    %get3A_127 = arith.constant 0 : index
    %get3A_128 = arith.constant 0 : index
    %get3A_129 = vector.load %arg9[%get3A_126, %get3A_127, %get3A_128] : memref<4x128x128xf32, #tpu.memory_space<vmem>>, vector<1x128x128xf32>
    %get3A_130 = vector.shape_cast %get3A_129 : vector<1x128x128xf32> to vector<128x128xf32>
    %dot_general3A_131 = arith.constant dense<0.000000e+00> : vector<1000x128xf32>
    %dot_general3A_132 = tpu.matmul %get3A_1, %get3A_130, %dot_general3A_131 {dimension_numbers = #tpu.dot_dimension_numbers<[1], [0], [0], [1], [0, 0, 1, 1], [], []>, transpose_lhs_hint = false} : vector<1000x128xf32>, vector<128x128xf32>, vector<1000x128xf32> -> vector<1000x128xf32>
    %get3A_133 = arith.constant 3 : index
    %get3A_134 = arith.constant 0 : index
    %get3A_135 = arith.constant 0 : index
    %get3A_136 = vector.load %arg10[%get3A_133, %get3A_134, %get3A_135] : memref<4x128x128xf32, #tpu.memory_space<vmem>>, vector<1x128x128xf32>
    %get3A_137 = vector.shape_cast %get3A_136 : vector<1x128x128xf32> to vector<128x128xf32>
    %dot_general3A_138 = arith.constant dense<0.000000e+00> : vector<1000x128xf32>
    %dot_general3A_139 = tpu.matmul %div3A_17, %get3A_137, %dot_general3A_138 {dimension_numbers = #tpu.dot_dimension_numbers<[1], [0], [0], [1], [0, 0, 1, 1], [], []>, transpose_lhs_hint = false} : vector<1000x128xf32>, vector<128x128xf32>, vector<1000x128xf32> -> vector<1000x128xf32>
    %add3A_140 = arith.addf %dot_general3A_132, %dot_general3A_139 : vector<1000x128xf32>
    %get3A_141 = arith.constant 0 : index
    %get3A_142 = arith.constant 3 : index
    %get3A_143 = arith.constant 0 : index
    %get3A_144 = vector.load %arg11[%get3A_141, %get3A_142, %get3A_143] : memref<1x4x128xf32, #tpu.memory_space<vmem>>, vector<1x1x128xf32>
    %get3A_145 = vector.shape_cast %get3A_144 : vector<1x1x128xf32> to vector<1x128xf32>
    %add3A_146 = vector.broadcast %get3A_145 : vector<1x128xf32> to vector<1000x128xf32>
    %add3A_147 = arith.addf %add3A_140, %add3A_146 : vector<1000x128xf32>
    %max3A_148 = arith.constant 0.000000e+00 : f32
    %max3A_149 = vector.broadcast %max3A_148 : f32 to vector<1000x128xf32>
    %max3A_150 = arith.maximumf %add3A_147, %max3A_149 : vector<1000x128xf32>
    %slice3A_151 = vector.extract_strided_slice %div3A_38 {offsets = [0, 3], sizes = [1000, 1], strides = [1, 1]} : vector<1000x4xf32> to vector<1000x1xf32>
    %mul3A_152 = vector.broadcast %slice3A_151 : vector<1000x1xf32> to vector<1000x128xf32>
    %mul3A_153 = arith.mulf %max3A_150, %mul3A_152 : vector<1000x128xf32>
    %add3A_154 = arith.addf %add3A_125, %mul3A_153 : vector<1000x128xf32>
    %mul3A_155 = arith.mulf %add3A_154, %add3A_154 : vector<1000x128xf32>
    %reduce_sum3A_156 = arith.constant dense<0.000000e+00> : vector<1000xf32>
    %reduce_sum3A_157 = vector.multi_reduction <add>, %mul3A_155, %reduce_sum3A_156 [1] : vector<1000x128xf32> to vector<1000xf32>
    %broadcast_in_dim3A_158 = vector.shape_cast %reduce_sum3A_157 : vector<1000xf32> to vector<1000x1xf32>
    %sqrt3A = math.sqrt %broadcast_in_dim3A_158 : vector<1000x1xf32>
    %max3A_159 = arith.constant 9.99999996E-13 : f32
    %max3A_160 = vector.broadcast %max3A_159 : f32 to vector<1000x1xf32>
    %max3A_161 = arith.maximumf %sqrt3A, %max3A_160 : vector<1000x1xf32>
    %div3A_162 = vector.broadcast %max3A_161 : vector<1000x1xf32> to vector<1000x128xf32>
    %div3A_163 = arith.divf %add3A_154, %div3A_162 : vector<1000x128xf32>
    %max3A_164 = arith.constant 0.000000e+00 : f32
    %max3A_165 = vector.broadcast %max3A_164 : f32 to vector<1000x128xf32>
    %max3A_166 = arith.maximumf %div3A_163, %max3A_165 : vector<1000x128xf32>
    %get3A_167 = arith.constant 0 : index
    %get3A_168 = arith.constant 0 : index
    %get3A_169 = vector.load %arg12[%get3A_167, %get3A_168] : memref<128x128xf32, #tpu.memory_space<vmem>>, vector<128x128xf32>
    %dot_general3A_170 = arith.constant dense<0.000000e+00> : vector<1000x128xf32>
    %dot_general3A_171 = tpu.matmul %max3A_166, %get3A_169, %dot_general3A_170 {dimension_numbers = #tpu.dot_dimension_numbers<[1], [0], [0], [1], [0, 0, 1, 1], [], []>, transpose_lhs_hint = false} : vector<1000x128xf32>, vector<128x128xf32>, vector<1000x128xf32> -> vector<1000x128xf32>
    %get3A_172 = arith.constant 0 : index
    %get3A_173 = arith.constant 0 : index
    %get3A_174 = vector.load %arg13[%get3A_172, %get3A_173] : memref<1x128xf32, #tpu.memory_space<vmem>>, vector<1x128xf32>
    %add3A_175 = vector.broadcast %get3A_174 : vector<1x128xf32> to vector<1000x128xf32>
    %add3A_176 = arith.addf %dot_general3A_171, %add3A_175 : vector<1000x128xf32>
    %get3A_177 = arith.constant 0 : index
    %get3A_178 = arith.constant 0 : index
    %get3A_179 = vector.load %arg14[%get3A_177, %get3A_178] : memref<128x128xf32, #tpu.memory_space<vmem>>, vector<128x128xf32>
    %dot_general3A_180 = arith.constant dense<0.000000e+00> : vector<1000x128xf32>
    %dot_general3A_181 = tpu.matmul %add3A_176, %get3A_179, %dot_general3A_180 {dimension_numbers = #tpu.dot_dimension_numbers<[1], [0], [0], [1], [0, 0, 1, 1], [], []>, transpose_lhs_hint = false} : vector<1000x128xf32>, vector<128x128xf32>, vector<1000x128xf32> -> vector<1000x128xf32>
    %get3A_182 = arith.constant 0 : index
    %get3A_183 = arith.constant 0 : index
    %get3A_184 = vector.load %arg15[%get3A_182, %get3A_183] : memref<1x128xf32, #tpu.memory_space<vmem>>, vector<1x128xf32>
    %add3A_185 = vector.broadcast %get3A_184 : vector<1x128xf32> to vector<1000x128xf32>
    %add3A_186 = arith.addf %dot_general3A_181, %add3A_185 : vector<1000x128xf32>
    %reduce_max3A_187 = arith.constant dense<0xFF800000> : vector<1000xf32>
    %reduce_max3A_188 = vector.multi_reduction <maximumf>, %add3A_186, %reduce_max3A_187 [1] : vector<1000x128xf32> to vector<1000xf32>
    %broadcast_in_dim3A_189 = vector.shape_cast %reduce_max3A_188 : vector<1000xf32> to vector<1000x1xf32>
    %sub3A_190 = vector.broadcast %broadcast_in_dim3A_189 : vector<1000x1xf32> to vector<1000x128xf32>
    %sub3A_191 = arith.subf %add3A_186, %sub3A_190 : vector<1000x128xf32>
    %exp3A_192 = math.exp %sub3A_191 : vector<1000x128xf32>
    %reduce_sum3A_193 = arith.constant dense<0.000000e+00> : vector<1000xf32>
    %reduce_sum3A_194 = vector.multi_reduction <add>, %exp3A_192, %reduce_sum3A_193 [1] : vector<1000x128xf32> to vector<1000xf32>
    %broadcast_in_dim3A_195 = vector.shape_cast %reduce_sum3A_194 : vector<1000xf32> to vector<1000x1xf32>
    %log3A = math.log %broadcast_in_dim3A_195 : vector<1000x1xf32>
    %add3A_196 = arith.addf %broadcast_in_dim3A_189, %log3A : vector<1000x1xf32>
    %sub3A_197 = vector.broadcast %add3A_196 : vector<1000x1xf32> to vector<1000x128xf32>
    %sub3A_198 = arith.subf %add3A_186, %sub3A_197 : vector<1000x128xf32>
    %swap3A = arith.constant 0 : index
    %swap3A_199 = arith.constant 0 : index
    %swap3A_200 = vector.load %arg16[%swap3A, %swap3A_199] : memref<1000x128xf32, #tpu.memory_space<vmem>>, vector<1000x128xf32>
    tpu.vector_store %arg16[%swap3A, %swap3A_199], %sub3A_198 {strides = array<i32>} : memref<1000x128xf32, #tpu.memory_space<vmem>>, vector<1000x128xf32>,
    return
  }
  func.func @transform_0(%arg0: i32) -> (i32, i32) {
    %c0_i32 = arith.constant 0 : i32
    %c0_i32_0 = arith.constant 0 : i32
    return %arg0, %c0_i32 : i32, i32
  }
  func.func @transform_1(%arg0: i32) -> (i32, i32) {
    %c0_i32 = arith.constant 0 : i32
    %c0_i32_0 = arith.constant 0 : i32
    return %arg0, %c0_i32 : i32, i32
  }
  func.func @transform_2(%arg0: i32) -> (i32, i32) {
    %c0_i32 = arith.constant 0 : i32
    %c0_i32_0 = arith.constant 0 : i32
    return %arg0, %c0_i32 : i32, i32
  }
  func.func @transform_3(%arg0: i32) -> (i32, i32) {
    %c0_i32 = arith.constant 0 : i32
    %c0_i32_0 = arith.constant 0 : i32
    return %arg0, %c0_i32 : i32, i32
  }
  func.func @transform_4(%arg0: i32) -> (i32, i32) {
    %c0_i32 = arith.constant 0 : i32
    %c0_i32_0 = arith.constant 0 : i32
    return %arg0, %c0_i32 : i32, i32
  }
  func.func @transform_5(%arg0: i32) -> (i32, i32) {
    %c0_i32 = arith.constant 0 : i32
    %c0_i32_0 = arith.constant 0 : i32
    %c0_i32_1 = arith.constant 0 : i32
    return %c0_i32, %c0_i32_0 : i32, i32
  }
  func.func @transform_6(%arg0: i32) -> (i32, i32) {
    %c0_i32 = arith.constant 0 : i32
    %c0_i32_0 = arith.constant 0 : i32
    %c0_i32_1 = arith.constant 0 : i32
    return %c0_i32, %c0_i32_0 : i32, i32
  }
  func.func @transform_7(%arg0: i32) -> (i32, i32) {
    %c0_i32 = arith.constant 0 : i32
    %c0_i32_0 = arith.constant 0 : i32
    %c0_i32_1 = arith.constant 0 : i32
    return %c0_i32, %c0_i32_0 : i32, i32
  }
  func.func @transform_8(%arg0: i32) -> (i32, i32, i32) {
    %c0_i32 = arith.constant 0 : i32
    %c0_i32_0 = arith.constant 0 : i32
    %c0_i32_1 = arith.constant 0 : i32
    %c0_i32_2 = arith.constant 0 : i32
    return %c0_i32, %c0_i32_0, %c0_i32_1 : i32, i32, i32
  }
  func.func @transform_9(%arg0: i32) -> (i32, i32, i32) {
    %c0_i32 = arith.constant 0 : i32
    %c0_i32_0 = arith.constant 0 : i32
    %c0_i32_1 = arith.constant 0 : i32
    %c0_i32_2 = arith.constant 0 : i32
    return %c0_i32, %c0_i32_0, %c0_i32_1 : i32, i32, i32
  }
  func.func @transform_10(%arg0: i32) -> (i32, i32, i32) {
    %c0_i32 = arith.constant 0 : i32
    %c0_i32_0 = arith.constant 0 : i32
    %c0_i32_1 = arith.constant 0 : i32
    %c0_i32_2 = arith.constant 0 : i32
    return %c0_i32, %c0_i32_0, %c0_i32_1 : i32, i32, i32
  }
  func.func @transform_11(%arg0: i32) -> (i32, i32) {
    %c0_i32 = arith.constant 0 : i32
    %c0_i32_0 = arith.constant 0 : i32
    %c0_i32_1 = arith.constant 0 : i32
    return %c0_i32, %c0_i32_0 : i32, i32
  }
  func.func @transform_12(%arg0: i32) -> (i32, i32) {
    %c0_i32 = arith.constant 0 : i32
    %c0_i32_0 = arith.constant 0 : i32
    %c0_i32_1 = arith.constant 0 : i32
    return %c0_i32, %c0_i32_0 : i32, i32
  }
  func.func @transform_13(%arg0: i32) -> (i32, i32) {
    %c0_i32 = arith.constant 0 : i32
    %c0_i32_0 = arith.constant 0 : i32
    %c0_i32_1 = arith.constant 0 : i32
    return %c0_i32, %c0_i32_0 : i32, i32
  }
  func.func @transform_14(%arg0: i32) -> (i32, i32) {
    %c0_i32 = arith.constant 0 : i32
    %c0_i32_0 = arith.constant 0 : i32
    %c0_i32_1 = arith.constant 0 : i32
    return %c0_i32, %c0_i32_0 : i32, i32
  }
  func.func @transform_15(%arg0: i32) -> (i32, i32) {
    %c0_i32 = arith.constant 0 : i32
    %c0_i32_0 = arith.constant 0 : i32
    return %arg0, %c0_i32 : i32, i32
  }
}

</mosaic_0001>

<sc_bundles>
// kernel: kernel.11.cloned.1.call-start
scs
__scs_entry_jumppad:
0x0: {  	(pc) =	sbr.rel $0x88, $3  }
0x1: {  	(tag) =	ssettag $0x0;
	lr =	simm.s32 $0x1  }
0x2: {  	[smem:$0x3F8F] =	sst lr;
	_ =	strace $0xD0000000  }
0x3: {  	_ = 	snop  }
0x4: {  	_ = 	snop  }
0x5: {  	_ = 	snop  }
0x6: {  	_ = 	snop  }
0x7: {  	_ = 	snop  }
__scs_overlays_trampoline_lowered:
0x8: {  	[smem:$0x3F9E] =	sst s0  }
0x9: {  	[smem:$0x3F9F] =	sst s1  }
0xa: {  	[smem:$0x3FA0] =	sst s2  }
0xb: {  	[smem:$0x3FA1] =	sst s3  }
0xc: {  	[smem:$0x3FA2] =	sst s4  }
0xd: {  	[smem:$0x3FA3] =	sst s5  }
0xe: {  	[smem:$0x3FA4] =	sst s6  }
0xf: {  	[smem:$0x3FA5] =	sst s7  }
0x10: {  	[smem:$0x3FA6] =	sst s8  }
0x11: {  	[smem:$0x3FA7] =	sst s9;
	s0 =	simm.s32 @!p0 $0x0  }
0x12: {  	s1 =	sld [smem:$0x3F8D];
	s0 =	simm.s32 @p0 $0x1  }
0x13: {  	[smem:$0x3FA8] =	sst s0;
	s0 =	simm.s32 @!p1 $0x0  }
0x14: {  	s2 =	sld [smem:$0x3F8C];
	s0 =	simm.s32 @p1 $0x1  }
0x15: {  	[smem:$0x3FA9] =	sst s0;
	s0 =	simm.s32 @!p2 $0x0  }
0x16: {  	s3 =	sld [smem:$0x3FDB];
	s0 =	simm.s32 @p2 $0x1  }
0x17: {  	s4 =	simm.s32 $0x1BF5;
	[smem:$0x3FAB] =	sst s0  }
0x18: {  	s0 =	sld [smem:$0x3F8E];
	_ =	swait.ge [sflag:s4], $0x0  }
0x19: {  	s7 =	sld [smem:$0x3F8F]  }
0x1a: {  	s8 =	sadd.s32 $0xFFFFE003, lr  }
0x1b: {  	s9 =	sadd.s32 $0xFFFFFEF7, lr;
	s5 =	simm.s32 $0xFFFFFFFF;
	p2 =	slt.u32 s8, $0xFFFFF086  }
0x1c: {  	p1 =	slt.u32 s9, $0xF7A;
	s5 =	simm.s32 @!p2 $0x0  }
0x1d: {  	s5 =	simm.s32 @p1 $0x1;
	p0 =	seq.s32 s7, s2  }
0x1e: {  	s7 =	smul.u32 @!p0 $0xF7A, s2;
	p2 =	seq.s32 @!p0 s5, $0x0  }
0x1f: {  	s9 =	smul.u32 $0xF7A, s1;
	s8 =	simm.s32 @!p0 $0x1BF5;
	p2 =	por !p2, p0  }
0x20: {  	[sflag:s8] =	ssyncset.s32 @!p0 $0xFFFFF086;
	s6 =	sadd.s32 @!p0 s3, s7;
	s7 =	simm.s32 @!p0 $0x108  }
0x21: {  	s3 =	sadd.s32 s3, s9;
	s6 =	sadd.s32 @!p0 $0x88, s6;
	s7 =	simm.s32 @p2 $0x1082  }
0x22: {  	[simem:s7], [sflag:s8] =	dma.local @!p0 [hbm:s6], $0xF7A  }
0x23: {  	s9 =	sor.u32 $0xD0000000, s2;
	s6 =	simm.s32 $0x108;
	_ =	swait.ge @!p0 [sflag:s8], $0x0  }
0x24: {  	s3 =	sadd.s32 $0x88, s3;
	s6 =	simm.s32 @!p1 $0x1082;
	[sflag:s4] =	ssyncset.s32 $0xFFFFF086  }
0x25: {  	[simem:s6], [sflag:s4] =	dma.local [hbm:s3], $0xF7A  }
0x26: {  	[smem:$0x3F8F] =	sst s1;
	(tag) =	ssettag s2;
	_ =	strace s9  }
0x27: {  	s1 =	sld [smem:$0x3F9F]  }
0x28: {  	s2 =	sld [smem:$0x3FA0]  }
0x29: {  	s4 =	sld [smem:$0x3FA2]  }
0x2a: {  	p0 =	seq.s32 s5, $0x0;
	s5 =	sld [smem:$0x3FA3]  }
0x2b: {  	s6 =	sld [smem:$0x3FA4]  }
0x2c: {  	s7 =	sld [smem:$0x3FA5]  }
0x2d: {  	s3 =	simm.s32 $0x108;
	s8 =	sld [smem:$0x3FA6]  }
0x2e: {  	s3 =	simm.s32 @!p0 $0x1082;
	s9 =	sld [smem:$0x3FA7]  }
0x2f: {  	lr =	sadd.s32 s0, s3;
	s0 =	sld [smem:$0x3F9E]  }
0x30: {  	s3 =	sld [smem:$0x3FA1]  }
0x31: {  	[smem:$0x3FAA] =	sst s10  }
0x32: {  	s10 =	sld [smem:$0x3FA8];
	_ =	sdelay $0x3  }
0x33: {  	p0 =	seq.s32 s10, $0x1;
	s10 =	sld [smem:$0x3FAA];
	_ =	sdelay $0x3  }
0x34: {  	[smem:$0x3FAA] =	sst s10  }
0x35: {  	s10 =	sld [smem:$0x3FA9];
	_ =	sdelay $0x3  }
0x36: {  	p1 =	seq.s32 s10, $0x1;
	s10 =	sld [smem:$0x3FAA];
	_ =	sdelay $0x3  }
0x37: {  	[smem:$0x3FAA] =	sst s10  }
0x38: {  	s10 =	sld [smem:$0x3FAB]  }
0x39: {  	_ = 	snop;
	(pc) =	sbr.ind lr, $3  }
0x3a: {  	_ = 	snop  }
0x3b: {  	_ = 	snop  }
0x3c: {  	p2 =	seq.s32 s10, $0x1;
	s10 =	sld [smem:$0x3FAA]  }
0x3d: {  	_ =	shalt  }
0x3e: {  	_ =	shalt  }
0x3f: {  	_ =	shalt  }
0x40: {  	_ =	shalt  }
0x41: {  	_ =	shalt  }
0x42: {  	_ =	shalt  }
0x43: {  	_ =	shalt  }
0x44: {  	_ =	shalt  }
0x45: {  	_ =	shalt  }
0x46: {  	_ =	shalt  }
0x47: {  	_ =	shalt  }
0x48: {  	_ =	shalt  }
0x49: {  	_ =	shalt  }
0x4a: {  	_ =	shalt  }
0x4b: {  	_ =	shalt  }
0x4c: {  	_ =	shalt  }
0x4d: {  	_ =	shalt  }
0x4e: {  	_ =	shalt  }
0x4f: {  	_ =	shalt  }
0x50: {  	_ =	shalt  }
0x51: {  	_ =	shalt  }
0x52: {  	_ =	shalt  }
0x53: {  	_ =	shalt  }
0x54: {  	_ =	shalt  }
0x55: {  	_ =	shalt  }
0x56: {  	_ =	shalt  }
0x57: {  	_ =	shalt  }
0x58: {  	_ =	shalt  }
0x59: {  	_ =	shalt  }
0x5a: {  	_ =	shalt  }
0x5b: {  	_ =	shalt  }
0x5c: {  	_ =	shalt  }
0x5d: {  	_ =	shalt  }
0x5e: {  	_ =	shalt  }
0x5f: {  	_ =	shalt  }
0x60: {  	_ =	shalt  }
0x61: {  	_ =	shalt  }
0x62: {  	_ =	shalt  }
0x63: {  	_ =	shalt  }
0x64: {  	_ =	shalt  }
0x65: {  	_ =	shalt  }
0x66: {  	_ =	shalt  }
0x67: {  	_ =	shalt  }
0x68: {  	_ =	shalt  }
0x69: {  	_ =	shalt  }
0x6a: {  	_ =	shalt  }
0x6b: {  	_ =	shalt  }
0x6c: {  	_ =	shalt  }
0x6d: {  	_ =	shalt  }
0x6e: {  	_ =	shalt  }
0x6f: {  	_ =	shalt  }
0x70: {  	_ =	shalt  }
0x71: {  	_ =	shalt  }
0x72: {  	_ =	shalt  }
0x73: {  	_ =	shalt  }
0x74: {  	_ =	shalt  }
0x75: {  	_ =	shalt  }
0x76: {  	_ =	shalt  }
0x77: {  	_ =	shalt  }
0x78: {  	_ =	shalt  }
0x79: {  	_ =	shalt  }
0x7a: {  	_ =	shalt  }
0x7b: {  	_ =	shalt  }
0x7c: {  	_ =	shalt  }
0x7d: {  	_ =	shalt  }
0x7e: {  	_ =	shalt  }
0x7f: {  	_ =	shalt  }
0x80: {  	_ =	shalt  }
0x81: {  	_ =	shalt  }
0x82: {  	_ =	shalt  }
0x83: {  	_ =	shalt  }
0x84: {  	_ =	shalt  }
0x85: {  	_ =	shalt  }
0x86: {  	_ =	shalt  }
0x87: {  	_ =	shalt  }
.Lfunc_end0:
.L_simem_size_0:
called_computation.1_lowered:
.L_overlay_start_0:
0x88: {  	s2 =	sld [smem:$0x3FD9]  }
0x89: {  	s3 =	sld [smem:$0x3FFE];
	_ =	sdelay $0x1  }
0x8a: {  	s1 =	srdreg.scid  }
0x8b: {  	s0 =	sand.u32 $0x1, s1  }
0x8c: {  	s17 =	sshll.u32 s0, $0xA;
	s2 =	sadd.s32 s3, s2  }
0x8d: {  	s2 =	sadd.s32 s2, s17  }
0x8e: {  	[smem:$0x3FB6] =	sst s2  }
0x8f: {  	_ = 	snop  }
0x90: {  	s2 =	sld [smem:$0x3FD0];
	(tm) =	ssettm $0x1  }
0x91: {  	s18 =	sld [smem:$0x3FFB];
	_ =	sdelay $0x3  }
0x92: {  	_ =	strace s18  }
0x93: {  	s3 =	sld [smem:$0x3FFC];
	_ =	sdelay $0x3  }
0x94: {  	_ =	strace s3  }
0x95: {  	s3 =	sld [smem:$0x3FFD];
	_ =	sdelay $0x3  }
0x96: {  	_ =	strace s3  }
0x97: {  	_ =	strace $0x8FFFFFFF  }
0x98: {  	s19 =	sld [smem:$0x3FDB];
	_ =	sdelay $0x1  }
0x99: {  	s4 =	simm.s32 $_scs_section_size  }
0x9a: {  	s5 =	simm.s32 $_size__tile_overlayer_lowered;
	s6 =	simm.s32 $_tile_overlayer_lowered  }
0x9b: {  	s22 =	simm.s32 $0x1BFF;
	s21 =	sshll.u32 s6, $0x1;
	s3 =	sadd.s32 s4, s19  }
0x9c: {  	s7 =	simm.s32 $0x0;
	s20 =	sshll.u32 s5, $0x1;
	s5 =	sadd.s32 s21, s3  }
0x9d: {  	[timem:s7], [sflag:s22] =	dma.local [hbm:s5], s20  }
0x9e: {  	_ =	swait.ge [sflag:s22], s20  }
0x9f: {  	s4 =	ssub.s32 $0x0, s20;
	[sflag:s22] =	ssyncset.done $0x0  }
0xa0: {  	[sflag:s22] =	ssyncadd.s32 s4;
	_ =	sdelay $0x1  }
0xa1: {  	s23 =	simm.s32 $0x1B8B  }
0xa2: {  	_ =	swait.ge [sflag:s23], $0x1  }
0xa3: {  	[sflag:s23] =	ssyncset.done $0x0  }
0xa4: {  	s25 =	simm.s32 $0x1B8E;
	s24 =	sld [smem:$0x3FFE];
	[sflag:s23] =	ssyncadd.s32 $0xFFFFFFFF  }
0xa5: {  	s26 =	simm.s32 $execute0_lowered;
	[smem:$0x3FD2] =	sst s25  }
0xa6: {  	s5 =	sshll.u32 s26, $0x1;
	_ =	strace $0x80000046;
	[dreg:$0x1] =	wrdreg $0xFFFFFFFF  }
0xa7: {  	s28 =	simm.s32 $_size_execute0_lowered;
	s3 =	sadd.s32 s3, s5;
	[dreg:$0x0] =	wrdreg $0x0  }
0xa8: {  	s5 =	sshll.u32 s28, $0x1;
	[dreg:$0x2] =	wrdreg s3  }
0xa9: {  	[dreg:$0x3] =	wrdreg s5  }
0xaa: {  	[dreg:$0x4] =	wrdreg $0xC0  }
0xab: {  	_ =	task [dreg:s7], $0x5FFFF  }
0xac: {  	[dreg:$0x1] =	wrdreg $0xFFFFFFFF  }
0xad: {  	[dreg:$0x0] =	wrdreg $0x60  }
0xae: {  	[dreg:$0x2] =	wrdreg s2  }
0xaf: {  	[dreg:$0x3] =	wrdreg s24  }
0xb0: {  	[dreg:$0x4] =	wrdreg $0x52000  }
0xb1: {  	[dreg:$0x5] =	wrdreg $0xA  }
0xb2: {  	_ =	task.clear_ibuf [dreg:s7], $0x6FFFF;
	_ =	strace $0x90000046  }
0xb3: {  	s29 =	simm.s32 $0xA;
	_ =	strace $0x80000048  }
0xb4: {  	_ =	swait.ge [sflag:s29], $0x1  }
0xb5: {  	[sflag:s29] =	ssyncadd.s32 $0xFFFFFFFF  }
0xb6: {  	_ =	strace $0x90000048  }
0xb7: {  	_ =	sfence  }
0xb8: {  	s30 =	sld [smem:$0x0];
	_ =	sdelay $0x2  }
0xb9: {  	s31 =	sshll.u32 s1, $0xD;
	s1 =	sshrl.u32 s1, $0x2  }
0xba: {  	s3 =	sand.u32 $0x4000, s31;
	s1 =	sadd.s32 s1, s30  }
0xbb: {  	s0 =	sor.u32 s3, s0;
	s1 =	sshll.u32 s1, $0x11  }
0xbc: {  	s0 =	sor.u32 s1, s0  }
0xbd: {  	s0 =	sadd.s32 $0x8F2B, s0  }
0xbe: {  	[sflag:s0] =	ssyncadd.remote.s32 $0x1  }
0xbf: {  	_ =	sfence.sel $0xFFFF  }
0xc0: {  	[dreg:$0x0] =	wrdreg $0xFFFFFFFF;
	(pc) =	sbr.abs _section_cstart, $3  }
0xc1: {  	[dreg:$0x1] =	wrdreg $0xFFFFFFFF  }
0xc2: {  	_ =	task.clear_ibuf [dreg:s7], $0x2FFFF;
	_ =	strace $0x9FFFFFFF  }
0xc3: {  	(tm) =	ssettm $0x7FFFFFFF  }
tec
execute0_lowered:
.L_overlay_start_1:
0x0: {  	(tag) =	ssettag $0x1  }
0x1: {  	s1 =	rddreg [dreg:$0x0]  }
0x2: {  	s0 =	rddreg [dreg:$0x1]  }
0x3: {  	s2 =	rddreg [dreg:$0x2]  }
0x4: {  	s4 =	simm.s32 $0x0;
	s3 =	srdreg.scid;
	s11 =	stileid.u32  }
0x5: {  	s28 =	simm.s32 $0x180;
	s29 =	simm.s32 $0x2A00;
	s30 =	simm.s32 $0x1  }
0x6: {  	s31 =	simm.s32 $0x2;
	[smem:$0x7FF] =	sst s4;
	s3 =	sand.u32 $0x1, s3  }
0x7: {  	s7 =	smul.u32 $0x4F000, s11;
	s5 =	sadd.s32 $0xEE00, s0;
	s6 =	sadd.s32 $0x5000, s0  }
0x8: {  	s24 =	smul.u32 $0x2780, s11;
	_ =	strace $0x80000047;
	s8 =	ssub.s32 $0x2, s3  }
0x9: {  	s10 =	sshll.u32 s3, $0x4;
	s23 =	smul.u32 $0x27100, s3;
	p0 =	seq.s32 s3, $0x1  }
0xa: {  	s3 =	simm.s32 $0x40400;
	s9 =	sshrl.u32 s8, $0x1;
	s7 =	sshrl.u32 s7, $0x2  }
0xb: {  	s17 =	sor.u32 s11, s10;
	s3 =	simm.s32 @!p0 $0x18C00;
	s7 =	sadd.s32 s7, s2  }
0xc: {  	s8 =	ssub.s32 s8, s9;
	s9 =	smul.u32 $0x2710, s17;
	s18 =	sadd.s32 $0x2800, s7  }
0xd: {  	s17 =	smul.u32 $0x2710, s11;
	s19 =	sadd.s32 $0x5000, s7;
	[dreg:$0x4] =	wrdreg s18  }
0xe: {  	s0 =	sadd.s32 s3, s0;
	s20 =	sadd.s32 $0x7800, s7;
	[dreg:$0x5] =	wrdreg s19  }
0xf: {  	s21 =	sadd.s32 $0xA000, s7;
	s22 =	sadd.s32 $0xC800, s7;
	[dreg:$0x6] =	wrdreg s20  }
0x10: {  	s13 =	sadd.s32 $0xF000, s7;
	s14 =	sadd.s32 $0x11800, s7;
	[dreg:$0x7] =	wrdreg s21  }
0x11: {  	[dreg:$0x8] =	wrdreg s22;
	s9 =	sshrl.u32 s9, $0x3;
	s10 =	sadd.s32 s17, s23  }
0x12: {  	s17 =	smax.u32 s8, $0x1;
	s18 =	sadd.s32 s0, s24;
	s22 =	simm.s32 $0x200  }
0x13: {  	s23 =	simm.s32 $0x3;
	s24 =	simm.s32 $0x80;
	s0 =	simm.s32 $0x0  }
0x14: {  	s15 =	sadd.s32 s5, s9;
	s16 =	sadd.s32 s6, s9;
	s25 =	sadd.s32 $0x50, s10  }
0x15: {  	s19 =	sadd.s32 $0xA0, s10;
	s26 =	sshrl.u32 s25, $0x3;
	s25 =	simm.s32 $0x50  }
0x16: {  	v0 =	vimm.f32 $0.0e+00;
	s20 =	sadd.s32 s26, s6;
	s21 =	sadd.s32 s26, s5;
	s26 =	simm.s32 $0x100  }
.LBB2_1:
0x17: {  	s3 =	simm.s32 $0x0;
	s8 =	simm.s32 $0x200  }
.LBB2_2:
0x18: {  	p0 =	sne.s32 s8, $0x9E00;
	[tilespmem:s3+$0x270] =	vst v0  }
0x19: {  	[tilespmem:s3+$0x200] =	vst v0  }
0x1a: {  	[tilespmem:s3+$0x210] =	vst v0  }
.Ltmp0:
0x1b: {  	[tilespmem:s3+$0x220] =	vst v0;
	(pc) =	sbr.rel @p0 .LBB2_2-.Ltmp0, $4  }
0x1c: {  	[tilespmem:s3+$0x230] =	vst v0  }
0x1d: {  	[tilespmem:s3+$0x240] =	vst v0  }
0x1e: {  	[tilespmem:s3+$0x250] =	vst v0  }
0x1f: {  	[tilespmem:s3+$0x260] =	vst v0;
	s3 =	sshra.s32 s8, $0x2;
	s8 =	sadd.s32 $0x200, s8  }
0x20: {  	[tilespmem:s3+$0x270] =	vst v0  }
0x21: {  	[tilespmem:s3+$0x200] =	vst v0  }
0x22: {  	[tilespmem:s3+$0x210] =	vst v0  }
0x23: {  	[tilespmem:s3+$0x220] =	vst v0  }
0x24: {  	[tilespmem:s3+$0x230] =	vst v0  }
0x25: {  	[tilespmem:s3+$0x240] =	vst v0  }
0x26: {  	[tilespmem:s3+$0x250] =	vst v0  }
0x27: {  	[tilespmem:s3+$0x260] =	vst v0  }
0x28: {  	[spmem:s7] =	stream.linear.scatter [tilespmem:s22], [sflag:$0x3], $0x2800, $0x38;
	[tilespmem:$0x18E00] =	vst v63  }
0x29: {  	_ =	swait.ge [sflag:s23], $0x2800  }
0x2a: {  	[sflag:s23] =	ssyncset.done $0x0  }
0x2b: {  	s9 =	rddreg [dreg:$0x4];
	[sflag:s23] =	ssyncadd.s32 $0xFFFFD800  }
0x2c: {  	[spmem:s9] =	stream.linear.scatter [tilespmem:s22], [sflag:$0x3], $0x2800, $0x38;
	[tilespmem:$0x18E00] =	vst v63  }
0x2d: {  	_ =	swait.ge [sflag:s23], $0x2800  }
0x2e: {  	[sflag:s23] =	ssyncset.done $0x0  }
0x2f: {  	s10 =	rddreg [dreg:$0x5];
	[sflag:s23] =	ssyncadd.s32 $0xFFFFD800  }
0x30: {  	[spmem:s10] =	stream.linear.scatter [tilespmem:s22], [sflag:$0x3], $0x2800, $0x38;
	[tilespmem:$0x18E00] =	vst v63  }
0x31: {  	_ =	swait.ge [sflag:s23], $0x2800  }
0x32: {  	[sflag:s23] =	ssyncset.done $0x0  }
0x33: {  	s11 =	rddreg [dreg:$0x6];
	[sflag:s23] =	ssyncadd.s32 $0xFFFFD800  }
0x34: {  	[spmem:s11] =	stream.linear.scatter [tilespmem:s22], [sflag:$0x3], $0x2800, $0x38;
	[tilespmem:$0x18E00] =	vst v63  }
0x35: {  	_ =	swait.ge [sflag:s23], $0x2800  }
0x36: {  	[sflag:s23] =	ssyncset.done $0x0  }
0x37: {  	s12 =	rddreg [dreg:$0x7];
	[sflag:s23] =	ssyncadd.s32 $0xFFFFD800  }
0x38: {  	[spmem:s12] =	stream.linear.scatter [tilespmem:s22], [sflag:$0x3], $0x2800, $0x38;
	[tilespmem:$0x18E00] =	vst v63  }
0x39: {  	_ =	swait.ge [sflag:s23], $0x2800  }
0x3a: {  	[sflag:s23] =	ssyncset.done $0x0  }
0x3b: {  	s8 =	rddreg [dreg:$0x8];
	[sflag:s23] =	ssyncadd.s32 $0xFFFFD800  }
0x3c: {  	[spmem:s8] =	stream.linear.scatter [tilespmem:s22], [sflag:$0x3], $0x2800, $0x38;
	[tilespmem:$0x18E00] =	vst v63  }
0x3d: {  	_ =	swait.ge [sflag:s23], $0x2800  }
0x3e: {  	[sflag:s23] =	ssyncset.done $0x0  }
0x3f: {  	[sflag:s23] =	ssyncadd.s32 $0xFFFFD800  }
0x40: {  	[spmem:s13] =	stream.linear.scatter [tilespmem:s22], [sflag:$0x3], $0x2800, $0x38;
	[tilespmem:$0x18E00] =	vst v63  }
0x41: {  	_ =	swait.ge [sflag:s23], $0x2800  }
0x42: {  	[sflag:s23] =	ssyncset.done $0x0  }
0x43: {  	[sflag:s23] =	ssyncadd.s32 $0xFFFFD800  }
0x44: {  	[spmem:s14] =	stream.linear.scatter [tilespmem:s22], [sflag:$0x3], $0x2400, $0x38;
	[tilespmem:$0x18E00] =	vst v63  }
0x45: {  	_ =	swait.ge [sflag:s23], $0x2400  }
0x46: {  	[sflag:s23] =	ssyncset.done $0x0  }
0x47: {  	[sflag:s23] =	ssyncadd.s32 $0xFFFFDC00  }
0x48: {  	s9 =	simm.s32 $0x0;
	[bflag:$0x0] =	sbarrier.arrive $0xFFFF  }
0x49: {  	[tilespmem:s9], [sflag:$0x3] =	stream.linear.gather [hbm4b:s15+s9], $0x50, $0x38;
	[tilespmem:$0x18E00] =	vst v63  }
0x4a: {  	_ =	swait.ge [sflag:s23], $0x50  }
0x4b: {  	[sflag:s23] =	ssyncset.done $0x0  }
0x4c: {  	[sflag:s23] =	ssyncadd.s32 $0xFFFFFFB0  }
0x4d: {  	[tilespmem:s24], [sflag:$0x3] =	stream.linear.gather [hbm4b:s16+s9], $0x50, $0x38;
	[tilespmem:$0x18E00] =	vst v63  }
0x4e: {  	_ =	swait.ge [sflag:s23], $0x50  }
0x4f: {  	[sflag:s23] =	ssyncset.done $0x0  }
0x50: {  	[sflag:s23] =	ssyncadd.s32 $0xFFFFFFB0  }
0x51: {  	[tilespmem:s22], [sflag:$0x1] =	stream.indirect.gather [hbm4b:s1+s25], $0x80, s9, s25, $0xb8;
	[tilespmem:$0x18E00] =	vst v63  }
0x52: {  	s10 =	sadd.s32 $0x0, s21  }
0x53: {  	[tilespmem:s26], [sflag:$0x3] =	stream.linear.gather [hbm4b:s10+s4], $0x50, $0x38;
	[tilespmem:$0x18E00] =	vst v63  }
0x54: {  	_ =	swait.ge [sflag:s23], $0x50  }
0x55: {  	[sflag:s23] =	ssyncset.done $0x0  }
0x56: {  	s11 =	sadd.s32 $0x0, s20;
	[sflag:s23] =	ssyncadd.s32 $0xFFFFFFB0  }
0x57: {  	[tilespmem:s28], [sflag:$0x3] =	stream.linear.gather [hbm4b:s11+s4], $0x50, $0x38;
	[tilespmem:$0x18E00] =	vst v63  }
0x58: {  	_ =	swait.ge [sflag:s23], $0x50  }
0x59: {  	[sflag:s23] =	ssyncset.done $0x0  }
0x5a: {  	[sflag:s23] =	ssyncadd.s32 $0xFFFFFFB0  }
0x5b: {  	[tilespmem:s29], [sflag:$0x2] =	stream.indirect.gather [hbm4b:s1+s25], $0x80, s26, s25, $0xb8;
	[tilespmem:$0x18E00] =	vst v63  }
0x5c: {  	_ =	swait.ge [sflag:s30], $0x2800  }
0x5d: {  	[sflag:s30] =	ssyncset.done $0x0  }
0x5e: {  	[sflag:s30] =	ssyncadd.s32 $0xFFFFD800  }
0x5f: {  	[spmem:s2] =	stream.indirect.scatter.add.f32 [tilespmem:s22], [sflag:$0x3], $0x80, s24, s25, $0xb8;
	[tilespmem:$0x18E00] =	vst v63  }
0x60: {  	_ =	swait.ge [sflag:s23], $0x2800  }
0x61: {  	s12 =	sshrl.u32 s19, $0x3;
	[sflag:s23] =	ssyncset.done $0x0  }
0x62: {  	s8 =	sadd.s32 s5, s12;
	[sflag:s23] =	ssyncadd.s32 $0xFFFFD800  }
0x63: {  	[tilespmem:s4], [sflag:$0x3] =	stream.linear.gather [hbm4b:s8+s4], $0x50, $0x38;
	[tilespmem:$0x18E00] =	vst v63  }
0x64: {  	_ =	swait.ge [sflag:s23], $0x50  }
0x65: {  	[sflag:s23] =	ssyncset.done $0x0  }
0x66: {  	s3 =	sadd.s32 s6, s12;
	[sflag:s23] =	ssyncadd.s32 $0xFFFFFFB0  }
0x67: {  	[tilespmem:s24], [sflag:$0x3] =	stream.linear.gather [hbm4b:s3+s4], $0x50, $0x38;
	[tilespmem:$0x18E00] =	vst v63  }
0x68: {  	_ =	swait.ge [sflag:s23], $0x50  }
0x69: {  	[sflag:s23] =	ssyncset.done $0x0  }
0x6a: {  	[sflag:s23] =	ssyncadd.s32 $0xFFFFFFB0  }
0x6b: {  	[tilespmem:s22], [sflag:$0x1] =	stream.indirect.gather [hbm4b:s1+s25], $0x80, s4, s25, $0xb8;
	[tilespmem:$0x18E00] =	vst v63  }
0x6c: {  	_ =	swait.ge [sflag:s31], $0x2800  }
0x6d: {  	[sflag:s31] =	ssyncset.done $0x0  }
0x6e: {  	[sflag:s31] =	ssyncadd.s32 $0xFFFFD800  }
0x6f: {  	[spmem:s2] =	stream.indirect.scatter.add.f32 [tilespmem:s29], [sflag:$0x3], $0x80, s28, s25, $0xb8;
	[tilespmem:$0x18E00] =	vst v63  }
0x70: {  	s9 =	simm.s32 $0x28;
	_ =	swait.ge [sflag:s23], $0x2800  }
0x71: {  	s8 =	simm.s32 $0x14;
	s3 =	sadd.s32 $0xA0, s19;
	[sflag:s23] =	ssyncset.done $0x0  }
.LBB2_4:
0x72: {  	s11 =	sadd.s32 s8, s21  }
0x73: {  	[sflag:s23] =	ssyncadd.s32 $0xFFFFD800;
	s12 =	smov.u32 s9;
	s10 =	sadd.s32 $0x14, s9  }
0x74: {  	[tilespmem:s26], [sflag:$0x3] =	stream.linear.gather [hbm4b:s11+s4], $0x50, $0x38;
	[tilespmem:$0x18E00] =	vst v63  }
0x75: {  	p0 =	sne.s32 s9, $0x4C4;
	_ =	swait.ge [sflag:s23], $0x50  }
0x76: {  	[sflag:s23] =	ssyncset.done $0x0  }
0x77: {  	s9 =	sadd.s32 s8, s20;
	s8 =	smov.u32 s12;
	[sflag:s23] =	ssyncadd.s32 $0xFFFFFFB0  }
0x78: {  	[tilespmem:s28], [sflag:$0x3] =	stream.linear.gather [hbm4b:s9+s4], $0x50, $0x38;
	[tilespmem:$0x18E00] =	vst v63  }
0x79: {  	_ =	swait.ge [sflag:s23], $0x50  }
0x7a: {  	[sflag:s23] =	ssyncset.done $0x0  }
0x7b: {  	[sflag:s23] =	ssyncadd.s32 $0xFFFFFFB0  }
0x7c: {  	[tilespmem:s29], [sflag:$0x2] =	stream.indirect.gather [hbm4b:s1+s25], $0x80, s26, s25, $0xb8;
	[tilespmem:$0x18E00] =	vst v63  }
0x7d: {  	_ =	swait.ge [sflag:s30], $0x2800  }
0x7e: {  	[sflag:s30] =	ssyncset.done $0x0  }
0x7f: {  	[sflag:s30] =	ssyncadd.s32 $0xFFFFD800  }
0x80: {  	[spmem:s2] =	stream.indirect.scatter.add.f32 [tilespmem:s22], [sflag:$0x3], $0x80, s24, s25, $0xb8;
	[tilespmem:$0x18E00] =	vst v63  }
0x81: {  	_ =	swait.ge [sflag:s23], $0x2800  }
0x82: {  	s9 =	sshrl.u32 s3, $0x3;
	[sflag:s23] =	ssyncset.done $0x0  }
0x83: {  	s11 =	sadd.s32 s5, s9;
	[sflag:s23] =	ssyncadd.s32 $0xFFFFD800  }
0x84: {  	[tilespmem:s4], [sflag:$0x3] =	stream.linear.gather [hbm4b:s11+s4], $0x50, $0x38;
	[tilespmem:$0x18E00] =	vst v63  }
0x85: {  	_ =	swait.ge [sflag:s23], $0x50  }
0x86: {  	[sflag:s23] =	ssyncset.done $0x0  }
0x87: {  	s9 =	sadd.s32 s6, s9;
	[sflag:s23] =	ssyncadd.s32 $0xFFFFFFB0  }
0x88: {  	[tilespmem:s24], [sflag:$0x3] =	stream.linear.gather [hbm4b:s9+s4], $0x50, $0x38;
	[tilespmem:$0x18E00] =	vst v63  }
0x89: {  	_ =	swait.ge [sflag:s23], $0x50  }
0x8a: {  	[sflag:s23] =	ssyncset.done $0x0  }
0x8b: {  	[sflag:s23] =	ssyncadd.s32 $0xFFFFFFB0  }
0x8c: {  	[tilespmem:s22], [sflag:$0x1] =	stream.indirect.gather [hbm4b:s1+s25], $0x80, s4, s25, $0xb8;
	[tilespmem:$0x18E00] =	vst v63  }
0x8d: {  	_ =	swait.ge [sflag:s31], $0x2800  }
.Ltmp1:
0x8e: {  	[sflag:s31] =	ssyncset.done $0x0;
	(pc) =	sbr.rel @p0 .LBB2_4-.Ltmp1, $4  }
0x8f: {  	[sflag:s31] =	ssyncadd.s32 $0xFFFFD800  }
0x90: {  	[spmem:s2] =	stream.indirect.scatter.add.f32 [tilespmem:s29], [sflag:$0x3], $0x80, s28, s25, $0xb8;
	[tilespmem:$0x18E00] =	vst v63  }
0x91: {  	_ =	swait.ge [sflag:s23], $0x2800  }
0x92: {  	s3 =	sadd.s32 $0xA0, s3;
	s9 =	smov.u32 s10;
	[sflag:s23] =	ssyncset.done $0x0  }
0x93: {  	s9 =	sadd.s32 s8, s21;
	[sflag:s23] =	ssyncadd.s32 $0xFFFFD800  }
0x94: {  	[tilespmem:s26], [sflag:$0x3] =	stream.linear.gather [hbm4b:s9+s4], $0x50, $0x38;
	[tilespmem:$0x18E00] =	vst v63  }
0x95: {  	_ =	swait.ge [sflag:s23], $0x50  }
0x96: {  	[sflag:s23] =	ssyncset.done $0x0  }
0x97: {  	s9 =	sadd.s32 s8, s20;
	[sflag:s23] =	ssyncadd.s32 $0xFFFFFFB0  }
0x98: {  	[tilespmem:s28], [sflag:$0x3] =	stream.linear.gather [hbm4b:s9+s4], $0x50, $0x38;
	[tilespmem:$0x18E00] =	vst v63  }
0x99: {  	_ =	swait.ge [sflag:s23], $0x50  }
0x9a: {  	[sflag:s23] =	ssyncset.done $0x0  }
0x9b: {  	[sflag:s23] =	ssyncadd.s32 $0xFFFFFFB0  }
0x9c: {  	[tilespmem:s29], [sflag:$0x2] =	stream.indirect.gather [hbm4b:s1+s25], $0x80, s26, s25, $0xb8;
	[tilespmem:$0x18E00] =	vst v63  }
0x9d: {  	_ =	swait.ge [sflag:s30], $0x2800  }
0x9e: {  	[sflag:s30] =	ssyncset.done $0x0  }
0x9f: {  	[sflag:s30] =	ssyncadd.s32 $0xFFFFD800  }
0xa0: {  	[spmem:s2] =	stream.indirect.scatter.add.f32 [tilespmem:s22], [sflag:$0x3], $0x80, s24, s25, $0xb8;
	[tilespmem:$0x18E00] =	vst v63  }
0xa1: {  	_ =	swait.ge [sflag:s23], $0x2800  }
0xa2: {  	s3 =	sshrl.u32 s3, $0x3;
	[sflag:s23] =	ssyncset.done $0x0  }
0xa3: {  	s10 =	sadd.s32 s5, s3;
	[sflag:s23] =	ssyncadd.s32 $0xFFFFD800  }
0xa4: {  	[tilespmem:s4], [sflag:$0x3] =	stream.linear.gather [hbm4b:s10+s4], $0x50, $0x38;
	[tilespmem:$0x18E00] =	vst v63  }
0xa5: {  	_ =	swait.ge [sflag:s23], $0x50  }
0xa6: {  	[sflag:s23] =	ssyncset.done $0x0  }
0xa7: {  	s3 =	sadd.s32 s6, s3;
	[sflag:s23] =	ssyncadd.s32 $0xFFFFFFB0  }
0xa8: {  	[tilespmem:s24], [sflag:$0x3] =	stream.linear.gather [hbm4b:s3+s4], $0x50, $0x38;
	[tilespmem:$0x18E00] =	vst v63  }
0xa9: {  	_ =	swait.ge [sflag:s23], $0x50  }
0xaa: {  	[sflag:s23] =	ssyncset.done $0x0  }
0xab: {  	[sflag:s23] =	ssyncadd.s32 $0xFFFFFFB0  }
0xac: {  	[tilespmem:s22], [sflag:$0x1] =	stream.indirect.gather [hbm4b:s1+s25], $0x80, s4, s25, $0xb8;
	[tilespmem:$0x18E00] =	vst v63  }
0xad: {  	_ =	swait.ge [sflag:s31], $0x2800  }
0xae: {  	[sflag:s31] =	ssyncset.done $0x0  }
0xaf: {  	[sflag:s31] =	ssyncadd.s32 $0xFFFFD800  }
0xb0: {  	[spmem:s2] =	stream.indirect.scatter.add.f32 [tilespmem:s29], [sflag:$0x3], $0x80, s28, s25, $0xb8;
	[tilespmem:$0x18E00] =	vst v63  }
0xb1: {  	_ =	swait.ge [sflag:s23], $0x2800  }
0xb2: {  	[sflag:s23] =	ssyncset.done $0x0  }
0xb3: {  	[sflag:s23] =	ssyncadd.s32 $0xFFFFD800  }
0xb4: {  	_ =	swait.ge [sflag:s30], $0x2800  }
0xb5: {  	[sflag:s30] =	ssyncset.done $0x0  }
0xb6: {  	[sflag:s30] =	ssyncadd.s32 $0xFFFFD800  }
0xb7: {  	[spmem:s2] =	stream.indirect.scatter.add.f32 [tilespmem:s22], [sflag:$0x3], $0x80, s24, s25, $0xb8;
	[tilespmem:$0x18E00] =	vst v63  }
0xb8: {  	s11 =	stileid.u32;
	_ =	swait.ge [sflag:s23], $0x2800  }
0xb9: {  	s12 =	sshrl.u32 s7, $0x3;
	s0 =	sadd.s32 $0x1, s0;
	[sflag:s23] =	ssyncset.done $0x0  }
0xba: {  	p0 =	sne.s32 s0, s17;
	s3 =	sshll.u32 s11, $0x6;
	[sflag:s23] =	ssyncadd.s32 $0xFFFFD800  }
.Ltmp2:
0xbb: {  	s3 =	sor.u32 $0x1C03, s3;
	[bflag:$0x0] =	sbarrier.arrive $0xFFFF;
	(pc) =	sbr.rel @p0 .LBB2_1-.Ltmp2, $4  }
0xbc: {  	[hbm:s18], [sflag:s3] =	dma.local [spmem:s12], $0x2780  }
0xbd: {  	_ =	swait.ge [sflag:s23], $0x2780  }
0xbe: {  	[sflag:s23] =	ssyncset.done $0x0  }
0xbf: {  	[sflag:s23] =	ssyncadd.s32 $0xFFFFD880  }
0xc0: {  	_ =	sfence.sel $0x180000  }
0xc1: {  	[bflag:$0x0] =	sbarrier.arrive $0xFFFF  }
0xc2: {  	_ =	strace $0x90000047  }
0xc3: {  	s0 =	stileid.u32;
	[bflag:$0x2] =	sbarrier.arrive $0xFFFF  }
0xc4: {  	p0 =	sne.s32 s0, $0x0;
	s0 =	rddreg [dreg:$0x3]  }
0xc5: {  	s0 =	sadd.s32 @!p0 $0x100000, s0  }
0xc6: {  	[sflag:s0] =	ssyncadd.tile.s32 @!p0 $0x1;
	_ =	shalt  }
.Lfunc_end2:
_tile_overlayer_lowered:
.L_overlay_start_2:
0xc7: {  	(tag) =	ssettag $0x2  }
0xc8: {  	s0 =	rddreg [dreg:$0x0];
	s2 =	stileid.u32  }
0xc9: {  	s1 =	rddreg [dreg:$0x1];
	p0 =	sne.s32 s2, $0x0  }
0xca: {  	s3 =	rddreg [dreg:$0x2];
	[bflag:$0x3] =	sbarrier.arrive $0xFFFF;
	s2 =	simm.s32 @!p0 $0x1C03  }
0xcb: {  	[timem:s3], [sflag:s2] =	dma.local @!p0 [hbm:s0], s1  }
0xcc: {  	s0 =	simm.s32 @!p0 $0x3  }
0xcd: {  	_ =	swait.ge @!p0 [sflag:s0], s1  }
0xce: {  	s1 =	ssub.s32 @!p0 $0x0, s1;
	[sflag:s0] =	ssyncset.done @!p0 $0x0  }
0xcf: {  	[sflag:s0] =	ssyncadd.s32 @!p0 s1  }
0xd0: {  	[bflag:$0x3] =	sbarrier.arrive $0xFFFF  }
0xd1: {  	_ =	shalt  }

// kernel: kernel.14.cloned.1.call-start
scs
__scs_entry_jumppad:
0x0: {  	(pc) =	sbr.rel $0x88, $3  }
0x1: {  	(tag) =	ssettag $0x0;
	lr =	simm.s32 $0x1  }
0x2: {  	[smem:$0x3F8F] =	sst lr;
	_ =	strace $0xD0000000  }
0x3: {  	_ = 	snop  }
0x4: {  	_ = 	snop  }
0x5: {  	_ = 	snop  }
0x6: {  	_ = 	snop  }
0x7: {  	_ = 	snop  }
__scs_overlays_trampoline_lowered:
0x8: {  	[smem:$0x3F9E] =	sst s0  }
0x9: {  	[smem:$0x3F9F] =	sst s1  }
0xa: {  	[smem:$0x3FA0] =	sst s2  }
0xb: {  	[smem:$0x3FA1] =	sst s3  }
0xc: {  	[smem:$0x3FA2] =	sst s4  }
0xd: {  	[smem:$0x3FA3] =	sst s5  }
0xe: {  	[smem:$0x3FA4] =	sst s6  }
0xf: {  	[smem:$0x3FA5] =	sst s7  }
0x10: {  	[smem:$0x3FA6] =	sst s8  }
0x11: {  	[smem:$0x3FA7] =	sst s9;
	s0 =	simm.s32 @!p0 $0x0  }
0x12: {  	s1 =	sld [smem:$0x3F8D];
	s0 =	simm.s32 @p0 $0x1  }
0x13: {  	[smem:$0x3FA8] =	sst s0;
	s0 =	simm.s32 @!p1 $0x0  }
0x14: {  	s2 =	sld [smem:$0x3F8C];
	s0 =	simm.s32 @p1 $0x1  }
0x15: {  	[smem:$0x3FA9] =	sst s0;
	s0 =	simm.s32 @!p2 $0x0  }
0x16: {  	s3 =	sld [smem:$0x3FDB];
	s0 =	simm.s32 @p2 $0x1  }
0x17: {  	s4 =	simm.s32 $0x1BF5;
	[smem:$0x3FAB] =	sst s0  }
0x18: {  	s0 =	sld [smem:$0x3F8E];
	_ =	swait.ge [sflag:s4], $0x0  }
0x19: {  	s7 =	sld [smem:$0x3F8F]  }
0x1a: {  	s8 =	sadd.s32 $0xFFFFE003, lr  }
0x1b: {  	s9 =	sadd.s32 $0xFFFFFEF7, lr;
	s5 =	simm.s32 $0xFFFFFFFF;
	p2 =	slt.u32 s8, $0xFFFFF086  }
0x1c: {  	p1 =	slt.u32 s9, $0xF7A;
	s5 =	simm.s32 @!p2 $0x0  }
0x1d: {  	s5 =	simm.s32 @p1 $0x1;
	p0 =	seq.s32 s7, s2  }
0x1e: {  	s7 =	smul.u32 @!p0 $0xF7A, s2;
	p2 =	seq.s32 @!p0 s5, $0x0  }
0x1f: {  	s9 =	smul.u32 $0xF7A, s1;
	s8 =	simm.s32 @!p0 $0x1BF5;
	p2 =	por !p2, p0  }
0x20: {  	[sflag:s8] =	ssyncset.s32 @!p0 $0xFFFFF086;
	s6 =	sadd.s32 @!p0 s3, s7;
	s7 =	simm.s32 @!p0 $0x108  }
0x21: {  	s3 =	sadd.s32 s3, s9;
	s6 =	sadd.s32 @!p0 $0x88, s6;
	s7 =	simm.s32 @p2 $0x1082  }
0x22: {  	[simem:s7], [sflag:s8] =	dma.local @!p0 [hbm:s6], $0xF7A  }
0x23: {  	s9 =	sor.u32 $0xD0000000, s2;
	s6 =	simm.s32 $0x108;
	_ =	swait.ge @!p0 [sflag:s8], $0x0  }
0x24: {  	s3 =	sadd.s32 $0x88, s3;
	s6 =	simm.s32 @!p1 $0x1082;
	[sflag:s4] =	ssyncset.s32 $0xFFFFF086  }
0x25: {  	[simem:s6], [sflag:s4] =	dma.local [hbm:s3], $0xF7A  }
0x26: {  	[smem:$0x3F8F] =	sst s1;
	(tag) =	ssettag s2;
	_ =	strace s9  }
0x27: {  	s1 =	sld [smem:$0x3F9F]  }
0x28: {  	s2 =	sld [smem:$0x3FA0]  }
0x29: {  	s4 =	sld [smem:$0x3FA2]  }
0x2a: {  	p0 =	seq.s32 s5, $0x0;
	s5 =	sld [smem:$0x3FA3]  }
0x2b: {  	s6 =	sld [smem:$0x3FA4]  }
0x2c: {  	s7 =	sld [smem:$0x3FA5]  }
0x2d: {  	s3 =	simm.s32 $0x108;
	s8 =	sld [smem:$0x3FA6]  }
0x2e: {  	s3 =	simm.s32 @!p0 $0x1082;
	s9 =	sld [smem:$0x3FA7]  }
0x2f: {  	lr =	sadd.s32 s0, s3;
	s0 =	sld [smem:$0x3F9E]  }
0x30: {  	s3 =	sld [smem:$0x3FA1]  }
0x31: {  	[smem:$0x3FAA] =	sst s10  }
0x32: {  	s10 =	sld [smem:$0x3FA8];
	_ =	sdelay $0x3  }
0x33: {  	p0 =	seq.s32 s10, $0x1;
	s10 =	sld [smem:$0x3FAA];
	_ =	sdelay $0x3  }
0x34: {  	[smem:$0x3FAA] =	sst s10  }
0x35: {  	s10 =	sld [smem:$0x3FA9];
	_ =	sdelay $0x3  }
0x36: {  	p1 =	seq.s32 s10, $0x1;
	s10 =	sld [smem:$0x3FAA];
	_ =	sdelay $0x3  }
0x37: {  	[smem:$0x3FAA] =	sst s10  }
0x38: {  	s10 =	sld [smem:$0x3FAB]  }
0x39: {  	_ = 	snop;
	(pc) =	sbr.ind lr, $3  }
0x3a: {  	_ = 	snop  }
0x3b: {  	_ = 	snop  }
0x3c: {  	p2 =	seq.s32 s10, $0x1;
	s10 =	sld [smem:$0x3FAA]  }
0x3d: {  	_ =	shalt  }
0x3e: {  	_ =	shalt  }
0x3f: {  	_ =	shalt  }
0x40: {  	_ =	shalt  }
0x41: {  	_ =	shalt  }
0x42: {  	_ =	shalt  }
0x43: {  	_ =	shalt  }
0x44: {  	_ =	shalt  }
0x45: {  	_ =	shalt  }
0x46: {  	_ =	shalt  }
0x47: {  	_ =	shalt  }
0x48: {  	_ =	shalt  }
0x49: {  	_ =	shalt  }
0x4a: {  	_ =	shalt  }
0x4b: {  	_ =	shalt  }
0x4c: {  	_ =	shalt  }
0x4d: {  	_ =	shalt  }
0x4e: {  	_ =	shalt  }
0x4f: {  	_ =	shalt  }
0x50: {  	_ =	shalt  }
0x51: {  	_ =	shalt  }
0x52: {  	_ =	shalt  }
0x53: {  	_ =	shalt  }
0x54: {  	_ =	shalt  }
0x55: {  	_ =	shalt  }
0x56: {  	_ =	shalt  }
0x57: {  	_ =	shalt  }
0x58: {  	_ =	shalt  }
0x59: {  	_ =	shalt  }
0x5a: {  	_ =	shalt  }
0x5b: {  	_ =	shalt  }
0x5c: {  	_ =	shalt  }
0x5d: {  	_ =	shalt  }
0x5e: {  	_ =	shalt  }
0x5f: {  	_ =	shalt  }
0x60: {  	_ =	shalt  }
0x61: {  	_ =	shalt  }
0x62: {  	_ =	shalt  }
0x63: {  	_ =	shalt  }
0x64: {  	_ =	shalt  }
0x65: {  	_ =	shalt  }
0x66: {  	_ =	shalt  }
0x67: {  	_ =	shalt  }
0x68: {  	_ =	shalt  }
0x69: {  	_ =	shalt  }
0x6a: {  	_ =	shalt  }
0x6b: {  	_ =	shalt  }
0x6c: {  	_ =	shalt  }
0x6d: {  	_ =	shalt  }
0x6e: {  	_ =	shalt  }
0x6f: {  	_ =	shalt  }
0x70: {  	_ =	shalt  }
0x71: {  	_ =	shalt  }
0x72: {  	_ =	shalt  }
0x73: {  	_ =	shalt  }
0x74: {  	_ =	shalt  }
0x75: {  	_ =	shalt  }
0x76: {  	_ =	shalt  }
0x77: {  	_ =	shalt  }
0x78: {  	_ =	shalt  }
0x79: {  	_ =	shalt  }
0x7a: {  	_ =	shalt  }
0x7b: {  	_ =	shalt  }
0x7c: {  	_ =	shalt  }
0x7d: {  	_ =	shalt  }
0x7e: {  	_ =	shalt  }
0x7f: {  	_ =	shalt  }
0x80: {  	_ =	shalt  }
0x81: {  	_ =	shalt  }
0x82: {  	_ =	shalt  }
0x83: {  	_ =	shalt  }
0x84: {  	_ =	shalt  }
0x85: {  	_ =	shalt  }
0x86: {  	_ =	shalt  }
0x87: {  	_ =	shalt  }
.Lfunc_end0:
.L_simem_size_0:
called_computation.2_lowered:
.L_overlay_start_0:
0x88: {  	s2 =	sld [smem:$0x3FD9]  }
0x89: {  	s3 =	sld [smem:$0x3FFE];
	_ =	sdelay $0x1  }
0x8a: {  	s1 =	srdreg.scid  }
0x8b: {  	s0 =	sand.u32 $0x1, s1  }
0x8c: {  	s17 =	sshll.u32 s0, $0xA;
	s2 =	sadd.s32 s3, s2  }
0x8d: {  	s2 =	sadd.s32 s2, s17  }
0x8e: {  	[smem:$0x3FB6] =	sst s2  }
0x8f: {  	_ = 	snop  }
0x90: {  	s2 =	sld [smem:$0x3FD0];
	(tm) =	ssettm $0x1  }
0x91: {  	s18 =	sld [smem:$0x3FFB];
	_ =	sdelay $0x3  }
0x92: {  	_ =	strace s18  }
0x93: {  	s3 =	sld [smem:$0x3FFC];
	_ =	sdelay $0x3  }
0x94: {  	_ =	strace s3  }
0x95: {  	s3 =	sld [smem:$0x3FFD];
	_ =	sdelay $0x3  }
0x96: {  	_ =	strace s3  }
0x97: {  	_ =	strace $0x8FFFFFFF  }
0x98: {  	s19 =	sld [smem:$0x3FDB];
	_ =	sdelay $0x1  }
0x99: {  	s4 =	simm.s32 $_scs_section_size  }
0x9a: {  	s5 =	simm.s32 $_size__tile_overlayer_lowered;
	s6 =	simm.s32 $_tile_overlayer_lowered  }
0x9b: {  	s22 =	simm.s32 $0x1BFF;
	s21 =	sshll.u32 s6, $0x1;
	s3 =	sadd.s32 s4, s19  }
0x9c: {  	s7 =	simm.s32 $0x0;
	s20 =	sshll.u32 s5, $0x1;
	s5 =	sadd.s32 s21, s3  }
0x9d: {  	[timem:s7], [sflag:s22] =	dma.local [hbm:s5], s20  }
0x9e: {  	_ =	swait.ge [sflag:s22], s20  }
0x9f: {  	s4 =	ssub.s32 $0x0, s20;
	[sflag:s22] =	ssyncset.done $0x0  }
0xa0: {  	[sflag:s22] =	ssyncadd.s32 s4;
	_ =	sdelay $0x1  }
0xa1: {  	s23 =	simm.s32 $0x1B8B  }
0xa2: {  	_ =	swait.ge [sflag:s23], $0x1  }
0xa3: {  	[sflag:s23] =	ssyncset.done $0x0  }
0xa4: {  	s25 =	simm.s32 $0x1B8E;
	s24 =	sld [smem:$0x3FFE];
	[sflag:s23] =	ssyncadd.s32 $0xFFFFFFFF  }
0xa5: {  	s26 =	simm.s32 $execute0_lowered;
	[smem:$0x3FD2] =	sst s25  }
0xa6: {  	s5 =	sshll.u32 s26, $0x1;
	_ =	strace $0x8000004C;
	[dreg:$0x1] =	wrdreg $0xFFFFFFFF  }
0xa7: {  	s28 =	simm.s32 $_size_execute0_lowered;
	s3 =	sadd.s32 s3, s5;
	[dreg:$0x0] =	wrdreg $0x0  }
0xa8: {  	s5 =	sshll.u32 s28, $0x1;
	[dreg:$0x2] =	wrdreg s3  }
0xa9: {  	[dreg:$0x3] =	wrdreg s5  }
0xaa: {  	[dreg:$0x4] =	wrdreg $0xC0  }
0xab: {  	_ =	task [dreg:s7], $0x5FFFF  }
0xac: {  	[dreg:$0x1] =	wrdreg $0xFFFFFFFF  }
0xad: {  	[dreg:$0x0] =	wrdreg $0x60  }
0xae: {  	[dreg:$0x2] =	wrdreg s2  }
0xaf: {  	[dreg:$0x3] =	wrdreg s24  }
0xb0: {  	[dreg:$0x4] =	wrdreg $0x52000  }
0xb1: {  	[dreg:$0x5] =	wrdreg $0x9  }
0xb2: {  	_ =	task.clear_ibuf [dreg:s7], $0x6FFFF;
	_ =	strace $0x9000004C  }
0xb3: {  	s29 =	simm.s32 $0x9;
	_ =	strace $0x8000004E  }
0xb4: {  	_ =	swait.ge [sflag:s29], $0x1  }
0xb5: {  	[sflag:s29] =	ssyncadd.s32 $0xFFFFFFFF  }
0xb6: {  	_ =	strace $0x9000004E  }
0xb7: {  	_ =	sfence  }
0xb8: {  	s30 =	sld [smem:$0x0];
	_ =	sdelay $0x2  }
0xb9: {  	s31 =	sshll.u32 s1, $0xD;
	s1 =	sshrl.u32 s1, $0x2  }
0xba: {  	s3 =	sand.u32 $0x4000, s31;
	s1 =	sadd.s32 s1, s30  }
0xbb: {  	s0 =	sor.u32 s3, s0;
	s1 =	sshll.u32 s1, $0x11  }
0xbc: {  	s0 =	sor.u32 s1, s0  }
0xbd: {  	s0 =	sadd.s32 $0x8F2B, s0  }
0xbe: {  	[sflag:s0] =	ssyncadd.remote.s32 $0x1  }
0xbf: {  	_ =	sfence.sel $0xFFFF  }
0xc0: {  	[dreg:$0x0] =	wrdreg $0xFFFFFFFF;
	(pc) =	sbr.abs _section_cstart, $3  }
0xc1: {  	[dreg:$0x1] =	wrdreg $0xFFFFFFFF  }
0xc2: {  	_ =	task.clear_ibuf [dreg:s7], $0x2FFFF;
	_ =	strace $0x9FFFFFFF  }
0xc3: {  	(tm) =	ssettm $0x7FFFFFFF  }
tec
execute0_lowered:
.L_overlay_start_1:
0x0: {  	(tag) =	ssettag $0x1  }
0x1: {  	s1 =	rddreg [dreg:$0x0]  }
0x2: {  	s0 =	rddreg [dreg:$0x1]  }
0x3: {  	s2 =	rddreg [dreg:$0x2]  }
0x4: {  	s4 =	simm.s32 $0x0;
	s3 =	srdreg.scid;
	s11 =	stileid.u32  }
0x5: {  	s28 =	simm.s32 $0x180;
	s29 =	simm.s32 $0x2A00;
	s30 =	simm.s32 $0x1  }
0x6: {  	s31 =	simm.s32 $0x2;
	[smem:$0x7FF] =	sst s4;
	s3 =	sand.u32 $0x1, s3  }
0x7: {  	s7 =	smul.u32 $0x4F000, s11;
	s5 =	sadd.s32 $0xEE00, s0;
	s6 =	sadd.s32 $0x5000, s0  }
0x8: {  	s24 =	smul.u32 $0x2780, s11;
	_ =	strace $0x8000004D;
	s8 =	ssub.s32 $0x2, s3  }
0x9: {  	s10 =	sshll.u32 s3, $0x4;
	s23 =	smul.u32 $0x27100, s3;
	p0 =	seq.s32 s3, $0x1  }
0xa: {  	s3 =	simm.s32 $0x40400;
	s9 =	sshrl.u32 s8, $0x1;
	s7 =	sshrl.u32 s7, $0x2  }
0xb: {  	s17 =	sor.u32 s11, s10;
	s3 =	simm.s32 @!p0 $0x18C00;
	s7 =	sadd.s32 s7, s2  }
0xc: {  	s8 =	ssub.s32 s8, s9;
	s9 =	smul.u32 $0x2710, s17;
	s18 =	sadd.s32 $0x2800, s7  }
0xd: {  	s17 =	smul.u32 $0x2710, s11;
	s19 =	sadd.s32 $0x5000, s7;
	[dreg:$0x4] =	wrdreg s18  }
0xe: {  	s0 =	sadd.s32 s3, s0;
	s20 =	sadd.s32 $0x7800, s7;
	[dreg:$0x5] =	wrdreg s19  }
0xf: {  	s21 =	sadd.s32 $0xA000, s7;
	s22 =	sadd.s32 $0xC800, s7;
	[dreg:$0x6] =	wrdreg s20  }
0x10: {  	s13 =	sadd.s32 $0xF000, s7;
	s14 =	sadd.s32 $0x11800, s7;
	[dreg:$0x7] =	wrdreg s21  }
0x11: {  	[dreg:$0x8] =	wrdreg s22;
	s9 =	sshrl.u32 s9, $0x3;
	s10 =	sadd.s32 s17, s23  }
0x12: {  	s17 =	smax.u32 s8, $0x1;
	s18 =	sadd.s32 s0, s24;
	s22 =	simm.s32 $0x200  }
0x13: {  	s23 =	simm.s32 $0x3;
	s24 =	simm.s32 $0x80;
	s0 =	simm.s32 $0x0  }
0x14: {  	s15 =	sadd.s32 s5, s9;
	s16 =	sadd.s32 s6, s9;
	s25 =	sadd.s32 $0x50, s10  }
0x15: {  	s19 =	sadd.s32 $0xA0, s10;
	s26 =	sshrl.u32 s25, $0x3;
	s25 =	simm.s32 $0x50  }
0x16: {  	v0 =	vimm.f32 $0.0e+00;
	s20 =	sadd.s32 s26, s6;
	s21 =	sadd.s32 s26, s5;
	s26 =	simm.s32 $0x100  }
.LBB2_1:
0x17: {  	s3 =	simm.s32 $0x0;
	s8 =	simm.s32 $0x200  }
.LBB2_2:
0x18: {  	p0 =	sne.s32 s8, $0x9E00;
	[tilespmem:s3+$0x270] =	vst v0  }
0x19: {  	[tilespmem:s3+$0x200] =	vst v0  }
0x1a: {  	[tilespmem:s3+$0x210] =	vst v0  }
.Ltmp0:
0x1b: {  	[tilespmem:s3+$0x220] =	vst v0;
	(pc) =	sbr.rel @p0 .LBB2_2-.Ltmp0, $4  }
0x1c: {  	[tilespmem:s3+$0x230] =	vst v0  }
0x1d: {  	[tilespmem:s3+$0x240] =	vst v0  }
0x1e: {  	[tilespmem:s3+$0x250] =	vst v0  }
0x1f: {  	[tilespmem:s3+$0x260] =	vst v0;
	s3 =	sshra.s32 s8, $0x2;
	s8 =	sadd.s32 $0x200, s8  }
0x20: {  	[tilespmem:s3+$0x270] =	vst v0  }
0x21: {  	[tilespmem:s3+$0x200] =	vst v0  }
0x22: {  	[tilespmem:s3+$0x210] =	vst v0  }
0x23: {  	[tilespmem:s3+$0x220] =	vst v0  }
0x24: {  	[tilespmem:s3+$0x230] =	vst v0  }
0x25: {  	[tilespmem:s3+$0x240] =	vst v0  }
0x26: {  	[tilespmem:s3+$0x250] =	vst v0  }
0x27: {  	[tilespmem:s3+$0x260] =	vst v0  }
0x28: {  	[spmem:s7] =	stream.linear.scatter [tilespmem:s22], [sflag:$0x3], $0x2800, $0x38;
	[tilespmem:$0x18E00] =	vst v63  }
0x29: {  	_ =	swait.ge [sflag:s23], $0x2800  }
0x2a: {  	[sflag:s23] =	ssyncset.done $0x0  }
0x2b: {  	s9 =	rddreg [dreg:$0x4];
	[sflag:s23] =	ssyncadd.s32 $0xFFFFD800  }
0x2c: {  	[spmem:s9] =	stream.linear.scatter [tilespmem:s22], [sflag:$0x3], $0x2800, $0x38;
	[tilespmem:$0x18E00] =	vst v63  }
0x2d: {  	_ =	swait.ge [sflag:s23], $0x2800  }
0x2e: {  	[sflag:s23] =	ssyncset.done $0x0  }
0x2f: {  	s10 =	rddreg [dreg:$0x5];
	[sflag:s23] =	ssyncadd.s32 $0xFFFFD800  }
0x30: {  	[spmem:s10] =	stream.linear.scatter [tilespmem:s22], [sflag:$0x3], $0x2800, $0x38;
	[tilespmem:$0x18E00] =	vst v63  }
0x31: {  	_ =	swait.ge [sflag:s23], $0x2800  }
0x32: {  	[sflag:s23] =	ssyncset.done $0x0  }
0x33: {  	s11 =	rddreg [dreg:$0x6];
	[sflag:s23] =	ssyncadd.s32 $0xFFFFD800  }
0x34: {  	[spmem:s11] =	stream.linear.scatter [tilespmem:s22], [sflag:$0x3], $0x2800, $0x38;
	[tilespmem:$0x18E00] =	vst v63  }
0x35: {  	_ =	swait.ge [sflag:s23], $0x2800  }
0x36: {  	[sflag:s23] =	ssyncset.done $0x0  }
0x37: {  	s12 =	rddreg [dreg:$0x7];
	[sflag:s23] =	ssyncadd.s32 $0xFFFFD800  }
0x38: {  	[spmem:s12] =	stream.linear.scatter [tilespmem:s22], [sflag:$0x3], $0x2800, $0x38;
	[tilespmem:$0x18E00] =	vst v63  }
0x39: {  	_ =	swait.ge [sflag:s23], $0x2800  }
0x3a: {  	[sflag:s23] =	ssyncset.done $0x0  }
0x3b: {  	s8 =	rddreg [dreg:$0x8];
	[sflag:s23] =	ssyncadd.s32 $0xFFFFD800  }
0x3c: {  	[spmem:s8] =	stream.linear.scatter [tilespmem:s22], [sflag:$0x3], $0x2800, $0x38;
	[tilespmem:$0x18E00] =	vst v63  }
0x3d: {  	_ =	swait.ge [sflag:s23], $0x2800  }
0x3e: {  	[sflag:s23] =	ssyncset.done $0x0  }
0x3f: {  	[sflag:s23] =	ssyncadd.s32 $0xFFFFD800  }
0x40: {  	[spmem:s13] =	stream.linear.scatter [tilespmem:s22], [sflag:$0x3], $0x2800, $0x38;
	[tilespmem:$0x18E00] =	vst v63  }
0x41: {  	_ =	swait.ge [sflag:s23], $0x2800  }
0x42: {  	[sflag:s23] =	ssyncset.done $0x0  }
0x43: {  	[sflag:s23] =	ssyncadd.s32 $0xFFFFD800  }
0x44: {  	[spmem:s14] =	stream.linear.scatter [tilespmem:s22], [sflag:$0x3], $0x2400, $0x38;
	[tilespmem:$0x18E00] =	vst v63  }
0x45: {  	_ =	swait.ge [sflag:s23], $0x2400  }
0x46: {  	[sflag:s23] =	ssyncset.done $0x0  }
0x47: {  	[sflag:s23] =	ssyncadd.s32 $0xFFFFDC00  }
0x48: {  	s9 =	simm.s32 $0x0;
	[bflag:$0x0] =	sbarrier.arrive $0xFFFF  }
0x49: {  	[tilespmem:s9], [sflag:$0x3] =	stream.linear.gather [hbm4b:s15+s9], $0x50, $0x38;
	[tilespmem:$0x18E00] =	vst v63  }
0x4a: {  	_ =	swait.ge [sflag:s23], $0x50  }
0x4b: {  	[sflag:s23] =	ssyncset.done $0x0  }
0x4c: {  	[sflag:s23] =	ssyncadd.s32 $0xFFFFFFB0  }
0x4d: {  	[tilespmem:s24], [sflag:$0x3] =	stream.linear.gather [hbm4b:s16+s9], $0x50, $0x38;
	[tilespmem:$0x18E00] =	vst v63  }
0x4e: {  	_ =	swait.ge [sflag:s23], $0x50  }
0x4f: {  	[sflag:s23] =	ssyncset.done $0x0  }
0x50: {  	[sflag:s23] =	ssyncadd.s32 $0xFFFFFFB0  }
0x51: {  	[tilespmem:s22], [sflag:$0x1] =	stream.indirect.gather [hbm4b:s1+s25], $0x80, s9, s25, $0xb8;
	[tilespmem:$0x18E00] =	vst v63  }
0x52: {  	s10 =	sadd.s32 $0x0, s21  }
0x53: {  	[tilespmem:s26], [sflag:$0x3] =	stream.linear.gather [hbm4b:s10+s4], $0x50, $0x38;
	[tilespmem:$0x18E00] =	vst v63  }
0x54: {  	_ =	swait.ge [sflag:s23], $0x50  }
0x55: {  	[sflag:s23] =	ssyncset.done $0x0  }
0x56: {  	s11 =	sadd.s32 $0x0, s20;
	[sflag:s23] =	ssyncadd.s32 $0xFFFFFFB0  }
0x57: {  	[tilespmem:s28], [sflag:$0x3] =	stream.linear.gather [hbm4b:s11+s4], $0x50, $0x38;
	[tilespmem:$0x18E00] =	vst v63  }
0x58: {  	_ =	swait.ge [sflag:s23], $0x50  }
0x59: {  	[sflag:s23] =	ssyncset.done $0x0  }
0x5a: {  	[sflag:s23] =	ssyncadd.s32 $0xFFFFFFB0  }
0x5b: {  	[tilespmem:s29], [sflag:$0x2] =	stream.indirect.gather [hbm4b:s1+s25], $0x80, s26, s25, $0xb8;
	[tilespmem:$0x18E00] =	vst v63  }
0x5c: {  	_ =	swait.ge [sflag:s30], $0x2800  }
0x5d: {  	[sflag:s30] =	ssyncset.done $0x0  }
0x5e: {  	[sflag:s30] =	ssyncadd.s32 $0xFFFFD800  }
0x5f: {  	[spmem:s2] =	stream.indirect.scatter.add.f32 [tilespmem:s22], [sflag:$0x3], $0x80, s24, s25, $0xb8;
	[tilespmem:$0x18E00] =	vst v63  }
0x60: {  	_ =	swait.ge [sflag:s23], $0x2800  }
0x61: {  	s12 =	sshrl.u32 s19, $0x3;
	[sflag:s23] =	ssyncset.done $0x0  }
0x62: {  	s8 =	sadd.s32 s5, s12;
	[sflag:s23] =	ssyncadd.s32 $0xFFFFD800  }
0x63: {  	[tilespmem:s4], [sflag:$0x3] =	stream.linear.gather [hbm4b:s8+s4], $0x50, $0x38;
	[tilespmem:$0x18E00] =	vst v63  }
0x64: {  	_ =	swait.ge [sflag:s23], $0x50  }
0x65: {  	[sflag:s23] =	ssyncset.done $0x0  }
0x66: {  	s3 =	sadd.s32 s6, s12;
	[sflag:s23] =	ssyncadd.s32 $0xFFFFFFB0  }
0x67: {  	[tilespmem:s24], [sflag:$0x3] =	stream.linear.gather [hbm4b:s3+s4], $0x50, $0x38;
	[tilespmem:$0x18E00] =	vst v63  }
0x68: {  	_ =	swait.ge [sflag:s23], $0x50  }
0x69: {  	[sflag:s23] =	ssyncset.done $0x0  }
0x6a: {  	[sflag:s23] =	ssyncadd.s32 $0xFFFFFFB0  }
0x6b: {  	[tilespmem:s22], [sflag:$0x1] =	stream.indirect.gather [hbm4b:s1+s25], $0x80, s4, s25, $0xb8;
	[tilespmem:$0x18E00] =	vst v63  }
0x6c: {  	_ =	swait.ge [sflag:s31], $0x2800  }
0x6d: {  	[sflag:s31] =	ssyncset.done $0x0  }
0x6e: {  	[sflag:s31] =	ssyncadd.s32 $0xFFFFD800  }
0x6f: {  	[spmem:s2] =	stream.indirect.scatter.add.f32 [tilespmem:s29], [sflag:$0x3], $0x80, s28, s25, $0xb8;
	[tilespmem:$0x18E00] =	vst v63  }
0x70: {  	s9 =	simm.s32 $0x28;
	_ =	swait.ge [sflag:s23], $0x2800  }
0x71: {  	s8 =	simm.s32 $0x14;
	s3 =	sadd.s32 $0xA0, s19;
	[sflag:s23] =	ssyncset.done $0x0  }
.LBB2_4:
0x72: {  	s11 =	sadd.s32 s8, s21  }
0x73: {  	[sflag:s23] =	ssyncadd.s32 $0xFFFFD800;
	s12 =	smov.u32 s9;
	s10 =	sadd.s32 $0x14, s9  }
0x74: {  	[tilespmem:s26], [sflag:$0x3] =	stream.linear.gather [hbm4b:s11+s4], $0x50, $0x38;
	[tilespmem:$0x18E00] =	vst v63  }
0x75: {  	p0 =	sne.s32 s9, $0x4C4;
	_ =	swait.ge [sflag:s23], $0x50  }
0x76: {  	[sflag:s23] =	ssyncset.done $0x0  }
0x77: {  	s9 =	sadd.s32 s8, s20;
	s8 =	smov.u32 s12;
	[sflag:s23] =	ssyncadd.s32 $0xFFFFFFB0  }
0x78: {  	[tilespmem:s28], [sflag:$0x3] =	stream.linear.gather [hbm4b:s9+s4], $0x50, $0x38;
	[tilespmem:$0x18E00] =	vst v63  }
0x79: {  	_ =	swait.ge [sflag:s23], $0x50  }
0x7a: {  	[sflag:s23] =	ssyncset.done $0x0  }
0x7b: {  	[sflag:s23] =	ssyncadd.s32 $0xFFFFFFB0  }
0x7c: {  	[tilespmem:s29], [sflag:$0x2] =	stream.indirect.gather [hbm4b:s1+s25], $0x80, s26, s25, $0xb8;
	[tilespmem:$0x18E00] =	vst v63  }
0x7d: {  	_ =	swait.ge [sflag:s30], $0x2800  }
0x7e: {  	[sflag:s30] =	ssyncset.done $0x0  }
0x7f: {  	[sflag:s30] =	ssyncadd.s32 $0xFFFFD800  }
0x80: {  	[spmem:s2] =	stream.indirect.scatter.add.f32 [tilespmem:s22], [sflag:$0x3], $0x80, s24, s25, $0xb8;
	[tilespmem:$0x18E00] =	vst v63  }
0x81: {  	_ =	swait.ge [sflag:s23], $0x2800  }
0x82: {  	s9 =	sshrl.u32 s3, $0x3;
	[sflag:s23] =	ssyncset.done $0x0  }
0x83: {  	s11 =	sadd.s32 s5, s9;
	[sflag:s23] =	ssyncadd.s32 $0xFFFFD800  }
0x84: {  	[tilespmem:s4], [sflag:$0x3] =	stream.linear.gather [hbm4b:s11+s4], $0x50, $0x38;
	[tilespmem:$0x18E00] =	vst v63  }
0x85: {  	_ =	swait.ge [sflag:s23], $0x50  }
0x86: {  	[sflag:s23] =	ssyncset.done $0x0  }
0x87: {  	s9 =	sadd.s32 s6, s9;
	[sflag:s23] =	ssyncadd.s32 $0xFFFFFFB0  }
0x88: {  	[tilespmem:s24], [sflag:$0x3] =	stream.linear.gather [hbm4b:s9+s4], $0x50, $0x38;
	[tilespmem:$0x18E00] =	vst v63  }
0x89: {  	_ =	swait.ge [sflag:s23], $0x50  }
0x8a: {  	[sflag:s23] =	ssyncset.done $0x0  }
0x8b: {  	[sflag:s23] =	ssyncadd.s32 $0xFFFFFFB0  }
0x8c: {  	[tilespmem:s22], [sflag:$0x1] =	stream.indirect.gather [hbm4b:s1+s25], $0x80, s4, s25, $0xb8;
	[tilespmem:$0x18E00] =	vst v63  }
0x8d: {  	_ =	swait.ge [sflag:s31], $0x2800  }
.Ltmp1:
0x8e: {  	[sflag:s31] =	ssyncset.done $0x0;
	(pc) =	sbr.rel @p0 .LBB2_4-.Ltmp1, $4  }
0x8f: {  	[sflag:s31] =	ssyncadd.s32 $0xFFFFD800  }
0x90: {  	[spmem:s2] =	stream.indirect.scatter.add.f32 [tilespmem:s29], [sflag:$0x3], $0x80, s28, s25, $0xb8;
	[tilespmem:$0x18E00] =	vst v63  }
0x91: {  	_ =	swait.ge [sflag:s23], $0x2800  }
0x92: {  	s3 =	sadd.s32 $0xA0, s3;
	s9 =	smov.u32 s10;
	[sflag:s23] =	ssyncset.done $0x0  }
0x93: {  	s9 =	sadd.s32 s8, s21;
	[sflag:s23] =	ssyncadd.s32 $0xFFFFD800  }
0x94: {  	[tilespmem:s26], [sflag:$0x3] =	stream.linear.gather [hbm4b:s9+s4], $0x50, $0x38;
	[tilespmem:$0x18E00] =	vst v63  }
0x95: {  	_ =	swait.ge [sflag:s23], $0x50  }
0x96: {  	[sflag:s23] =	ssyncset.done $0x0  }
0x97: {  	s9 =	sadd.s32 s8, s20;
	[sflag:s23] =	ssyncadd.s32 $0xFFFFFFB0  }
0x98: {  	[tilespmem:s28], [sflag:$0x3] =	stream.linear.gather [hbm4b:s9+s4], $0x50, $0x38;
	[tilespmem:$0x18E00] =	vst v63  }
0x99: {  	_ =	swait.ge [sflag:s23], $0x50  }
0x9a: {  	[sflag:s23] =	ssyncset.done $0x0  }
0x9b: {  	[sflag:s23] =	ssyncadd.s32 $0xFFFFFFB0  }
0x9c: {  	[tilespmem:s29], [sflag:$0x2] =	stream.indirect.gather [hbm4b:s1+s25], $0x80, s26, s25, $0xb8;
	[tilespmem:$0x18E00] =	vst v63  }
0x9d: {  	_ =	swait.ge [sflag:s30], $0x2800  }
0x9e: {  	[sflag:s30] =	ssyncset.done $0x0  }
0x9f: {  	[sflag:s30] =	ssyncadd.s32 $0xFFFFD800  }
0xa0: {  	[spmem:s2] =	stream.indirect.scatter.add.f32 [tilespmem:s22], [sflag:$0x3], $0x80, s24, s25, $0xb8;
	[tilespmem:$0x18E00] =	vst v63  }
0xa1: {  	_ =	swait.ge [sflag:s23], $0x2800  }
0xa2: {  	s3 =	sshrl.u32 s3, $0x3;
	[sflag:s23] =	ssyncset.done $0x0  }
0xa3: {  	s10 =	sadd.s32 s5, s3;
	[sflag:s23] =	ssyncadd.s32 $0xFFFFD800  }
0xa4: {  	[tilespmem:s4], [sflag:$0x3] =	stream.linear.gather [hbm4b:s10+s4], $0x50, $0x38;
	[tilespmem:$0x18E00] =	vst v63  }
0xa5: {  	_ =	swait.ge [sflag:s23], $0x50  }
0xa6: {  	[sflag:s23] =	ssyncset.done $0x0  }
0xa7: {  	s3 =	sadd.s32 s6, s3;
	[sflag:s23] =	ssyncadd.s32 $0xFFFFFFB0  }
0xa8: {  	[tilespmem:s24], [sflag:$0x3] =	stream.linear.gather [hbm4b:s3+s4], $0x50, $0x38;
	[tilespmem:$0x18E00] =	vst v63  }
0xa9: {  	_ =	swait.ge [sflag:s23], $0x50  }
0xaa: {  	[sflag:s23] =	ssyncset.done $0x0  }
0xab: {  	[sflag:s23] =	ssyncadd.s32 $0xFFFFFFB0  }
0xac: {  	[tilespmem:s22], [sflag:$0x1] =	stream.indirect.gather [hbm4b:s1+s25], $0x80, s4, s25, $0xb8;
	[tilespmem:$0x18E00] =	vst v63  }
0xad: {  	_ =	swait.ge [sflag:s31], $0x2800  }
0xae: {  	[sflag:s31] =	ssyncset.done $0x0  }
0xaf: {  	[sflag:s31] =	ssyncadd.s32 $0xFFFFD800  }
0xb0: {  	[spmem:s2] =	stream.indirect.scatter.add.f32 [tilespmem:s29], [sflag:$0x3], $0x80, s28, s25, $0xb8;
	[tilespmem:$0x18E00] =	vst v63  }
0xb1: {  	_ =	swait.ge [sflag:s23], $0x2800  }
0xb2: {  	[sflag:s23] =	ssyncset.done $0x0  }
0xb3: {  	[sflag:s23] =	ssyncadd.s32 $0xFFFFD800  }
0xb4: {  	_ =	swait.ge [sflag:s30], $0x2800  }
0xb5: {  	[sflag:s30] =	ssyncset.done $0x0  }
0xb6: {  	[sflag:s30] =	ssyncadd.s32 $0xFFFFD800  }
0xb7: {  	[spmem:s2] =	stream.indirect.scatter.add.f32 [tilespmem:s22], [sflag:$0x3], $0x80, s24, s25, $0xb8;
	[tilespmem:$0x18E00] =	vst v63  }
0xb8: {  	s11 =	stileid.u32;
	_ =	swait.ge [sflag:s23], $0x2800  }
0xb9: {  	s12 =	sshrl.u32 s7, $0x3;
	s0 =	sadd.s32 $0x1, s0;
	[sflag:s23] =	ssyncset.done $0x0  }
0xba: {  	p0 =	sne.s32 s0, s17;
	s3 =	sshll.u32 s11, $0x6;
	[sflag:s23] =	ssyncadd.s32 $0xFFFFD800  }
.Ltmp2:
0xbb: {  	s3 =	sor.u32 $0x1C03, s3;
	[bflag:$0x0] =	sbarrier.arrive $0xFFFF;
	(pc) =	sbr.rel @p0 .LBB2_1-.Ltmp2, $4  }
0xbc: {  	[hbm:s18], [sflag:s3] =	dma.local [spmem:s12], $0x2780  }
0xbd: {  	_ =	swait.ge [sflag:s23], $0x2780  }
0xbe: {  	[sflag:s23] =	ssyncset.done $0x0  }
0xbf: {  	[sflag:s23] =	ssyncadd.s32 $0xFFFFD880  }
0xc0: {  	_ =	sfence.sel $0x180000  }
0xc1: {  	[bflag:$0x0] =	sbarrier.arrive $0xFFFF  }
0xc2: {  	_ =	strace $0x9000004D  }
0xc3: {  	s0 =	stileid.u32;
	[bflag:$0x2] =	sbarrier.arrive $0xFFFF  }
0xc4: {  	p0 =	sne.s32 s0, $0x0;
	s0 =	rddreg [dreg:$0x3]  }
0xc5: {  	s0 =	sadd.s32 @!p0 $0x100000, s0  }
0xc6: {  	[sflag:s0] =	ssyncadd.tile.s32 @!p0 $0x1;
	_ =	shalt  }
.Lfunc_end2:
_tile_overlayer_lowered:
.L_overlay_start_2:
0xc7: {  	(tag) =	ssettag $0x2  }
0xc8: {  	s0 =	rddreg [dreg:$0x0];
	s2 =	stileid.u32  }
0xc9: {  	s1 =	rddreg [dreg:$0x1];
	p0 =	sne.s32 s2, $0x0  }
0xca: {  	s3 =	rddreg [dreg:$0x2];
	[bflag:$0x3] =	sbarrier.arrive $0xFFFF;
	s2 =	simm.s32 @!p0 $0x1C03  }
0xcb: {  	[timem:s3], [sflag:s2] =	dma.local @!p0 [hbm:s0], s1  }
0xcc: {  	s0 =	simm.s32 @!p0 $0x3  }
0xcd: {  	_ =	swait.ge @!p0 [sflag:s0], s1  }
0xce: {  	s1 =	ssub.s32 @!p0 $0x0, s1;
	[sflag:s0] =	ssyncset.done @!p0 $0x0  }
0xcf: {  	[sflag:s0] =	ssyncadd.s32 @!p0 s1  }
0xd0: {  	[bflag:$0x3] =	sbarrier.arrive $0xFFFF  }
0xd1: {  	_ =	shalt  }

// kernel: kernel.8.cloned.1.call-start
scs
__scs_entry_jumppad:
0x0: {  	(pc) =	sbr.rel $0x88, $3  }
0x1: {  	(tag) =	ssettag $0x0;
	lr =	simm.s32 $0x1  }
0x2: {  	[smem:$0x3F8F] =	sst lr;
	_ =	strace $0xD0000000  }
0x3: {  	_ = 	snop  }
0x4: {  	_ = 	snop  }
0x5: {  	_ = 	snop  }
0x6: {  	_ = 	snop  }
0x7: {  	_ = 	snop  }
__scs_overlays_trampoline_lowered:
0x8: {  	[smem:$0x3F9E] =	sst s0  }
0x9: {  	[smem:$0x3F9F] =	sst s1  }
0xa: {  	[smem:$0x3FA0] =	sst s2  }
0xb: {  	[smem:$0x3FA1] =	sst s3  }
0xc: {  	[smem:$0x3FA2] =	sst s4  }
0xd: {  	[smem:$0x3FA3] =	sst s5  }
0xe: {  	[smem:$0x3FA4] =	sst s6  }
0xf: {  	[smem:$0x3FA5] =	sst s7  }
0x10: {  	[smem:$0x3FA6] =	sst s8  }
0x11: {  	[smem:$0x3FA7] =	sst s9;
	s0 =	simm.s32 @!p0 $0x0  }
0x12: {  	s1 =	sld [smem:$0x3F8D];
	s0 =	simm.s32 @p0 $0x1  }
0x13: {  	[smem:$0x3FA8] =	sst s0;
	s0 =	simm.s32 @!p1 $0x0  }
0x14: {  	s2 =	sld [smem:$0x3F8C];
	s0 =	simm.s32 @p1 $0x1  }
0x15: {  	[smem:$0x3FA9] =	sst s0;
	s0 =	simm.s32 @!p2 $0x0  }
0x16: {  	s3 =	sld [smem:$0x3FDB];
	s0 =	simm.s32 @p2 $0x1  }
0x17: {  	s4 =	simm.s32 $0x1BF5;
	[smem:$0x3FAB] =	sst s0  }
0x18: {  	s0 =	sld [smem:$0x3F8E];
	_ =	swait.ge [sflag:s4], $0x0  }
0x19: {  	s7 =	sld [smem:$0x3F8F]  }
0x1a: {  	s8 =	sadd.s32 $0xFFFFE003, lr  }
0x1b: {  	s9 =	sadd.s32 $0xFFFFFEF7, lr;
	s5 =	simm.s32 $0xFFFFFFFF;
	p2 =	slt.u32 s8, $0xFFFFF086  }
0x1c: {  	p1 =	slt.u32 s9, $0xF7A;
	s5 =	simm.s32 @!p2 $0x0  }
0x1d: {  	s5 =	simm.s32 @p1 $0x1;
	p0 =	seq.s32 s7, s2  }
0x1e: {  	s7 =	smul.u32 @!p0 $0xF7A, s2;
	p2 =	seq.s32 @!p0 s5, $0x0  }
0x1f: {  	s9 =	smul.u32 $0xF7A, s1;
	s8 =	simm.s32 @!p0 $0x1BF5;
	p2 =	por !p2, p0  }
0x20: {  	[sflag:s8] =	ssyncset.s32 @!p0 $0xFFFFF086;
	s6 =	sadd.s32 @!p0 s3, s7;
	s7 =	simm.s32 @!p0 $0x108  }
0x21: {  	s3 =	sadd.s32 s3, s9;
	s6 =	sadd.s32 @!p0 $0x88, s6;
	s7 =	simm.s32 @p2 $0x1082  }
0x22: {  	[simem:s7], [sflag:s8] =	dma.local @!p0 [hbm:s6], $0xF7A  }
0x23: {  	s9 =	sor.u32 $0xD0000000, s2;
	s6 =	simm.s32 $0x108;
	_ =	swait.ge @!p0 [sflag:s8], $0x0  }
0x24: {  	s3 =	sadd.s32 $0x88, s3;
	s6 =	simm.s32 @!p1 $0x1082;
	[sflag:s4] =	ssyncset.s32 $0xFFFFF086  }
0x25: {  	[simem:s6], [sflag:s4] =	dma.local [hbm:s3], $0xF7A  }
0x26: {  	[smem:$0x3F8F] =	sst s1;
	(tag) =	ssettag s2;
	_ =	strace s9  }
0x27: {  	s1 =	sld [smem:$0x3F9F]  }
0x28: {  	s2 =	sld [smem:$0x3FA0]  }
0x29: {  	s4 =	sld [smem:$0x3FA2]  }
0x2a: {  	p0 =	seq.s32 s5, $0x0;
	s5 =	sld [smem:$0x3FA3]  }
0x2b: {  	s6 =	sld [smem:$0x3FA4]  }
0x2c: {  	s7 =	sld [smem:$0x3FA5]  }
0x2d: {  	s3 =	simm.s32 $0x108;
	s8 =	sld [smem:$0x3FA6]  }
0x2e: {  	s3 =	simm.s32 @!p0 $0x1082;
	s9 =	sld [smem:$0x3FA7]  }
0x2f: {  	lr =	sadd.s32 s0, s3;
	s0 =	sld [smem:$0x3F9E]  }
0x30: {  	s3 =	sld [smem:$0x3FA1]  }
0x31: {  	[smem:$0x3FAA] =	sst s10  }
0x32: {  	s10 =	sld [smem:$0x3FA8];
	_ =	sdelay $0x3  }
0x33: {  	p0 =	seq.s32 s10, $0x1;
	s10 =	sld [smem:$0x3FAA];
	_ =	sdelay $0x3  }
0x34: {  	[smem:$0x3FAA] =	sst s10  }
0x35: {  	s10 =	sld [smem:$0x3FA9];
	_ =	sdelay $0x3  }
0x36: {  	p1 =	seq.s32 s10, $0x1;
	s10 =	sld [smem:$0x3FAA];
	_ =	sdelay $0x3  }
0x37: {  	[smem:$0x3FAA] =	sst s10  }
0x38: {  	s10 =	sld [smem:$0x3FAB]  }
0x39: {  	_ = 	snop;
	(pc) =	sbr.ind lr, $3  }
0x3a: {  	_ = 	snop  }
0x3b: {  	_ = 	snop  }
0x3c: {  	p2 =	seq.s32 s10, $0x1;
	s10 =	sld [smem:$0x3FAA]  }
0x3d: {  	_ =	shalt  }
0x3e: {  	_ =	shalt  }
0x3f: {  	_ =	shalt  }
0x40: {  	_ =	shalt  }
0x41: {  	_ =	shalt  }
0x42: {  	_ =	shalt  }
0x43: {  	_ =	shalt  }
0x44: {  	_ =	shalt  }
0x45: {  	_ =	shalt  }
0x46: {  	_ =	shalt  }
0x47: {  	_ =	shalt  }
0x48: {  	_ =	shalt  }
0x49: {  	_ =	shalt  }
0x4a: {  	_ =	shalt  }
0x4b: {  	_ =	shalt  }
0x4c: {  	_ =	shalt  }
0x4d: {  	_ =	shalt  }
0x4e: {  	_ =	shalt  }
0x4f: {  	_ =	shalt  }
0x50: {  	_ =	shalt  }
0x51: {  	_ =	shalt  }
0x52: {  	_ =	shalt  }
0x53: {  	_ =	shalt  }
0x54: {  	_ =	shalt  }
0x55: {  	_ =	shalt  }
0x56: {  	_ =	shalt  }
0x57: {  	_ =	shalt  }
0x58: {  	_ =	shalt  }
0x59: {  	_ =	shalt  }
0x5a: {  	_ =	shalt  }
0x5b: {  	_ =	shalt  }
0x5c: {  	_ =	shalt  }
0x5d: {  	_ =	shalt  }
0x5e: {  	_ =	shalt  }
0x5f: {  	_ =	shalt  }
0x60: {  	_ =	shalt  }
0x61: {  	_ =	shalt  }
0x62: {  	_ =	shalt  }
0x63: {  	_ =	shalt  }
0x64: {  	_ =	shalt  }
0x65: {  	_ =	shalt  }
0x66: {  	_ =	shalt  }
0x67: {  	_ =	shalt  }
0x68: {  	_ =	shalt  }
0x69: {  	_ =	shalt  }
0x6a: {  	_ =	shalt  }
0x6b: {  	_ =	shalt  }
0x6c: {  	_ =	shalt  }
0x6d: {  	_ =	shalt  }
0x6e: {  	_ =	shalt  }
0x6f: {  	_ =	shalt  }
0x70: {  	_ =	shalt  }
0x71: {  	_ =	shalt  }
0x72: {  	_ =	shalt  }
0x73: {  	_ =	shalt  }
0x74: {  	_ =	shalt  }
0x75: {  	_ =	shalt  }
0x76: {  	_ =	shalt  }
0x77: {  	_ =	shalt  }
0x78: {  	_ =	shalt  }
0x79: {  	_ =	shalt  }
0x7a: {  	_ =	shalt  }
0x7b: {  	_ =	shalt  }
0x7c: {  	_ =	shalt  }
0x7d: {  	_ =	shalt  }
0x7e: {  	_ =	shalt  }
0x7f: {  	_ =	shalt  }
0x80: {  	_ =	shalt  }
0x81: {  	_ =	shalt  }
0x82: {  	_ =	shalt  }
0x83: {  	_ =	shalt  }
0x84: {  	_ =	shalt  }
0x85: {  	_ =	shalt  }
0x86: {  	_ =	shalt  }
0x87: {  	_ =	shalt  }
.Lfunc_end0:
.L_simem_size_0:
called_computation_lowered:
.L_overlay_start_0:
0x88: {  	s2 =	sld [smem:$0x3FD9]  }
0x89: {  	s3 =	sld [smem:$0x3FFE];
	_ =	sdelay $0x1  }
0x8a: {  	s1 =	srdreg.scid  }
0x8b: {  	s0 =	sand.u32 $0x1, s1  }
0x8c: {  	s17 =	sshll.u32 s0, $0xA;
	s2 =	sadd.s32 s3, s2  }
0x8d: {  	s2 =	sadd.s32 s2, s17  }
0x8e: {  	[smem:$0x3FB6] =	sst s2  }
0x8f: {  	_ = 	snop  }
0x90: {  	(tm) =	ssettm $0x1  }
0x91: {  	s18 =	sld [smem:$0x3FFB];
	_ =	sdelay $0x3  }
0x92: {  	_ =	strace s18  }
0x93: {  	s2 =	sld [smem:$0x3FFC];
	_ =	sdelay $0x3  }
0x94: {  	_ =	strace s2  }
0x95: {  	s2 =	sld [smem:$0x3FFD];
	_ =	sdelay $0x3  }
0x96: {  	_ =	strace s2  }
0x97: {  	_ =	strace $0x8FFFFFFF  }
0x98: {  	s19 =	sld [smem:$0x3FDB];
	_ =	sdelay $0x1  }
0x99: {  	s20 =	simm.s32 $_scs_section_size  }
0x9a: {  	s4 =	simm.s32 $_size__tile_overlayer_lowered;
	s5 =	simm.s32 $_tile_overlayer_lowered  }
0x9b: {  	s6 =	simm.s32 $0x1BFF;
	s21 =	sshll.u32 s5, $0x1;
	s3 =	sadd.s32 s20, s19  }
0x9c: {  	s22 =	simm.s32 $0x0;
	s4 =	sshll.u32 s4, $0x1;
	s5 =	sadd.s32 s21, s3  }
0x9d: {  	[timem:s22], [sflag:s6] =	dma.local [hbm:s5], s4  }
0x9e: {  	_ =	swait.ge [sflag:s6], s4  }
0x9f: {  	s4 =	ssub.s32 $0x0, s4;
	[sflag:s6] =	ssyncset.done $0x0  }
0xa0: {  	[sflag:s6] =	ssyncadd.s32 s4;
	_ =	sdelay $0x1  }
0xa1: {  	s23 =	simm.s32 $0x1B8B  }
0xa2: {  	_ =	swait.ge [sflag:s23], $0x1  }
0xa3: {  	[sflag:s23] =	ssyncset.done $0x0  }
0xa4: {  	[sflag:s23] =	ssyncadd.s32 $0xFFFFFFFF  }
0xa5: {  	s4 =	sld [smem:$0x0]  }
0xa6: {  	s5 =	sand.u32 $0xFFFFFFFE, s1  }
0xa7: {  	p0 =	sne.s32 s1, s5  }
0xa8: {  	s5 =	sshll.u32 @p0 s5, $0xE  }
0xa9: {  	s5 =	sadd.s32 @p0 $0x11B8D, s5;
	s6 =	sshll.u32 @p0 s4, $0x11  }
0xaa: {  	s5 =	sor.u32 @p0 s6, s5  }
0xab: {  	[sflag:s5] =	ssyncadd.remote.s32 @p0 $0x1;
	_ =	sdelay $0x1  }
0xac: {  	s5 =	simm.s32 @p0 $0x1B8D  }
0xad: {  	_ =	swait.eq @p0 [sflag:s5], $0x1  }
0xae: {  	[sflag:s5] =	ssyncadd.s32 @p0 $0xFFFFFFFF  }
0xaf: {  	s6 =	sshll.u32 @!p0 s1, $0xE  }
0xb0: {  	s6 =	sor.u32 @!p0 $0x4000, s6;
	s5 =	simm.s32 @!p0 $0x1B8D  }
0xb1: {  	s4 =	sshll.u32 @!p0 s4, $0x11;
	s6 =	sadd.s32 @!p0 $0x11B8D, s6;
	_ =	swait.eq @!p0 [sflag:s5], $0x1  }
0xb2: {  	s4 =	sor.u32 @!p0 s4, s6;
	[sflag:s5] =	ssyncadd.s32 @!p0 $0xFFFFFFFF  }
0xb3: {  	s25 =	simm.s32 $0x1B8E;
	s24 =	sld [smem:$0x3FFE];
	[sflag:s4] =	ssyncadd.remote.s32 @!p0 $0x1  }
0xb4: {  	s26 =	simm.s32 $execute0_lowered;
	[smem:$0x3FD2] =	sst s25  }
0xb5: {  	s5 =	sshll.u32 s26, $0x1;
	_ =	strace $0x80000049;
	[dreg:$0x1] =	wrdreg $0xFFFFFFFF  }
0xb6: {  	s28 =	simm.s32 $_size_execute0_lowered;
	s3 =	sadd.s32 s3, s5;
	[dreg:$0x0] =	wrdreg $0x0  }
0xb7: {  	s5 =	sshll.u32 s28, $0x1;
	[dreg:$0x2] =	wrdreg s3  }
0xb8: {  	[dreg:$0x3] =	wrdreg s5  }
0xb9: {  	[dreg:$0x4] =	wrdreg $0xC0  }
0xba: {  	_ =	task [dreg:s22], $0x5FFFF  }
0xbb: {  	[dreg:$0x1] =	wrdreg $0xFFFFFFFF  }
0xbc: {  	[dreg:$0x0] =	wrdreg $0x60  }
0xbd: {  	[dreg:$0x2] =	wrdreg s24  }
0xbe: {  	[dreg:$0x3] =	wrdreg $0xA8000  }
0xbf: {  	[dreg:$0x4] =	wrdreg $0x9  }
0xc0: {  	_ =	task.clear_ibuf [dreg:s22], $0x5FFFF;
	_ =	strace $0x90000049  }
0xc1: {  	s29 =	simm.s32 $0x9;
	_ =	strace $0x8000004B  }
0xc2: {  	_ =	swait.ge [sflag:s29], $0x1  }
0xc3: {  	[sflag:s29] =	ssyncadd.s32 $0xFFFFFFFF  }
0xc4: {  	_ =	strace $0x9000004B  }
0xc5: {  	_ =	sfence  }
0xc6: {  	s30 =	sld [smem:$0x0];
	_ =	sdelay $0x2  }
0xc7: {  	s31 =	sshll.u32 s1, $0xD;
	s1 =	sshrl.u32 s1, $0x2  }
0xc8: {  	s4 =	sand.u32 $0x4000, s31;
	s1 =	sadd.s32 s1, s30  }
0xc9: {  	s0 =	sor.u32 s4, s0;
	s1 =	sshll.u32 s1, $0x11  }
0xca: {  	s0 =	sor.u32 s1, s0  }
0xcb: {  	s0 =	sadd.s32 $0x8F2B, s0  }
0xcc: {  	[sflag:s0] =	ssyncadd.remote.s32 $0x1  }
0xcd: {  	_ =	sfence.sel $0xFFFF  }
0xce: {  	[dreg:$0x0] =	wrdreg $0xFFFFFFFF;
	(pc) =	sbr.abs _section_cstart, $3  }
0xcf: {  	[dreg:$0x1] =	wrdreg $0xFFFFFFFF  }
0xd0: {  	_ =	task.clear_ibuf [dreg:s22], $0x2FFFF;
	_ =	strace $0x9FFFFFFF  }
0xd1: {  	(tm) =	ssettm $0x7FFFFFFF  }
tec
execute0_lowered:
.L_overlay_start_1:
0x0: {  	(tag) =	ssettag $0x1  }
0x1: {  	s11 =	rddreg [dreg:$0x0]  }
0x2: {  	s0 =	srdreg.scid;
	s2 =	rddreg [dreg:$0x1]  }
0x3: {  	s1 =	stileid.u32;
	s3 =	simm.s32 $0x0;
	s12 =	simm.s32 $0x99400  }
0x4: {  	s14 =	simm.s32 $0x80;
	s15 =	simm.s32 $0x2800;
	s18 =	simm.s32 $0x0  }
0x5: {  	s8 =	sand.u32 $0x1, s0;
	s0 =	rddreg [dreg:$0x2];
	s5 =	smul.u32 $0x4F000, s1  }
0x6: {  	[smem:$0x7FF] =	sst s3;
	s13 =	smul.u32 $0x2780, s1;
	s16 =	sshll.u32 s1, $0x6  }
0x7: {  	s4 =	sshll.u32 s8, $0x4;
	_ =	strace $0x8000004A;
	s6 =	ssub.s32 $0x2, s8  }
0x8: {  	p0 =	seq.s32 s8, $0x1;
	s4 =	sor.u32 s1, s4;
	s9 =	sshrl.u32 s6, $0x1  }
0x9: {  	s16 =	sor.u32 $0x1C01, s16;
	s4 =	smul.u32 $0x500, s4;
	s10 =	ssub.s32 s6, s9  }
0xa: {  	s5 =	sshrl.u32 s5, $0x2;
	s12 =	simm.s32 @!p0 $0x71C00;
	s10 =	smax.u32 s10, $0x1  }
0xb: {  	s7 =	sadd.s32 s4, s11;
	s4 =	sadd.s32 s5, s2;
	s11 =	sadd.s32 s12, s11  }
0xc: {  	s12 =	simm.s32 $0x1;
	s5 =	sadd.s32 $0x67C00, s7;
	s6 =	sadd.s32 $0x4000, s4  }
0xd: {  	s7 =	sadd.s32 $0x8000, s4;
	s8 =	sadd.s32 $0xC000, s4;
	s9 =	sadd.s32 $0x10000, s4  }
0xe: {  	v0 =	vimm.f32 $1.000000000e+00;
	v1 =	vimm.f32 $0.0e+00;
	s11 =	sadd.s32 s11, s13;
	s13 =	simm.s32 $0x6800;
	s17 =	sshrl.u32 s4, $0x3  }
.LBB2_1:
0xf: {  	[tilespmem:s3], [sflag:$0x1] =	stream.linear.gather [hbm4b:s5+s3], $0x2800, $0x38;
	[tilespmem:$0xCF80] =	vst v63  }
0x10: {  	_ =	swait.ge [sflag:s12], $0x2800  }
0x11: {  	[sflag:s12] =	ssyncset.done $0x0  }
0x12: {  	s19 =	simm.s32 $0x200;
	s20 =	simm.s32 $0x0;
	[sflag:s12] =	ssyncadd.s32 $0xFFFFD800  }
.LBB2_2:
0x13: {  	p0 =	sne.s32 s19, $0xFE00;
	[tilespmem:s20+$0x2800] =	vst v0;
	s21 =	smov.u32 s19;
	s19 =	sadd.s32 $0x200, s19  }
.Ltmp0:
0x14: {  	[tilespmem:s20+$0x6800] =	vst v1;
	(pc) =	sbr.rel @p0 .LBB2_2-.Ltmp0, $2  }
0x15: {  	_ =	sdelay $0x2  }
0x16: {  	s20 =	sshra.s32 s21, $0x2  }
0x17: {  	[tilespmem:s20+$0x2800] =	vst v0  }
0x18: {  	[tilespmem:s20+$0x6800] =	vst v1  }
0x19: {  	[spmem:s4] =	stream.linear.scatter [tilespmem:s13], [sflag:$0x1], $0x4000, $0x38;
	[tilespmem:$0xCF80] =	vst v63  }
0x1a: {  	_ =	swait.ge [sflag:s12], $0x4000  }
0x1b: {  	[sflag:s12] =	ssyncset.done $0x0  }
0x1c: {  	[sflag:s12] =	ssyncadd.s32 $0xFFFFC000  }
0x1d: {  	[spmem:s6] =	stream.linear.scatter [tilespmem:s13], [sflag:$0x1], $0x4000, $0x38;
	[tilespmem:$0xCF80] =	vst v63  }
0x1e: {  	_ =	swait.ge [sflag:s12], $0x4000  }
0x1f: {  	[sflag:s12] =	ssyncset.done $0x0  }
0x20: {  	[sflag:s12] =	ssyncadd.s32 $0xFFFFC000  }
0x21: {  	[spmem:s7] =	stream.linear.scatter [tilespmem:s13], [sflag:$0x1], $0x4000, $0x38;
	[tilespmem:$0xCF80] =	vst v63  }
0x22: {  	_ =	swait.ge [sflag:s12], $0x4000  }
0x23: {  	[sflag:s12] =	ssyncset.done $0x0  }
0x24: {  	[sflag:s12] =	ssyncadd.s32 $0xFFFFC000  }
0x25: {  	[spmem:s8] =	stream.linear.scatter [tilespmem:s13], [sflag:$0x1], $0x4000, $0x38;
	[tilespmem:$0xCF80] =	vst v63  }
0x26: {  	_ =	swait.ge [sflag:s12], $0x4000  }
0x27: {  	[sflag:s12] =	ssyncset.done $0x0  }
0x28: {  	[sflag:s12] =	ssyncadd.s32 $0xFFFFC000  }
0x29: {  	[spmem:s9] =	stream.linear.scatter [tilespmem:s13], [sflag:$0x1], $0x3C00, $0x38;
	[tilespmem:$0xCF80] =	vst v63  }
0x2a: {  	_ =	swait.ge [sflag:s12], $0x3C00  }
0x2b: {  	[sflag:s12] =	ssyncset.done $0x0  }
0x2c: {  	[sflag:s12] =	ssyncadd.s32 $0xFFFFC400  }
0x2d: {  	s19 =	simm.s32 $0x0;
	[bflag:$0x0] =	sbarrier.arrive $0xFFFF  }
0x2e: {  	[spmem:s2] =	stream.indirect.scatter.add.f32 [tilespmem:s15], [sflag:$0x1], $0x10, s19, s14, $0xb8;
	[tilespmem:$0xCF80] =	vst v63  }
0x2f: {  	_ =	swait.ge [sflag:s12], $0x800  }
0x30: {  	s19 =	simm.s32 $0x200;
	[sflag:s12] =	ssyncset.done $0x0  }
.LBB2_4:
0x31: {  	s20 =	sshra.s32 s19, $0x2;
	[sflag:s12] =	ssyncadd.s32 $0xFFFFF800;
	p0 =	sne.s32 s19, $0x9E00  }
0x32: {  	[spmem:s2] =	stream.indirect.scatter.add.f32 [tilespmem:s15], [sflag:$0x1], $0x10, s20, s14, $0xb8;
	[tilespmem:$0xCF80] =	vst v63  }
.Ltmp1:
0x33: {  	_ = 	snop;
	(pc) =	sbr.rel @p0 .LBB2_4-.Ltmp1, $4  }
0x34: {  	_ = 	snop  }
0x35: {  	s19 =	sadd.s32 $0x200, s19  }
0x36: {  	_ =	swait.ge [sflag:s12], $0x800  }
0x37: {  	[sflag:s12] =	ssyncset.done $0x0  }
0x38: {  	s18 =	sadd.s32 $0x1, s18  }
0x39: {  	[sflag:s12] =	ssyncadd.s32 $0xFFFFF800;
	p0 =	sne.s32 s18, s10  }
.Ltmp2:
0x3a: {  	[bflag:$0x0] =	sbarrier.arrive $0xFFFF;
	(pc) =	sbr.rel @p0 .LBB2_1-.Ltmp2, $4  }
0x3b: {  	[hbm:s11], [sflag:s16] =	dma.local [spmem:s17], $0x2780  }
0x3c: {  	_ =	swait.ge [sflag:s12], $0x2780  }
0x3d: {  	[sflag:s12] =	ssyncset.done $0x0  }
0x3e: {  	[sflag:s12] =	ssyncadd.s32 $0xFFFFD880  }
0x3f: {  	_ =	sfence.sel $0x180000  }
0x40: {  	[bflag:$0x0] =	sbarrier.arrive $0xFFFF  }
0x41: {  	p0 =	sne.s32 s1, $0x0;
	_ =	strace $0x9000004A  }
0x42: {  	s0 =	sadd.s32 @!p0 $0x100000, s0;
	[bflag:$0x2] =	sbarrier.arrive $0xFFFF  }
0x43: {  	[sflag:s0] =	ssyncadd.tile.s32 @!p0 $0x1;
	_ =	shalt  }
.Lfunc_end2:
_tile_overlayer_lowered:
.L_overlay_start_2:
0x44: {  	(tag) =	ssettag $0x2  }
0x45: {  	s0 =	rddreg [dreg:$0x0];
	s2 =	stileid.u32  }
0x46: {  	s1 =	rddreg [dreg:$0x1];
	p0 =	sne.s32 s2, $0x0  }
0x47: {  	s3 =	rddreg [dreg:$0x2];
	[bflag:$0x3] =	sbarrier.arrive $0xFFFF;
	s2 =	simm.s32 @!p0 $0x1C01  }
0x48: {  	[timem:s3], [sflag:s2] =	dma.local @!p0 [hbm:s0], s1  }
0x49: {  	s0 =	simm.s32 @!p0 $0x1  }
0x4a: {  	_ =	swait.ge @!p0 [sflag:s0], s1  }
0x4b: {  	s1 =	ssub.s32 @!p0 $0x0, s1;
	[sflag:s0] =	ssyncset.done @!p0 $0x0  }
0x4c: {  	[sflag:s0] =	ssyncadd.s32 @!p0 s1  }
0x4d: {  	[bflag:$0x3] =	sbarrier.arrive $0xFFFF  }
0x4e: {  	_ =	shalt  }

</sc_bundles>
